<compile_context>
chip_gen: v7x
topology: tpu7x:2x2x1
jax: 0.10.2.dev20260603
libtpu: 0.0.44.dev20260713+nightly
codegen_flags: <defaults>
</compile_context>

<pallas_src>
import functools
import jax
import jax.numpy as jnp
from jax import lax
from jax.experimental import pallas as pl
from jax.experimental.pallas import tpu as pltpu
from jax.experimental.pallas import tpu_sc as plsc

_INC = 512.0 / 16000.0
_NWT = 64
_WTLEN = 512


def _phase_body(pitch_ref, pitch0_ref, env_ref, att_ref, il_ref, ih_ref,
                e1_ref, e2_ref, attp_ref, carry_ref):
    T = pitch_ref.shape[-1]
    t = pl.program_id(1)

    @pl.when(t == 0)
    def _():
        carry_ref[...] = jnp.zeros_like(carry_ref)

    inc = pitch_ref[0, 0] * _INC
    s = inc
    k = 1
    while k < T:
        s = s + jnp.concatenate(
            [jnp.zeros((1, k), jnp.float32), s[:, : T - k]], axis=1
        )
        k *= 2
    carry = carry_ref[0:1, 0:1]
    s = s + carry
    carry_ref[0:1, 0:1] = s[:, T - 1 : T]

    index = s - pitch0_ref[0, 0] * _INC
    index = jnp.remainder(index, float(_WTLEN))
    index = jnp.where(float(_WTLEN) - index < 1e-5, 0.0, index)
    fl = jnp.floor(index)
    alpha = index - fl
    fh = jnp.where(fl >= float(_WTLEN - 1), fl - float(_WTLEN - 1), fl + 1.0)
    env = env_ref[0, 0]
    il_ref[0, 0] = fl.astype(jnp.int32)
    ih_ref[0, 0] = fh.astype(jnp.int32)
    e1_ref[0, 0] = env * (1.0 - alpha)
    e2_ref[0, 0] = env * alpha
    a = att_ref[0, 0]
    attp_ref[0, 0] = jnp.concatenate(
        [a, jnp.zeros((a.shape[0], 1), jnp.float32)], axis=1
    )


def _phase(pitch, envelope, attention):
    B, L, _ = pitch.shape
    T = 9600 if L % 9600 == 0 else L
    NT = L // T
    p2 = pitch.reshape(B, NT, 1, T)
    e2 = envelope.reshape(B, NT, 1, T)
    a4 = attention.reshape(B, NT, T, _NWT)
    spec = pl.BlockSpec((1, 1, 1, T), lambda b, t: (b, t, 0, 0))
    spec0 = pl.BlockSpec((1, 1, 1, T), lambda b, t: (0, t, 0, 0))
    aspec = pl.BlockSpec((1, 1, T, _NWT), lambda b, t: (b, t, 0, 0))
    apspec = pl.BlockSpec((1, 1, T, _NWT + 1), lambda b, t: (b, t, 0, 0))
    shp = jax.ShapeDtypeStruct((B, NT, 1, T), jnp.float32)
    shpi = jax.ShapeDtypeStruct((B, NT, 1, T), jnp.int32)
    shpa = jax.ShapeDtypeStruct((B, NT, T, _NWT + 1), jnp.float32)
    return pl.pallas_call(
        _phase_body,
        grid=(B, NT),
        in_specs=[spec, spec0, spec, aspec],
        out_specs=[spec, spec, spec, spec, apspec],
        out_shape=[shpi, shpi, shp, shp, shpa],
        scratch_shapes=[pltpu.VMEM((8, 128), jnp.float32)],
    )(p2, p2, e2, a4)


_NB = 960
_NI = _NB // 16


def _make_sc_mix(BL):
    info = plsc.get_sparse_core_info()
    NW = info.num_cores * info.num_subcores
    per = BL // NW
    nblk = per // _NB
    mesh = plsc.VectorSubcoreMesh(core_axis_name="c", subcore_axis_name="s")

    @functools.partial(
        pl.kernel,
        mesh=mesh,
        out_type=jax.ShapeDtypeStruct((BL,), jnp.float32),
        compiler_params=pltpu.CompilerParams(needs_layout_passes=False),
        scratch_types=[
            pltpu.VMEM((_WTLEN * 65,), jnp.float32),
            pltpu.VMEM((_NB * 65,), jnp.float32),
            pltpu.VMEM((_NB,), jnp.int32),
            pltpu.VMEM((_NB,), jnp.int32),
            pltpu.VMEM((_NB,), jnp.float32),
            pltpu.VMEM((_NB,), jnp.float32),
            pltpu.VMEM((_NB,), jnp.float32),
        ],
    )
    def mix(w_hbm, att_hbm, il_hbm, ih_hbm, e1_hbm, e2_hbm, out_hbm,
            tbl_v, att_v, il_v, ih_v, e1_v, e2_v, out_v):
        wid = lax.axis_index("s") * info.num_cores + lax.axis_index("c")
        base = wid * per
        pltpu.sync_copy(w_hbm, tbl_v)

        def block(b, c):
            off = base + b * _NB
            pltpu.sync_copy(att_hbm.at[pl.ds(off * 65, _NB * 65)], att_v)
            pltpu.sync_copy(il_hbm.at[pl.ds(off, _NB)], il_v)
            pltpu.sync_copy(ih_hbm.at[pl.ds(off, _NB)], ih_v)
            pltpu.sync_copy(e1_hbm.at[pl.ds(off, _NB)], e1_v)
            pltpu.sync_copy(e2_hbm.at[pl.ds(off, _NB)], e2_v)

            def group(i, c2):
                lanes = lax.iota(jnp.int32, 16)
                ilv = il_v[pl.ds(i * 16, 16)] * 65
                ihv = ih_v[pl.ds(i * 16, 16)] * 65
                attb = lanes * 65 + i * (16 * 65)
                acc_lo = jnp.zeros((16,), jnp.float32)
                acc_hi = jnp.zeros((16,), jnp.float32)
                for n in range(_NWT):
                    attn = plsc.load_gather(att_v, [attb + n])
                    lo = plsc.load_gather(tbl_v, [ilv + n])
                    hi = plsc.load_gather(tbl_v, [ihv + n])
                    acc_lo = acc_lo + attn * lo
                    acc_hi = acc_hi + attn * hi
                e1v = e1_v[pl.ds(i * 16, 16)]
                e2v = e2_v[pl.ds(i * 16, 16)]
                out_v[pl.ds(i * 16, 16)] = e1v * acc_lo + e2v * acc_hi
                return c2

            lax.fori_loop(0, _NI, group, 0)
            pltpu.sync_copy(out_v, out_hbm.at[pl.ds(off, _NB)])
            return c

        lax.fori_loop(0, nblk, block, 0)

    return mix


def kernel(pitch, envelope, attention, W):
    B, L, _ = pitch.shape
    BL = B * L
    il, ih, e1, e2, attp = _phase(pitch, envelope, attention)
    il = il.reshape(BL)
    ih = ih.reshape(BL)
    e1 = e1.reshape(BL)
    e2 = e2.reshape(BL)
    att = attp.reshape(BL * 65)
    wflat = jnp.pad(W.T, ((0, 0), (0, 1))).reshape(_WTLEN * 65)
    out = _make_sc_mix(BL)(wflat, att, il, ih, e1, e2)
    return out.reshape(B, L, 1)

# --- scband reference (transcript-rebuilt; emitter-appended) ---
"""Pipeline reference for scband-wavetable-synth-83915071029280 (READ-ONLY COPY).

The authoritative reference and input builder live on the scoring server;
editing this copy changes nothing except your own understanding.
"""

import jax, jax.numpy as jnp
import numpy as np

N_WT = 64
WT_LEN = 512
SR = 16000
B = 16
L = 48000


def _make_wavetables(key):
    i = jnp.arange(WT_LEN, dtype=jnp.float32)
    sins = jnp.stack([jnp.sin(c * 2.0 * jnp.pi * i / WT_LEN) for c in (1, 2, 3, 4)], axis=0)
    rest = jax.random.normal(key, (N_WT - 4, WT_LEN), dtype=jnp.float32) * 0.01
    return jnp.concatenate([sins, rest], axis=0)


def setup_inputs(seed: int = 0) -> dict:
    key = jax.random.key(seed)
    k1, k2, k3, k4 = jax.random.split(key, 4)
    pitch = jax.random.normal(k1, (B, L, 1), dtype=jnp.float32)
    envelope = jax.random.uniform(k2, (B, L, 1), dtype=jnp.float32)
    attention = jax.random.uniform(k3, (B, L, N_WT), dtype=jnp.float32)
    W = _make_wavetables(k4)
    return {"pitch": pitch, "envelope": envelope, "attention": attention, "W": W}


def _wavetable_osc(wt, freqs, sr):
    freqs = jnp.squeeze(freqs)
    L_wt = wt.shape[0]
    increment = (L_wt / sr) * freqs
    index = jnp.cumsum(increment, axis=1) - increment[0]
    index = jnp.remainder(index, L_wt)
    index = jnp.where(L_wt - index < 1e-05, 0.0, index)
    index_low = jnp.floor(index)
    index_high = jnp.ceil(index)
    alpha = index - index_low
    il = index_low.astype(jnp.int32)
    ih = index_high.astype(jnp.int32) % L_wt
    return wt[il] + alpha * (wt[ih] - wt[il])


def reference(pitch, envelope, attention, W):
    # one oscillator per wavetable, stacked along last dim
    outs = jax.vmap(lambda wt: _wavetable_osc(wt, pitch, SR))(W)  # [N_WT, B, L]
    output_waveform = jnp.transpose(outs, (1, 2, 0))  # [B, L, N_WT]
    output_waveform = output_waveform * attention
    output_waveform = jnp.sum(output_waveform, axis=2, keepdims=True)
    output_waveform = output_waveform * envelope
    return output_waveform

if __name__ == "__main__":
    import jax
    _d = setup_inputs()
    print(jax.jit(kernel)(*tuple(_d.values())))

</pallas_src>

<mosaic_0001>
#map = affine_map<(d0, d1) -> (0)>
module attributes {stable_mosaic.version = 14 : i64} {
  func.func @mix(%arg0: i32, %arg1: i32, %arg2: memref<33280xf32, #tpu.memory_space<hbm>>, %arg3: memref<49920000xf32, #tpu.memory_space<hbm>>, %arg4: memref<768000xi32, #tpu.memory_space<hbm>>, %arg5: memref<768000xi32, #tpu.memory_space<hbm>>, %arg6: memref<768000xf32, #tpu.memory_space<hbm>>, %arg7: memref<768000xf32, #tpu.memory_space<hbm>>, %arg8: memref<768000xf32, #tpu.memory_space<hbm>>, %arg9: memref<33280xf32, #tpu.memory_space<vmem>>, %arg10: memref<62400xf32, #tpu.memory_space<vmem>>, %arg11: memref<960xi32, #tpu.memory_space<vmem>>, %arg12: memref<960xi32, #tpu.memory_space<vmem>>, %arg13: memref<960xf32, #tpu.memory_space<vmem>>, %arg14: memref<960xf32, #tpu.memory_space<vmem>>, %arg15: memref<960xf32, #tpu.memory_space<vmem>>) attributes {dimension_semantics = [#tpu.dimension_semantics<core_parallel>, #tpu.dimension_semantics<subcore_parallel>], iteration_bounds = array<i64: 2, 16>, scalar_prefetch = 0 : i64, scratch_operands = 7 : i64, tpu.core_type = #tpu.core_type<sc_vector_subcore>, window_params = [{transform_indices = #map}, {transform_indices = #map}, {transform_indices = #map}, {transform_indices = #map}, {transform_indices = #map}, {transform_indices = #map}, {transform_indices = #map}]} {
    %mul3A = arith.constant 2 : i32
    %mul3A_0 = arith.muli %arg1, %mul3A : i32
    %add3A = arith.addi %mul3A_0, %arg0 : i32
    %mul3A_1 = arith.constant 24000 : i32
    %mul3A_2 = arith.muli %add3A, %mul3A_1 : i32
    "tpu.region"() ({
      %run_scoped3A = tpu.sem_alloc : memref<!tpu.dma_semaphore, #tpu.memory_space<semaphore_mem>>
      tpu.enqueue_dma source(%arg2 : memref<33280xf32, #tpu.memory_space<hbm>>) target(%arg9 : memref<33280xf32, #tpu.memory_space<vmem>>) target_semaphore(%run_scoped3A : memref<!tpu.dma_semaphore, #tpu.memory_space<semaphore_mem>>)
      tpu.wait_dma2 semaphore(%run_scoped3A : memref<!tpu.dma_semaphore, #tpu.memory_space<semaphore_mem>>) src(%arg2 : memref<33280xf32, #tpu.memory_space<hbm>>) dst(%arg9 : memref<33280xf32, #tpu.memory_space<vmem>>)
      tpu.yield
    }) : () -> ()
    %scan3A = arith.constant 0 : i32
    %scan3A_3 = arith.constant 0 : i32
    %scan3A_4 = arith.constant 25 : i32
    %scan3A_5 = arith.addi %scan3A_3, %scan3A_4 : i32
    %scan3A_6 = arith.constant 1 : i32
    scf.for %scan3A_8 = %scan3A_3 to %scan3A_5 step %scan3A_6  : i32 {
      %mul3A_9 = arith.constant 960 : i32
      %mul3A_10 = arith.muli %scan3A_8, %mul3A_9 : i32
      %add3A_11 = arith.addi %mul3A_2, %mul3A_10 : i32
      %mul3A_12 = arith.constant 65 : i32
      %mul3A_13 = arith.muli %add3A_11, %mul3A_12 : i32
      "tpu.region"() ({
        %run_scoped3A = tpu.sem_alloc : memref<!tpu.dma_semaphore, #tpu.memory_space<semaphore_mem>>
        %dma_start3A = tpu.memref_slice %arg3[%mul3A_13] : memref<49920000xf32, #tpu.memory_space<hbm>> -> memref<62400xf32, #tpu.memory_space<hbm>>
        %dma_start3A_20 = tpu.memref_slice %arg3[%mul3A_13] : memref<49920000xf32, #tpu.memory_space<hbm>> -> memref<62400xf32, #tpu.memory_space<hbm>>
        tpu.enqueue_dma source(%dma_start3A_20 : memref<62400xf32, #tpu.memory_space<hbm>>) target(%arg10 : memref<62400xf32, #tpu.memory_space<vmem>>) target_semaphore(%run_scoped3A : memref<!tpu.dma_semaphore, #tpu.memory_space<semaphore_mem>>)
        %dma_wait3A = tpu.memref_slice %arg3[%mul3A_13] : memref<49920000xf32, #tpu.memory_space<hbm>> -> memref<62400xf32, #tpu.memory_space<hbm>>
        %dma_wait3A_21 = tpu.memref_slice %arg3[%mul3A_13] : memref<49920000xf32, #tpu.memory_space<hbm>> -> memref<62400xf32, #tpu.memory_space<hbm>>
        tpu.wait_dma2 semaphore(%run_scoped3A : memref<!tpu.dma_semaphore, #tpu.memory_space<semaphore_mem>>) src(%dma_wait3A_21 : memref<62400xf32, #tpu.memory_space<hbm>>) dst(%arg10 : memref<62400xf32, #tpu.memory_space<vmem>>)
        tpu.yield
      }) : () -> ()
      "tpu.region"() ({
        %run_scoped3A = tpu.sem_alloc : memref<!tpu.dma_semaphore, #tpu.memory_space<semaphore_mem>>
        %dma_start3A = tpu.memref_slice %arg4[%add3A_11] : memref<768000xi32, #tpu.memory_space<hbm>> -> memref<960xi32, #tpu.memory_space<hbm>>
        %dma_start3A_20 = tpu.memref_slice %arg4[%add3A_11] : memref<768000xi32, #tpu.memory_space<hbm>> -> memref<960xi32, #tpu.memory_space<hbm>>
        tpu.enqueue_dma source(%dma_start3A_20 : memref<960xi32, #tpu.memory_space<hbm>>) target(%arg11 : memref<960xi32, #tpu.memory_space<vmem>>) target_semaphore(%run_scoped3A : memref<!tpu.dma_semaphore, #tpu.memory_space<semaphore_mem>>)
        %dma_wait3A = tpu.memref_slice %arg4[%add3A_11] : memref<768000xi32, #tpu.memory_space<hbm>> -> memref<960xi32, #tpu.memory_space<hbm>>
        %dma_wait3A_21 = tpu.memref_slice %arg4[%add3A_11] : memref<768000xi32, #tpu.memory_space<hbm>> -> memref<960xi32, #tpu.memory_space<hbm>>
        tpu.wait_dma2 semaphore(%run_scoped3A : memref<!tpu.dma_semaphore, #tpu.memory_space<semaphore_mem>>) src(%dma_wait3A_21 : memref<960xi32, #tpu.memory_space<hbm>>) dst(%arg11 : memref<960xi32, #tpu.memory_space<vmem>>)
        tpu.yield
      }) : () -> ()
      "tpu.region"() ({
        %run_scoped3A = tpu.sem_alloc : memref<!tpu.dma_semaphore, #tpu.memory_space<semaphore_mem>>
        %dma_start3A = tpu.memref_slice %arg5[%add3A_11] : memref<768000xi32, #tpu.memory_space<hbm>> -> memref<960xi32, #tpu.memory_space<hbm>>
        %dma_start3A_20 = tpu.memref_slice %arg5[%add3A_11] : memref<768000xi32, #tpu.memory_space<hbm>> -> memref<960xi32, #tpu.memory_space<hbm>>
        tpu.enqueue_dma source(%dma_start3A_20 : memref<960xi32, #tpu.memory_space<hbm>>) target(%arg12 : memref<960xi32, #tpu.memory_space<vmem>>) target_semaphore(%run_scoped3A : memref<!tpu.dma_semaphore, #tpu.memory_space<semaphore_mem>>)
        %dma_wait3A = tpu.memref_slice %arg5[%add3A_11] : memref<768000xi32, #tpu.memory_space<hbm>> -> memref<960xi32, #tpu.memory_space<hbm>>
        %dma_wait3A_21 = tpu.memref_slice %arg5[%add3A_11] : memref<768000xi32, #tpu.memory_space<hbm>> -> memref<960xi32, #tpu.memory_space<hbm>>
        tpu.wait_dma2 semaphore(%run_scoped3A : memref<!tpu.dma_semaphore, #tpu.memory_space<semaphore_mem>>) src(%dma_wait3A_21 : memref<960xi32, #tpu.memory_space<hbm>>) dst(%arg12 : memref<960xi32, #tpu.memory_space<vmem>>)
        tpu.yield
      }) : () -> ()
      "tpu.region"() ({
        %run_scoped3A = tpu.sem_alloc : memref<!tpu.dma_semaphore, #tpu.memory_space<semaphore_mem>>
        %dma_start3A = tpu.memref_slice %arg6[%add3A_11] : memref<768000xf32, #tpu.memory_space<hbm>> -> memref<960xf32, #tpu.memory_space<hbm>>
        %dma_start3A_20 = tpu.memref_slice %arg6[%add3A_11] : memref<768000xf32, #tpu.memory_space<hbm>> -> memref<960xf32, #tpu.memory_space<hbm>>
        tpu.enqueue_dma source(%dma_start3A_20 : memref<960xf32, #tpu.memory_space<hbm>>) target(%arg13 : memref<960xf32, #tpu.memory_space<vmem>>) target_semaphore(%run_scoped3A : memref<!tpu.dma_semaphore, #tpu.memory_space<semaphore_mem>>)
        %dma_wait3A = tpu.memref_slice %arg6[%add3A_11] : memref<768000xf32, #tpu.memory_space<hbm>> -> memref<960xf32, #tpu.memory_space<hbm>>
        %dma_wait3A_21 = tpu.memref_slice %arg6[%add3A_11] : memref<768000xf32, #tpu.memory_space<hbm>> -> memref<960xf32, #tpu.memory_space<hbm>>
        tpu.wait_dma2 semaphore(%run_scoped3A : memref<!tpu.dma_semaphore, #tpu.memory_space<semaphore_mem>>) src(%dma_wait3A_21 : memref<960xf32, #tpu.memory_space<hbm>>) dst(%arg13 : memref<960xf32, #tpu.memory_space<vmem>>)
        tpu.yield
      }) : () -> ()
      "tpu.region"() ({
        %run_scoped3A = tpu.sem_alloc : memref<!tpu.dma_semaphore, #tpu.memory_space<semaphore_mem>>
        %dma_start3A = tpu.memref_slice %arg7[%add3A_11] : memref<768000xf32, #tpu.memory_space<hbm>> -> memref<960xf32, #tpu.memory_space<hbm>>
        %dma_start3A_20 = tpu.memref_slice %arg7[%add3A_11] : memref<768000xf32, #tpu.memory_space<hbm>> -> memref<960xf32, #tpu.memory_space<hbm>>
        tpu.enqueue_dma source(%dma_start3A_20 : memref<960xf32, #tpu.memory_space<hbm>>) target(%arg14 : memref<960xf32, #tpu.memory_space<vmem>>) target_semaphore(%run_scoped3A : memref<!tpu.dma_semaphore, #tpu.memory_space<semaphore_mem>>)
        %dma_wait3A = tpu.memref_slice %arg7[%add3A_11] : memref<768000xf32, #tpu.memory_space<hbm>> -> memref<960xf32, #tpu.memory_space<hbm>>
        %dma_wait3A_21 = tpu.memref_slice %arg7[%add3A_11] : memref<768000xf32, #tpu.memory_space<hbm>> -> memref<960xf32, #tpu.memory_space<hbm>>
        tpu.wait_dma2 semaphore(%run_scoped3A : memref<!tpu.dma_semaphore, #tpu.memory_space<semaphore_mem>>) src(%dma_wait3A_21 : memref<960xf32, #tpu.memory_space<hbm>>) dst(%arg14 : memref<960xf32, #tpu.memory_space<vmem>>)
        tpu.yield
      }) : () -> ()
      %scan3A_14 = arith.constant 0 : i32
      %scan3A_15 = arith.constant 0 : i32
      %scan3A_16 = arith.constant 60 : i32
      %scan3A_17 = arith.addi %scan3A_15, %scan3A_16 : i32
      %scan3A_18 = arith.constant 1 : i32
      scf.for %scan3A_20 = %scan3A_15 to %scan3A_17 step %scan3A_18  : i32 {
        %iota3A = tpu.iota {dimensions = array<i32: 0>} : vector<16xi32>
        %mul3A_21 = arith.constant 16 : i32
        %mul3A_22 = arith.muli %scan3A_20, %mul3A_21 : i32
        %get3A = arith.index_cast %mul3A_22 : i32 to index
        %get3A_23 = tpu.vector_load %arg11[%get3A] {strides = array<i32>} : memref<960xi32, #tpu.memory_space<vmem>>, vector<16xi32>,
        %mul3A_24 = arith.constant 65 : i32
        %mul3A_25 = vector.broadcast %mul3A_24 : i32 to vector<16xi32>
        %mul3A_26 = arith.muli %get3A_23, %mul3A_25 : vector<16xi32>
        %mul3A_27 = arith.constant 16 : i32
        %mul3A_28 = arith.muli %scan3A_20, %mul3A_27 : i32
        %get3A_29 = arith.index_cast %mul3A_28 : i32 to index
        %get3A_30 = tpu.vector_load %arg12[%get3A_29] {strides = array<i32>} : memref<960xi32, #tpu.memory_space<vmem>>, vector<16xi32>,
        %mul3A_31 = arith.constant 65 : i32
        %mul3A_32 = vector.broadcast %mul3A_31 : i32 to vector<16xi32>
        %mul3A_33 = arith.muli %get3A_30, %mul3A_32 : vector<16xi32>
        %mul3A_34 = arith.constant 65 : i32
        %mul3A_35 = vector.broadcast %mul3A_34 : i32 to vector<16xi32>
        %mul3A_36 = arith.muli %iota3A, %mul3A_35 : vector<16xi32>
        %mul3A_37 = arith.constant 1040 : i32
        %mul3A_38 = arith.muli %scan3A_20, %mul3A_37 : i32
        %add3A_39 = vector.broadcast %mul3A_38 : i32 to vector<16xi32>
        %add3A_40 = arith.addi %mul3A_36, %add3A_39 : vector<16xi32>
        %broadcast_in_dim3A = arith.constant 0.000000e+00 : f32
        %broadcast_in_dim3A_41 = vector.broadcast %broadcast_in_dim3A : f32 to vector<16xf32>
        %broadcast_in_dim3A_42 = arith.constant 0.000000e+00 : f32
        %broadcast_in_dim3A_43 = vector.broadcast %broadcast_in_dim3A_42 : f32 to vector<16xf32>
        %add3A_44 = arith.constant 0 : i32
        %add3A_45 = vector.broadcast %add3A_44 : i32 to vector<16xi32>
        %add3A_46 = arith.addi %add3A_40, %add3A_45 : vector<16xi32>
        %gather3A = tpu.vector_load_idx %arg10[%add3A_46] : memref<62400xf32, #tpu.memory_space<vmem>>[vector<16xi32>], vector<16xf32>,
        %add3A_47 = arith.constant 0 : i32
        %add3A_48 = vector.broadcast %add3A_47 : i32 to vector<16xi32>
        %add3A_49 = arith.addi %mul3A_26, %add3A_48 : vector<16xi32>
        %gather3A_50 = tpu.vector_load_idx %arg9[%add3A_49] : memref<33280xf32, #tpu.memory_space<vmem>>[vector<16xi32>], vector<16xf32>,
        %add3A_51 = arith.constant 0 : i32
        %add3A_52 = vector.broadcast %add3A_51 : i32 to vector<16xi32>
        %add3A_53 = arith.addi %mul3A_33, %add3A_52 : vector<16xi32>
        %gather3A_54 = tpu.vector_load_idx %arg9[%add3A_53] : memref<33280xf32, #tpu.memory_space<vmem>>[vector<16xi32>], vector<16xf32>,
        %mul3A_55 = arith.mulf %gather3A, %gather3A_50 : vector<16xf32>
        %add3A_56 = arith.addf %broadcast_in_dim3A_41, %mul3A_55 : vector<16xf32>
        %mul3A_57 = arith.mulf %gather3A, %gather3A_54 : vector<16xf32>
        %add3A_58 = arith.addf %broadcast_in_dim3A_43, %mul3A_57 : vector<16xf32>
        %add3A_59 = arith.constant 1 : i32
        %add3A_60 = vector.broadcast %add3A_59 : i32 to vector<16xi32>
        %add3A_61 = arith.addi %add3A_40, %add3A_60 : vector<16xi32>
        %gather3A_62 = tpu.vector_load_idx %arg10[%add3A_61] : memref<62400xf32, #tpu.memory_space<vmem>>[vector<16xi32>], vector<16xf32>,
        %add3A_63 = arith.constant 1 : i32
        %add3A_64 = vector.broadcast %add3A_63 : i32 to vector<16xi32>
        %add3A_65 = arith.addi %mul3A_26, %add3A_64 : vector<16xi32>
        %gather3A_66 = tpu.vector_load_idx %arg9[%add3A_65] : memref<33280xf32, #tpu.memory_space<vmem>>[vector<16xi32>], vector<16xf32>,
        %add3A_67 = arith.constant 1 : i32
        %add3A_68 = vector.broadcast %add3A_67 : i32 to vector<16xi32>
        %add3A_69 = arith.addi %mul3A_33, %add3A_68 : vector<16xi32>
        %gather3A_70 = tpu.vector_load_idx %arg9[%add3A_69] : memref<33280xf32, #tpu.memory_space<vmem>>[vector<16xi32>], vector<16xf32>,
        %mul3A_71 = arith.mulf %gather3A_62, %gather3A_66 : vector<16xf32>
        %add3A_72 = arith.addf %add3A_56, %mul3A_71 : vector<16xf32>
        %mul3A_73 = arith.mulf %gather3A_62, %gather3A_70 : vector<16xf32>
        %add3A_74 = arith.addf %add3A_58, %mul3A_73 : vector<16xf32>
        %add3A_75 = arith.constant 2 : i32
        %add3A_76 = vector.broadcast %add3A_75 : i32 to vector<16xi32>
        %add3A_77 = arith.addi %add3A_40, %add3A_76 : vector<16xi32>
        %gather3A_78 = tpu.vector_load_idx %arg10[%add3A_77] : memref<62400xf32, #tpu.memory_space<vmem>>[vector<16xi32>], vector<16xf32>,
        %add3A_79 = arith.constant 2 : i32
        %add3A_80 = vector.broadcast %add3A_79 : i32 to vector<16xi32>
        %add3A_81 = arith.addi %mul3A_26, %add3A_80 : vector<16xi32>
        %gather3A_82 = tpu.vector_load_idx %arg9[%add3A_81] : memref<33280xf32, #tpu.memory_space<vmem>>[vector<16xi32>], vector<16xf32>,
        %add3A_83 = arith.constant 2 : i32
        %add3A_84 = vector.broadcast %add3A_83 : i32 to vector<16xi32>
        %add3A_85 = arith.addi %mul3A_33, %add3A_84 : vector<16xi32>
        %gather3A_86 = tpu.vector_load_idx %arg9[%add3A_85] : memref<33280xf32, #tpu.memory_space<vmem>>[vector<16xi32>], vector<16xf32>,
        %mul3A_87 = arith.mulf %gather3A_78, %gather3A_82 : vector<16xf32>
        %add3A_88 = arith.addf %add3A_72, %mul3A_87 : vector<16xf32>
        %mul3A_89 = arith.mulf %gather3A_78, %gather3A_86 : vector<16xf32>
        %add3A_90 = arith.addf %add3A_74, %mul3A_89 : vector<16xf32>
        %add3A_91 = arith.constant 3 : i32
        %add3A_92 = vector.broadcast %add3A_91 : i32 to vector<16xi32>
        %add3A_93 = arith.addi %add3A_40, %add3A_92 : vector<16xi32>
        %gather3A_94 = tpu.vector_load_idx %arg10[%add3A_93] : memref<62400xf32, #tpu.memory_space<vmem>>[vector<16xi32>], vector<16xf32>,
        %add3A_95 = arith.constant 3 : i32
        %add3A_96 = vector.broadcast %add3A_95 : i32 to vector<16xi32>
        %add3A_97 = arith.addi %mul3A_26, %add3A_96 : vector<16xi32>
        %gather3A_98 = tpu.vector_load_idx %arg9[%add3A_97] : memref<33280xf32, #tpu.memory_space<vmem>>[vector<16xi32>], vector<16xf32>,
        %add3A_99 = arith.constant 3 : i32
        %add3A_100 = vector.broadcast %add3A_99 : i32 to vector<16xi32>
        %add3A_101 = arith.addi %mul3A_33, %add3A_100 : vector<16xi32>
        %gather3A_102 = tpu.vector_load_idx %arg9[%add3A_101] : memref<33280xf32, #tpu.memory_space<vmem>>[vector<16xi32>], vector<16xf32>,
        %mul3A_103 = arith.mulf %gather3A_94, %gather3A_98 : vector<16xf32>
        %add3A_104 = arith.addf %add3A_88, %mul3A_103 : vector<16xf32>
        %mul3A_105 = arith.mulf %gather3A_94, %gather3A_102 : vector<16xf32>
        %add3A_106 = arith.addf %add3A_90, %mul3A_105 : vector<16xf32>
        %add3A_107 = arith.constant 4 : i32
        %add3A_108 = vector.broadcast %add3A_107 : i32 to vector<16xi32>
        %add3A_109 = arith.addi %add3A_40, %add3A_108 : vector<16xi32>
        %gather3A_110 = tpu.vector_load_idx %arg10[%add3A_109] : memref<62400xf32, #tpu.memory_space<vmem>>[vector<16xi32>], vector<16xf32>,
        %add3A_111 = arith.constant 4 : i32
        %add3A_112 = vector.broadcast %add3A_111 : i32 to vector<16xi32>
        %add3A_113 = arith.addi %mul3A_26, %add3A_112 : vector<16xi32>
        %gather3A_114 = tpu.vector_load_idx %arg9[%add3A_113] : memref<33280xf32, #tpu.memory_space<vmem>>[vector<16xi32>], vector<16xf32>,
        %add3A_115 = arith.constant 4 : i32
        %add3A_116 = vector.broadcast %add3A_115 : i32 to vector<16xi32>
        %add3A_117 = arith.addi %mul3A_33, %add3A_116 : vector<16xi32>
        %gather3A_118 = tpu.vector_load_idx %arg9[%add3A_117] : memref<33280xf32, #tpu.memory_space<vmem>>[vector<16xi32>], vector<16xf32>,
        %mul3A_119 = arith.mulf %gather3A_110, %gather3A_114 : vector<16xf32>
        %add3A_120 = arith.addf %add3A_104, %mul3A_119 : vector<16xf32>
        %mul3A_121 = arith.mulf %gather3A_110, %gather3A_118 : vector<16xf32>
        %add3A_122 = arith.addf %add3A_106, %mul3A_121 : vector<16xf32>
        %add3A_123 = arith.constant 5 : i32
        %add3A_124 = vector.broadcast %add3A_123 : i32 to vector<16xi32>
        %add3A_125 = arith.addi %add3A_40, %add3A_124 : vector<16xi32>
        %gather3A_126 = tpu.vector_load_idx %arg10[%add3A_125] : memref<62400xf32, #tpu.memory_space<vmem>>[vector<16xi32>], vector<16xf32>,
        %add3A_127 = arith.constant 5 : i32
        %add3A_128 = vector.broadcast %add3A_127 : i32 to vector<16xi32>
        %add3A_129 = arith.addi %mul3A_26, %add3A_128 : vector<16xi32>
        %gather3A_130 = tpu.vector_load_idx %arg9[%add3A_129] : memref<33280xf32, #tpu.memory_space<vmem>>[vector<16xi32>], vector<16xf32>,
        %add3A_131 = arith.constant 5 : i32
        %add3A_132 = vector.broadcast %add3A_131 : i32 to vector<16xi32>
        %add3A_133 = arith.addi %mul3A_33, %add3A_132 : vector<16xi32>
        %gather3A_134 = tpu.vector_load_idx %arg9[%add3A_133] : memref<33280xf32, #tpu.memory_space<vmem>>[vector<16xi32>], vector<16xf32>,
        %mul3A_135 = arith.mulf %gather3A_126, %gather3A_130 : vector<16xf32>
        %add3A_136 = arith.addf %add3A_120, %mul3A_135 : vector<16xf32>
        %mul3A_137 = arith.mulf %gather3A_126, %gather3A_134 : vector<16xf32>
        %add3A_138 = arith.addf %add3A_122, %mul3A_137 : vector<16xf32>
        %add3A_139 = arith.constant 6 : i32
        %add3A_140 = vector.broadcast %add3A_139 : i32 to vector<16xi32>
        %add3A_141 = arith.addi %add3A_40, %add3A_140 : vector<16xi32>
        %gather3A_142 = tpu.vector_load_idx %arg10[%add3A_141] : memref<62400xf32, #tpu.memory_space<vmem>>[vector<16xi32>], vector<16xf32>,
        %add3A_143 = arith.constant 6 : i32
        %add3A_144 = vector.broadcast %add3A_143 : i32 to vector<16xi32>
        %add3A_145 = arith.addi %mul3A_26, %add3A_144 : vector<16xi32>
        %gather3A_146 = tpu.vector_load_idx %arg9[%add3A_145] : memref<33280xf32, #tpu.memory_space<vmem>>[vector<16xi32>], vector<16xf32>,
        %add3A_147 = arith.constant 6 : i32
        %add3A_148 = vector.broadcast %add3A_147 : i32 to vector<16xi32>
        %add3A_149 = arith.addi %mul3A_33, %add3A_148 : vector<16xi32>
        %gather3A_150 = tpu.vector_load_idx %arg9[%add3A_149] : memref<33280xf32, #tpu.memory_space<vmem>>[vector<16xi32>], vector<16xf32>,
        %mul3A_151 = arith.mulf %gather3A_142, %gather3A_146 : vector<16xf32>
        %add3A_152 = arith.addf %add3A_136, %mul3A_151 : vector<16xf32>
        %mul3A_153 = arith.mulf %gather3A_142, %gather3A_150 : vector<16xf32>
        %add3A_154 = arith.addf %add3A_138, %mul3A_153 : vector<16xf32>
        %add3A_155 = arith.constant 7 : i32
        %add3A_156 = vector.broadcast %add3A_155 : i32 to vector<16xi32>
        %add3A_157 = arith.addi %add3A_40, %add3A_156 : vector<16xi32>
        %gather3A_158 = tpu.vector_load_idx %arg10[%add3A_157] : memref<62400xf32, #tpu.memory_space<vmem>>[vector<16xi32>], vector<16xf32>,
        %add3A_159 = arith.constant 7 : i32
        %add3A_160 = vector.broadcast %add3A_159 : i32 to vector<16xi32>
        %add3A_161 = arith.addi %mul3A_26, %add3A_160 : vector<16xi32>
        %gather3A_162 = tpu.vector_load_idx %arg9[%add3A_161] : memref<33280xf32, #tpu.memory_space<vmem>>[vector<16xi32>], vector<16xf32>,
        %add3A_163 = arith.constant 7 : i32
        %add3A_164 = vector.broadcast %add3A_163 : i32 to vector<16xi32>
        %add3A_165 = arith.addi %mul3A_33, %add3A_164 : vector<16xi32>
        %gather3A_166 = tpu.vector_load_idx %arg9[%add3A_165] : memref<33280xf32, #tpu.memory_space<vmem>>[vector<16xi32>], vector<16xf32>,
        %mul3A_167 = arith.mulf %gather3A_158, %gather3A_162 : vector<16xf32>
        %add3A_168 = arith.addf %add3A_152, %mul3A_167 : vector<16xf32>
        %mul3A_169 = arith.mulf %gather3A_158, %gather3A_166 : vector<16xf32>
        %add3A_170 = arith.addf %add3A_154, %mul3A_169 : vector<16xf32>
        %add3A_171 = arith.constant 8 : i32
        %add3A_172 = vector.broadcast %add3A_171 : i32 to vector<16xi32>
        %add3A_173 = arith.addi %add3A_40, %add3A_172 : vector<16xi32>
        %gather3A_174 = tpu.vector_load_idx %arg10[%add3A_173] : memref<62400xf32, #tpu.memory_space<vmem>>[vector<16xi32>], vector<16xf32>,
        %add3A_175 = arith.constant 8 : i32
        %add3A_176 = vector.broadcast %add3A_175 : i32 to vector<16xi32>
        %add3A_177 = arith.addi %mul3A_26, %add3A_176 : vector<16xi32>
        %gather3A_178 = tpu.vector_load_idx %arg9[%add3A_177] : memref<33280xf32, #tpu.memory_space<vmem>>[vector<16xi32>], vector<16xf32>,
        %add3A_179 = arith.constant 8 : i32
        %add3A_180 = vector.broadcast %add3A_179 : i32 to vector<16xi32>
        %add3A_181 = arith.addi %mul3A_33, %add3A_180 : vector<16xi32>
        %gather3A_182 = tpu.vector_load_idx %arg9[%add3A_181] : memref<33280xf32, #tpu.memory_space<vmem>>[vector<16xi32>], vector<16xf32>,
        %mul3A_183 = arith.mulf %gather3A_174, %gather3A_178 : vector<16xf32>
        %add3A_184 = arith.addf %add3A_168, %mul3A_183 : vector<16xf32>
        %mul3A_185 = arith.mulf %gather3A_174, %gather3A_182 : vector<16xf32>
        %add3A_186 = arith.addf %add3A_170, %mul3A_185 : vector<16xf32>
        %add3A_187 = arith.constant 9 : i32
        %add3A_188 = vector.broadcast %add3A_187 : i32 to vector<16xi32>
        %add3A_189 = arith.addi %add3A_40, %add3A_188 : vector<16xi32>
        %gather3A_190 = tpu.vector_load_idx %arg10[%add3A_189] : memref<62400xf32, #tpu.memory_space<vmem>>[vector<16xi32>], vector<16xf32>,
        %add3A_191 = arith.constant 9 : i32
        %add3A_192 = vector.broadcast %add3A_191 : i32 to vector<16xi32>
        %add3A_193 = arith.addi %mul3A_26, %add3A_192 : vector<16xi32>
        %gather3A_194 = tpu.vector_load_idx %arg9[%add3A_193] : memref<33280xf32, #tpu.memory_space<vmem>>[vector<16xi32>], vector<16xf32>,
        %add3A_195 = arith.constant 9 : i32
        %add3A_196 = vector.broadcast %add3A_195 : i32 to vector<16xi32>
        %add3A_197 = arith.addi %mul3A_33, %add3A_196 : vector<16xi32>
        %gather3A_198 = tpu.vector_load_idx %arg9[%add3A_197] : memref<33280xf32, #tpu.memory_space<vmem>>[vector<16xi32>], vector<16xf32>,
        %mul3A_199 = arith.mulf %gather3A_190, %gather3A_194 : vector<16xf32>
        %add3A_200 = arith.addf %add3A_184, %mul3A_199 : vector<16xf32>
        %mul3A_201 = arith.mulf %gather3A_190, %gather3A_198 : vector<16xf32>
        %add3A_202 = arith.addf %add3A_186, %mul3A_201 : vector<16xf32>
        %add3A_203 = arith.constant 10 : i32
        %add3A_204 = vector.broadcast %add3A_203 : i32 to vector<16xi32>
        %add3A_205 = arith.addi %add3A_40, %add3A_204 : vector<16xi32>
        %gather3A_206 = tpu.vector_load_idx %arg10[%add3A_205] : memref<62400xf32, #tpu.memory_space<vmem>>[vector<16xi32>], vector<16xf32>,
        %add3A_207 = arith.constant 10 : i32
        %add3A_208 = vector.broadcast %add3A_207 : i32 to vector<16xi32>
        %add3A_209 = arith.addi %mul3A_26, %add3A_208 : vector<16xi32>
        %gather3A_210 = tpu.vector_load_idx %arg9[%add3A_209] : memref<33280xf32, #tpu.memory_space<vmem>>[vector<16xi32>], vector<16xf32>,
        %add3A_211 = arith.constant 10 : i32
        %add3A_212 = vector.broadcast %add3A_211 : i32 to vector<16xi32>
        %add3A_213 = arith.addi %mul3A_33, %add3A_212 : vector<16xi32>
        %gather3A_214 = tpu.vector_load_idx %arg9[%add3A_213] : memref<33280xf32, #tpu.memory_space<vmem>>[vector<16xi32>], vector<16xf32>,
        %mul3A_215 = arith.mulf %gather3A_206, %gather3A_210 : vector<16xf32>
        %add3A_216 = arith.addf %add3A_200, %mul3A_215 : vector<16xf32>
        %mul3A_217 = arith.mulf %gather3A_206, %gather3A_214 : vector<16xf32>
        %add3A_218 = arith.addf %add3A_202, %mul3A_217 : vector<16xf32>
        %add3A_219 = arith.constant 11 : i32
        %add3A_220 = vector.broadcast %add3A_219 : i32 to vector<16xi32>
        %add3A_221 = arith.addi %add3A_40, %add3A_220 : vector<16xi32>
        %gather3A_222 = tpu.vector_load_idx %arg10[%add3A_221] : memref<62400xf32, #tpu.memory_space<vmem>>[vector<16xi32>], vector<16xf32>,
        %add3A_223 = arith.constant 11 : i32
        %add3A_224 = vector.broadcast %add3A_223 : i32 to vector<16xi32>
        %add3A_225 = arith.addi %mul3A_26, %add3A_224 : vector<16xi32>
        %gather3A_226 = tpu.vector_load_idx %arg9[%add3A_225] : memref<33280xf32, #tpu.memory_space<vmem>>[vector<16xi32>], vector<16xf32>,
        %add3A_227 = arith.constant 11 : i32
        %add3A_228 = vector.broadcast %add3A_227 : i32 to vector<16xi32>
        %add3A_229 = arith.addi %mul3A_33, %add3A_228 : vector<16xi32>
        %gather3A_230 = tpu.vector_load_idx %arg9[%add3A_229] : memref<33280xf32, #tpu.memory_space<vmem>>[vector<16xi32>], vector<16xf32>,
        %mul3A_231 = arith.mulf %gather3A_222, %gather3A_226 : vector<16xf32>
        %add3A_232 = arith.addf %add3A_216, %mul3A_231 : vector<16xf32>
        %mul3A_233 = arith.mulf %gather3A_222, %gather3A_230 : vector<16xf32>
        %add3A_234 = arith.addf %add3A_218, %mul3A_233 : vector<16xf32>
        %add3A_235 = arith.constant 12 : i32
        %add3A_236 = vector.broadcast %add3A_235 : i32 to vector<16xi32>
        %add3A_237 = arith.addi %add3A_40, %add3A_236 : vector<16xi32>
        %gather3A_238 = tpu.vector_load_idx %arg10[%add3A_237] : memref<62400xf32, #tpu.memory_space<vmem>>[vector<16xi32>], vector<16xf32>,
        %add3A_239 = arith.constant 12 : i32
        %add3A_240 = vector.broadcast %add3A_239 : i32 to vector<16xi32>
        %add3A_241 = arith.addi %mul3A_26, %add3A_240 : vector<16xi32>
        %gather3A_242 = tpu.vector_load_idx %arg9[%add3A_241] : memref<33280xf32, #tpu.memory_space<vmem>>[vector<16xi32>], vector<16xf32>,
        %add3A_243 = arith.constant 12 : i32
        %add3A_244 = vector.broadcast %add3A_243 : i32 to vector<16xi32>
        %add3A_245 = arith.addi %mul3A_33, %add3A_244 : vector<16xi32>
        %gather3A_246 = tpu.vector_load_idx %arg9[%add3A_245] : memref<33280xf32, #tpu.memory_space<vmem>>[vector<16xi32>], vector<16xf32>,
        %mul3A_247 = arith.mulf %gather3A_238, %gather3A_242 : vector<16xf32>
        %add3A_248 = arith.addf %add3A_232, %mul3A_247 : vector<16xf32>
        %mul3A_249 = arith.mulf %gather3A_238, %gather3A_246 : vector<16xf32>
        %add3A_250 = arith.addf %add3A_234, %mul3A_249 : vector<16xf32>
        %add3A_251 = arith.constant 13 : i32
        %add3A_252 = vector.broadcast %add3A_251 : i32 to vector<16xi32>
        %add3A_253 = arith.addi %add3A_40, %add3A_252 : vector<16xi32>
        %gather3A_254 = tpu.vector_load_idx %arg10[%add3A_253] : memref<62400xf32, #tpu.memory_space<vmem>>[vector<16xi32>], vector<16xf32>,
        %add3A_255 = arith.constant 13 : i32
        %add3A_256 = vector.broadcast %add3A_255 : i32 to vector<16xi32>
        %add3A_257 = arith.addi %mul3A_26, %add3A_256 : vector<16xi32>
        %gather3A_258 = tpu.vector_load_idx %arg9[%add3A_257] : memref<33280xf32, #tpu.memory_space<vmem>>[vector<16xi32>], vector<16xf32>,
        %add3A_259 = arith.constant 13 : i32
        %add3A_260 = vector.broadcast %add3A_259 : i32 to vector<16xi32>
        %add3A_261 = arith.addi %mul3A_33, %add3A_260 : vector<16xi32>
        %gather3A_262 = tpu.vector_load_idx %arg9[%add3A_261] : memref<33280xf32, #tpu.memory_space<vmem>>[vector<16xi32>], vector<16xf32>,
        %mul3A_263 = arith.mulf %gather3A_254, %gather3A_258 : vector<16xf32>
        %add3A_264 = arith.addf %add3A_248, %mul3A_263 : vector<16xf32>
        %mul3A_265 = arith.mulf %gather3A_254, %gather3A_262 : vector<16xf32>
        %add3A_266 = arith.addf %add3A_250, %mul3A_265 : vector<16xf32>
        %add3A_267 = arith.constant 14 : i32
        %add3A_268 = vector.broadcast %add3A_267 : i32 to vector<16xi32>
        %add3A_269 = arith.addi %add3A_40, %add3A_268 : vector<16xi32>
        %gather3A_270 = tpu.vector_load_idx %arg10[%add3A_269] : memref<62400xf32, #tpu.memory_space<vmem>>[vector<16xi32>], vector<16xf32>,
        %add3A_271 = arith.constant 14 : i32
        %add3A_272 = vector.broadcast %add3A_271 : i32 to vector<16xi32>
        %add3A_273 = arith.addi %mul3A_26, %add3A_272 : vector<16xi32>
        %gather3A_274 = tpu.vector_load_idx %arg9[%add3A_273] : memref<33280xf32, #tpu.memory_space<vmem>>[vector<16xi32>], vector<16xf32>,
        %add3A_275 = arith.constant 14 : i32
        %add3A_276 = vector.broadcast %add3A_275 : i32 to vector<16xi32>
        %add3A_277 = arith.addi %mul3A_33, %add3A_276 : vector<16xi32>
        %gather3A_278 = tpu.vector_load_idx %arg9[%add3A_277] : memref<33280xf32, #tpu.memory_space<vmem>>[vector<16xi32>], vector<16xf32>,
        %mul3A_279 = arith.mulf %gather3A_270, %gather3A_274 : vector<16xf32>
        %add3A_280 = arith.addf %add3A_264, %mul3A_279 : vector<16xf32>
        %mul3A_281 = arith.mulf %gather3A_270, %gather3A_278 : vector<16xf32>
        %add3A_282 = arith.addf %add3A_266, %mul3A_281 : vector<16xf32>
        %add3A_283 = arith.constant 15 : i32
        %add3A_284 = vector.broadcast %add3A_283 : i32 to vector<16xi32>
        %add3A_285 = arith.addi %add3A_40, %add3A_284 : vector<16xi32>
        %gather3A_286 = tpu.vector_load_idx %arg10[%add3A_285] : memref<62400xf32, #tpu.memory_space<vmem>>[vector<16xi32>], vector<16xf32>,
        %add3A_287 = arith.constant 15 : i32
        %add3A_288 = vector.broadcast %add3A_287 : i32 to vector<16xi32>
        %add3A_289 = arith.addi %mul3A_26, %add3A_288 : vector<16xi32>
        %gather3A_290 = tpu.vector_load_idx %arg9[%add3A_289] : memref<33280xf32, #tpu.memory_space<vmem>>[vector<16xi32>], vector<16xf32>,
        %add3A_291 = arith.constant 15 : i32
        %add3A_292 = vector.broadcast %add3A_291 : i32 to vector<16xi32>
        %add3A_293 = arith.addi %mul3A_33, %add3A_292 : vector<16xi32>
        %gather3A_294 = tpu.vector_load_idx %arg9[%add3A_293] : memref<33280xf32, #tpu.memory_space<vmem>>[vector<16xi32>], vector<16xf32>,
        %mul3A_295 = arith.mulf %gather3A_286, %gather3A_290 : vector<16xf32>
        %add3A_296 = arith.addf %add3A_280, %mul3A_295 : vector<16xf32>
        %mul3A_297 = arith.mulf %gather3A_286, %gather3A_294 : vector<16xf32>
        %add3A_298 = arith.addf %add3A_282, %mul3A_297 : vector<16xf32>
        %add3A_299 = arith.constant 16 : i32
        %add3A_300 = vector.broadcast %add3A_299 : i32 to vector<16xi32>
        %add3A_301 = arith.addi %add3A_40, %add3A_300 : vector<16xi32>
        %gather3A_302 = tpu.vector_load_idx %arg10[%add3A_301] : memref<62400xf32, #tpu.memory_space<vmem>>[vector<16xi32>], vector<16xf32>,
        %add3A_303 = arith.constant 16 : i32
        %add3A_304 = vector.broadcast %add3A_303 : i32 to vector<16xi32>
        %add3A_305 = arith.addi %mul3A_26, %add3A_304 : vector<16xi32>
        %gather3A_306 = tpu.vector_load_idx %arg9[%add3A_305] : memref<33280xf32, #tpu.memory_space<vmem>>[vector<16xi32>], vector<16xf32>,
        %add3A_307 = arith.constant 16 : i32
        %add3A_308 = vector.broadcast %add3A_307 : i32 to vector<16xi32>
        %add3A_309 = arith.addi %mul3A_33, %add3A_308 : vector<16xi32>
        %gather3A_310 = tpu.vector_load_idx %arg9[%add3A_309] : memref<33280xf32, #tpu.memory_space<vmem>>[vector<16xi32>], vector<16xf32>,
        %mul3A_311 = arith.mulf %gather3A_302, %gather3A_306 : vector<16xf32>
        %add3A_312 = arith.addf %add3A_296, %mul3A_311 : vector<16xf32>
        %mul3A_313 = arith.mulf %gather3A_302, %gather3A_310 : vector<16xf32>
        %add3A_314 = arith.addf %add3A_298, %mul3A_313 : vector<16xf32>
        %add3A_315 = arith.constant 17 : i32
        %add3A_316 = vector.broadcast %add3A_315 : i32 to vector<16xi32>
        %add3A_317 = arith.addi %add3A_40, %add3A_316 : vector<16xi32>
        %gather3A_318 = tpu.vector_load_idx %arg10[%add3A_317] : memref<62400xf32, #tpu.memory_space<vmem>>[vector<16xi32>], vector<16xf32>,
        %add3A_319 = arith.constant 17 : i32
        %add3A_320 = vector.broadcast %add3A_319 : i32 to vector<16xi32>
        %add3A_321 = arith.addi %mul3A_26, %add3A_320 : vector<16xi32>
        %gather3A_322 = tpu.vector_load_idx %arg9[%add3A_321] : memref<33280xf32, #tpu.memory_space<vmem>>[vector<16xi32>], vector<16xf32>,
        %add3A_323 = arith.constant 17 : i32
        %add3A_324 = vector.broadcast %add3A_323 : i32 to vector<16xi32>
        %add3A_325 = arith.addi %mul3A_33, %add3A_324 : vector<16xi32>
        %gather3A_326 = tpu.vector_load_idx %arg9[%add3A_325] : memref<33280xf32, #tpu.memory_space<vmem>>[vector<16xi32>], vector<16xf32>,
        %mul3A_327 = arith.mulf %gather3A_318, %gather3A_322 : vector<16xf32>
        %add3A_328 = arith.addf %add3A_312, %mul3A_327 : vector<16xf32>
        %mul3A_329 = arith.mulf %gather3A_318, %gather3A_326 : vector<16xf32>
        %add3A_330 = arith.addf %add3A_314, %mul3A_329 : vector<16xf32>
        %add3A_331 = arith.constant 18 : i32
        %add3A_332 = vector.broadcast %add3A_331 : i32 to vector<16xi32>
        %add3A_333 = arith.addi %add3A_40, %add3A_332 : vector<16xi32>
        %gather3A_334 = tpu.vector_load_idx %arg10[%add3A_333] : memref<62400xf32, #tpu.memory_space<vmem>>[vector<16xi32>], vector<16xf32>,
        %add3A_335 = arith.constant 18 : i32
        %add3A_336 = vector.broadcast %add3A_335 : i32 to vector<16xi32>
        %add3A_337 = arith.addi %mul3A_26, %add3A_336 : vector<16xi32>
        %gather3A_338 = tpu.vector_load_idx %arg9[%add3A_337] : memref<33280xf32, #tpu.memory_space<vmem>>[vector<16xi32>], vector<16xf32>,
        %add3A_339 = arith.constant 18 : i32
        %add3A_340 = vector.broadcast %add3A_339 : i32 to vector<16xi32>
        %add3A_341 = arith.addi %mul3A_33, %add3A_340 : vector<16xi32>
        %gather3A_342 = tpu.vector_load_idx %arg9[%add3A_341] : memref<33280xf32, #tpu.memory_space<vmem>>[vector<16xi32>], vector<16xf32>,
        %mul3A_343 = arith.mulf %gather3A_334, %gather3A_338 : vector<16xf32>
        %add3A_344 = arith.addf %add3A_328, %mul3A_343 : vector<16xf32>
        %mul3A_345 = arith.mulf %gather3A_334, %gather3A_342 : vector<16xf32>
        %add3A_346 = arith.addf %add3A_330, %mul3A_345 : vector<16xf32>
        %add3A_347 = arith.constant 19 : i32
        %add3A_348 = vector.broadcast %add3A_347 : i32 to vector<16xi32>
        %add3A_349 = arith.addi %add3A_40, %add3A_348 : vector<16xi32>
        %gather3A_350 = tpu.vector_load_idx %arg10[%add3A_349] : memref<62400xf32, #tpu.memory_space<vmem>>[vector<16xi32>], vector<16xf32>,
        %add3A_351 = arith.constant 19 : i32
        %add3A_352 = vector.broadcast %add3A_351 : i32 to vector<16xi32>
        %add3A_353 = arith.addi %mul3A_26, %add3A_352 : vector<16xi32>
        %gather3A_354 = tpu.vector_load_idx %arg9[%add3A_353] : memref<33280xf32, #tpu.memory_space<vmem>>[vector<16xi32>], vector<16xf32>,
        %add3A_355 = arith.constant 19 : i32
        %add3A_356 = vector.broadcast %add3A_355 : i32 to vector<16xi32>
        %add3A_357 = arith.addi %mul3A_33, %add3A_356 : vector<16xi32>
        %gather3A_358 = tpu.vector_load_idx %arg9[%add3A_357] : memref<33280xf32, #tpu.memory_space<vmem>>[vector<16xi32>], vector<16xf32>,
        %mul3A_359 = arith.mulf %gather3A_350, %gather3A_354 : vector<16xf32>
        %add3A_360 = arith.addf %add3A_344, %mul3A_359 : vector<16xf32>
        %mul3A_361 = arith.mulf %gather3A_350, %gather3A_358 : vector<16xf32>
        %add3A_362 = arith.addf %add3A_346, %mul3A_361 : vector<16xf32>
        %add3A_363 = arith.constant 20 : i32
        %add3A_364 = vector.broadcast %add3A_363 : i32 to vector<16xi32>
        %add3A_365 = arith.addi %add3A_40, %add3A_364 : vector<16xi32>
        %gather3A_366 = tpu.vector_load_idx %arg10[%add3A_365] : memref<62400xf32, #tpu.memory_space<vmem>>[vector<16xi32>], vector<16xf32>,
        %add3A_367 = arith.constant 20 : i32
        %add3A_368 = vector.broadcast %add3A_367 : i32 to vector<16xi32>
        %add3A_369 = arith.addi %mul3A_26, %add3A_368 : vector<16xi32>
        %gather3A_370 = tpu.vector_load_idx %arg9[%add3A_369] : memref<33280xf32, #tpu.memory_space<vmem>>[vector<16xi32>], vector<16xf32>,
        %add3A_371 = arith.constant 20 : i32
        %add3A_372 = vector.broadcast %add3A_371 : i32 to vector<16xi32>
        %add3A_373 = arith.addi %mul3A_33, %add3A_372 : vector<16xi32>
        %gather3A_374 = tpu.vector_load_idx %arg9[%add3A_373] : memref<33280xf32, #tpu.memory_space<vmem>>[vector<16xi32>], vector<16xf32>,
        %mul3A_375 = arith.mulf %gather3A_366, %gather3A_370 : vector<16xf32>
        %add3A_376 = arith.addf %add3A_360, %mul3A_375 : vector<16xf32>
        %mul3A_377 = arith.mulf %gather3A_366, %gather3A_374 : vector<16xf32>
        %add3A_378 = arith.addf %add3A_362, %mul3A_377 : vector<16xf32>
        %add3A_379 = arith.constant 21 : i32
        %add3A_380 = vector.broadcast %add3A_379 : i32 to vector<16xi32>
        %add3A_381 = arith.addi %add3A_40, %add3A_380 : vector<16xi32>
        %gather3A_382 = tpu.vector_load_idx %arg10[%add3A_381] : memref<62400xf32, #tpu.memory_space<vmem>>[vector<16xi32>], vector<16xf32>,
        %add3A_383 = arith.constant 21 : i32
        %add3A_384 = vector.broadcast %add3A_383 : i32 to vector<16xi32>
        %add3A_385 = arith.addi %mul3A_26, %add3A_384 : vector<16xi32>
        %gather3A_386 = tpu.vector_load_idx %arg9[%add3A_385] : memref<33280xf32, #tpu.memory_space<vmem>>[vector<16xi32>], vector<16xf32>,
        %add3A_387 = arith.constant 21 : i32
        %add3A_388 = vector.broadcast %add3A_387 : i32 to vector<16xi32>
        %add3A_389 = arith.addi %mul3A_33, %add3A_388 : vector<16xi32>
        %gather3A_390 = tpu.vector_load_idx %arg9[%add3A_389] : memref<33280xf32, #tpu.memory_space<vmem>>[vector<16xi32>], vector<16xf32>,
        %mul3A_391 = arith.mulf %gather3A_382, %gather3A_386 : vector<16xf32>
        %add3A_392 = arith.addf %add3A_376, %mul3A_391 : vector<16xf32>
        %mul3A_393 = arith.mulf %gather3A_382, %gather3A_390 : vector<16xf32>
        %add3A_394 = arith.addf %add3A_378, %mul3A_393 : vector<16xf32>
        %add3A_395 = arith.constant 22 : i32
        %add3A_396 = vector.broadcast %add3A_395 : i32 to vector<16xi32>
        %add3A_397 = arith.addi %add3A_40, %add3A_396 : vector<16xi32>
        %gather3A_398 = tpu.vector_load_idx %arg10[%add3A_397] : memref<62400xf32, #tpu.memory_space<vmem>>[vector<16xi32>], vector<16xf32>,
        %add3A_399 = arith.constant 22 : i32
        %add3A_400 = vector.broadcast %add3A_399 : i32 to vector<16xi32>
        %add3A_401 = arith.addi %mul3A_26, %add3A_400 : vector<16xi32>
        %gather3A_402 = tpu.vector_load_idx %arg9[%add3A_401] : memref<33280xf32, #tpu.memory_space<vmem>>[vector<16xi32>], vector<16xf32>,
        %add3A_403 = arith.constant 22 : i32
        %add3A_404 = vector.broadcast %add3A_403 : i32 to vector<16xi32>
        %add3A_405 = arith.addi %mul3A_33, %add3A_404 : vector<16xi32>
        %gather3A_406 = tpu.vector_load_idx %arg9[%add3A_405] : memref<33280xf32, #tpu.memory_space<vmem>>[vector<16xi32>], vector<16xf32>,
        %mul3A_407 = arith.mulf %gather3A_398, %gather3A_402 : vector<16xf32>
        %add3A_408 = arith.addf %add3A_392, %mul3A_407 : vector<16xf32>
        %mul3A_409 = arith.mulf %gather3A_398, %gather3A_406 : vector<16xf32>
        %add3A_410 = arith.addf %add3A_394, %mul3A_409 : vector<16xf32>
        %add3A_411 = arith.constant 23 : i32
        %add3A_412 = vector.broadcast %add3A_411 : i32 to vector<16xi32>
        %add3A_413 = arith.addi %add3A_40, %add3A_412 : vector<16xi32>
        %gather3A_414 = tpu.vector_load_idx %arg10[%add3A_413] : memref<62400xf32, #tpu.memory_space<vmem>>[vector<16xi32>], vector<16xf32>,
        %add3A_415 = arith.constant 23 : i32
        %add3A_416 = vector.broadcast %add3A_415 : i32 to vector<16xi32>
        %add3A_417 = arith.addi %mul3A_26, %add3A_416 : vector<16xi32>
        %gather3A_418 = tpu.vector_load_idx %arg9[%add3A_417] : memref<33280xf32, #tpu.memory_space<vmem>>[vector<16xi32>], vector<16xf32>,
        %add3A_419 = arith.constant 23 : i32
        %add3A_420 = vector.broadcast %add3A_419 : i32 to vector<16xi32>
        %add3A_421 = arith.addi %mul3A_33, %add3A_420 : vector<16xi32>
        %gather3A_422 = tpu.vector_load_idx %arg9[%add3A_421] : memref<33280xf32, #tpu.memory_space<vmem>>[vector<16xi32>], vector<16xf32>,
        %mul3A_423 = arith.mulf %gather3A_414, %gather3A_418 : vector<16xf32>
        %add3A_424 = arith.addf %add3A_408, %mul3A_423 : vector<16xf32>
        %mul3A_425 = arith.mulf %gather3A_414, %gather3A_422 : vector<16xf32>
        %add3A_426 = arith.addf %add3A_410, %mul3A_425 : vector<16xf32>
        %add3A_427 = arith.constant 24 : i32
        %add3A_428 = vector.broadcast %add3A_427 : i32 to vector<16xi32>
        %add3A_429 = arith.addi %add3A_40, %add3A_428 : vector<16xi32>
        %gather3A_430 = tpu.vector_load_idx %arg10[%add3A_429] : memref<62400xf32, #tpu.memory_space<vmem>>[vector<16xi32>], vector<16xf32>,
        %add3A_431 = arith.constant 24 : i32
        %add3A_432 = vector.broadcast %add3A_431 : i32 to vector<16xi32>
        %add3A_433 = arith.addi %mul3A_26, %add3A_432 : vector<16xi32>
        %gather3A_434 = tpu.vector_load_idx %arg9[%add3A_433] : memref<33280xf32, #tpu.memory_space<vmem>>[vector<16xi32>], vector<16xf32>,
        %add3A_435 = arith.constant 24 : i32
        %add3A_436 = vector.broadcast %add3A_435 : i32 to vector<16xi32>
        %add3A_437 = arith.addi %mul3A_33, %add3A_436 : vector<16xi32>
        %gather3A_438 = tpu.vector_load_idx %arg9[%add3A_437] : memref<33280xf32, #tpu.memory_space<vmem>>[vector<16xi32>], vector<16xf32>,
        %mul3A_439 = arith.mulf %gather3A_430, %gather3A_434 : vector<16xf32>
        %add3A_440 = arith.addf %add3A_424, %mul3A_439 : vector<16xf32>
        %mul3A_441 = arith.mulf %gather3A_430, %gather3A_438 : vector<16xf32>
        %add3A_442 = arith.addf %add3A_426, %mul3A_441 : vector<16xf32>
        %add3A_443 = arith.constant 25 : i32
        %add3A_444 = vector.broadcast %add3A_443 : i32 to vector<16xi32>
        %add3A_445 = arith.addi %add3A_40, %add3A_444 : vector<16xi32>
        %gather3A_446 = tpu.vector_load_idx %arg10[%add3A_445] : memref<62400xf32, #tpu.memory_space<vmem>>[vector<16xi32>], vector<16xf32>,
        %add3A_447 = arith.constant 25 : i32
        %add3A_448 = vector.broadcast %add3A_447 : i32 to vector<16xi32>
        %add3A_449 = arith.addi %mul3A_26, %add3A_448 : vector<16xi32>
        %gather3A_450 = tpu.vector_load_idx %arg9[%add3A_449] : memref<33280xf32, #tpu.memory_space<vmem>>[vector<16xi32>], vector<16xf32>,
        %add3A_451 = arith.constant 25 : i32
        %add3A_452 = vector.broadcast %add3A_451 : i32 to vector<16xi32>
        %add3A_453 = arith.addi %mul3A_33, %add3A_452 : vector<16xi32>
        %gather3A_454 = tpu.vector_load_idx %arg9[%add3A_453] : memref<33280xf32, #tpu.memory_space<vmem>>[vector<16xi32>], vector<16xf32>,
        %mul3A_455 = arith.mulf %gather3A_446, %gather3A_450 : vector<16xf32>
        %add3A_456 = arith.addf %add3A_440, %mul3A_455 : vector<16xf32>
        %mul3A_457 = arith.mulf %gather3A_446, %gather3A_454 : vector<16xf32>
        %add3A_458 = arith.addf %add3A_442, %mul3A_457 : vector<16xf32>
        %add3A_459 = arith.constant 26 : i32
        %add3A_460 = vector.broadcast %add3A_459 : i32 to vector<16xi32>
        %add3A_461 = arith.addi %add3A_40, %add3A_460 : vector<16xi32>
        %gather3A_462 = tpu.vector_load_idx %arg10[%add3A_461] : memref<62400xf32, #tpu.memory_space<vmem>>[vector<16xi32>], vector<16xf32>,
        %add3A_463 = arith.constant 26 : i32
        %add3A_464 = vector.broadcast %add3A_463 : i32 to vector<16xi32>
        %add3A_465 = arith.addi %mul3A_26, %add3A_464 : vector<16xi32>
        %gather3A_466 = tpu.vector_load_idx %arg9[%add3A_465] : memref<33280xf32, #tpu.memory_space<vmem>>[vector<16xi32>], vector<16xf32>,
        %add3A_467 = arith.constant 26 : i32
        %add3A_468 = vector.broadcast %add3A_467 : i32 to vector<16xi32>
        %add3A_469 = arith.addi %mul3A_33, %add3A_468 : vector<16xi32>
        %gather3A_470 = tpu.vector_load_idx %arg9[%add3A_469] : memref<33280xf32, #tpu.memory_space<vmem>>[vector<16xi32>], vector<16xf32>,
        %mul3A_471 = arith.mulf %gather3A_462, %gather3A_466 : vector<16xf32>
        %add3A_472 = arith.addf %add3A_456, %mul3A_471 : vector<16xf32>
        %mul3A_473 = arith.mulf %gather3A_462, %gather3A_470 : vector<16xf32>
        %add3A_474 = arith.addf %add3A_458, %mul3A_473 : vector<16xf32>
        %add3A_475 = arith.constant 27 : i32
        %add3A_476 = vector.broadcast %add3A_475 : i32 to vector<16xi32>
        %add3A_477 = arith.addi %add3A_40, %add3A_476 : vector<16xi32>
        %gather3A_478 = tpu.vector_load_idx %arg10[%add3A_477] : memref<62400xf32, #tpu.memory_space<vmem>>[vector<16xi32>], vector<16xf32>,
        %add3A_479 = arith.constant 27 : i32
        %add3A_480 = vector.broadcast %add3A_479 : i32 to vector<16xi32>
        %add3A_481 = arith.addi %mul3A_26, %add3A_480 : vector<16xi32>
        %gather3A_482 = tpu.vector_load_idx %arg9[%add3A_481] : memref<33280xf32, #tpu.memory_space<vmem>>[vector<16xi32>], vector<16xf32>,
        %add3A_483 = arith.constant 27 : i32
        %add3A_484 = vector.broadcast %add3A_483 : i32 to vector<16xi32>
        %add3A_485 = arith.addi %mul3A_33, %add3A_484 : vector<16xi32>
        %gather3A_486 = tpu.vector_load_idx %arg9[%add3A_485] : memref<33280xf32, #tpu.memory_space<vmem>>[vector<16xi32>], vector<16xf32>,
        %mul3A_487 = arith.mulf %gather3A_478, %gather3A_482 : vector<16xf32>
        %add3A_488 = arith.addf %add3A_472, %mul3A_487 : vector<16xf32>
        %mul3A_489 = arith.mulf %gather3A_478, %gather3A_486 : vector<16xf32>
        %add3A_490 = arith.addf %add3A_474, %mul3A_489 : vector<16xf32>
        %add3A_491 = arith.constant 28 : i32
        %add3A_492 = vector.broadcast %add3A_491 : i32 to vector<16xi32>
        %add3A_493 = arith.addi %add3A_40, %add3A_492 : vector<16xi32>
        %gather3A_494 = tpu.vector_load_idx %arg10[%add3A_493] : memref<62400xf32, #tpu.memory_space<vmem>>[vector<16xi32>], vector<16xf32>,
        %add3A_495 = arith.constant 28 : i32
        %add3A_496 = vector.broadcast %add3A_495 : i32 to vector<16xi32>
        %add3A_497 = arith.addi %mul3A_26, %add3A_496 : vector<16xi32>
        %gather3A_498 = tpu.vector_load_idx %arg9[%add3A_497] : memref<33280xf32, #tpu.memory_space<vmem>>[vector<16xi32>], vector<16xf32>,
        %add3A_499 = arith.constant 28 : i32
        %add3A_500 = vector.broadcast %add3A_499 : i32 to vector<16xi32>
        %add3A_501 = arith.addi %mul3A_33, %add3A_500 : vector<16xi32>
        %gather3A_502 = tpu.vector_load_idx %arg9[%add3A_501] : memref<33280xf32, #tpu.memory_space<vmem>>[vector<16xi32>], vector<16xf32>,
        %mul3A_503 = arith.mulf %gather3A_494, %gather3A_498 : vector<16xf32>
        %add3A_504 = arith.addf %add3A_488, %mul3A_503 : vector<16xf32>
        %mul3A_505 = arith.mulf %gather3A_494, %gather3A_502 : vector<16xf32>
        %add3A_506 = arith.addf %add3A_490, %mul3A_505 : vector<16xf32>
        %add3A_507 = arith.constant 29 : i32
        %add3A_508 = vector.broadcast %add3A_507 : i32 to vector<16xi32>
        %add3A_509 = arith.addi %add3A_40, %add3A_508 : vector<16xi32>
        %gather3A_510 = tpu.vector_load_idx %arg10[%add3A_509] : memref<62400xf32, #tpu.memory_space<vmem>>[vector<16xi32>], vector<16xf32>,
        %add3A_511 = arith.constant 29 : i32
        %add3A_512 = vector.broadcast %add3A_511 : i32 to vector<16xi32>
        %add3A_513 = arith.addi %mul3A_26, %add3A_512 : vector<16xi32>
        %gather3A_514 = tpu.vector_load_idx %arg9[%add3A_513] : memref<33280xf32, #tpu.memory_space<vmem>>[vector<16xi32>], vector<16xf32>,
        %add3A_515 = arith.constant 29 : i32
        %add3A_516 = vector.broadcast %add3A_515 : i32 to vector<16xi32>
        %add3A_517 = arith.addi %mul3A_33, %add3A_516 : vector<16xi32>
        %gather3A_518 = tpu.vector_load_idx %arg9[%add3A_517] : memref<33280xf32, #tpu.memory_space<vmem>>[vector<16xi32>], vector<16xf32>,
        %mul3A_519 = arith.mulf %gather3A_510, %gather3A_514 : vector<16xf32>
        %add3A_520 = arith.addf %add3A_504, %mul3A_519 : vector<16xf32>
        %mul3A_521 = arith.mulf %gather3A_510, %gather3A_518 : vector<16xf32>
        %add3A_522 = arith.addf %add3A_506, %mul3A_521 : vector<16xf32>
        %add3A_523 = arith.constant 30 : i32
        %add3A_524 = vector.broadcast %add3A_523 : i32 to vector<16xi32>
        %add3A_525 = arith.addi %add3A_40, %add3A_524 : vector<16xi32>
        %gather3A_526 = tpu.vector_load_idx %arg10[%add3A_525] : memref<62400xf32, #tpu.memory_space<vmem>>[vector<16xi32>], vector<16xf32>,
        %add3A_527 = arith.constant 30 : i32
        %add3A_528 = vector.broadcast %add3A_527 : i32 to vector<16xi32>
        %add3A_529 = arith.addi %mul3A_26, %add3A_528 : vector<16xi32>
        %gather3A_530 = tpu.vector_load_idx %arg9[%add3A_529] : memref<33280xf32, #tpu.memory_space<vmem>>[vector<16xi32>], vector<16xf32>,
        %add3A_531 = arith.constant 30 : i32
        %add3A_532 = vector.broadcast %add3A_531 : i32 to vector<16xi32>
        %add3A_533 = arith.addi %mul3A_33, %add3A_532 : vector<16xi32>
        %gather3A_534 = tpu.vector_load_idx %arg9[%add3A_533] : memref<33280xf32, #tpu.memory_space<vmem>>[vector<16xi32>], vector<16xf32>,
        %mul3A_535 = arith.mulf %gather3A_526, %gather3A_530 : vector<16xf32>
        %add3A_536 = arith.addf %add3A_520, %mul3A_535 : vector<16xf32>
        %mul3A_537 = arith.mulf %gather3A_526, %gather3A_534 : vector<16xf32>
        %add3A_538 = arith.addf %add3A_522, %mul3A_537 : vector<16xf32>
        %add3A_539 = arith.constant 31 : i32
        %add3A_540 = vector.broadcast %add3A_539 : i32 to vector<16xi32>
        %add3A_541 = arith.addi %add3A_40, %add3A_540 : vector<16xi32>
        %gather3A_542 = tpu.vector_load_idx %arg10[%add3A_541] : memref<62400xf32, #tpu.memory_space<vmem>>[vector<16xi32>], vector<16xf32>,
        %add3A_543 = arith.constant 31 : i32
        %add3A_544 = vector.broadcast %add3A_543 : i32 to vector<16xi32>
        %add3A_545 = arith.addi %mul3A_26, %add3A_544 : vector<16xi32>
        %gather3A_546 = tpu.vector_load_idx %arg9[%add3A_545] : memref<33280xf32, #tpu.memory_space<vmem>>[vector<16xi32>], vector<16xf32>,
        %add3A_547 = arith.constant 31 : i32
        %add3A_548 = vector.broadcast %add3A_547 : i32 to vector<16xi32>
        %add3A_549 = arith.addi %mul3A_33, %add3A_548 : vector<16xi32>
        %gather3A_550 = tpu.vector_load_idx %arg9[%add3A_549] : memref<33280xf32, #tpu.memory_space<vmem>>[vector<16xi32>], vector<16xf32>,
        %mul3A_551 = arith.mulf %gather3A_542, %gather3A_546 : vector<16xf32>
        %add3A_552 = arith.addf %add3A_536, %mul3A_551 : vector<16xf32>
        %mul3A_553 = arith.mulf %gather3A_542, %gather3A_550 : vector<16xf32>
        %add3A_554 = arith.addf %add3A_538, %mul3A_553 : vector<16xf32>
        %add3A_555 = arith.constant 32 : i32
        %add3A_556 = vector.broadcast %add3A_555 : i32 to vector<16xi32>
        %add3A_557 = arith.addi %add3A_40, %add3A_556 : vector<16xi32>
        %gather3A_558 = tpu.vector_load_idx %arg10[%add3A_557] : memref<62400xf32, #tpu.memory_space<vmem>>[vector<16xi32>], vector<16xf32>,
        %add3A_559 = arith.constant 32 : i32
        %add3A_560 = vector.broadcast %add3A_559 : i32 to vector<16xi32>
        %add3A_561 = arith.addi %mul3A_26, %add3A_560 : vector<16xi32>
        %gather3A_562 = tpu.vector_load_idx %arg9[%add3A_561] : memref<33280xf32, #tpu.memory_space<vmem>>[vector<16xi32>], vector<16xf32>,
        %add3A_563 = arith.constant 32 : i32
        %add3A_564 = vector.broadcast %add3A_563 : i32 to vector<16xi32>
        %add3A_565 = arith.addi %mul3A_33, %add3A_564 : vector<16xi32>
        %gather3A_566 = tpu.vector_load_idx %arg9[%add3A_565] : memref<33280xf32, #tpu.memory_space<vmem>>[vector<16xi32>], vector<16xf32>,
        %mul3A_567 = arith.mulf %gather3A_558, %gather3A_562 : vector<16xf32>
        %add3A_568 = arith.addf %add3A_552, %mul3A_567 : vector<16xf32>
        %mul3A_569 = arith.mulf %gather3A_558, %gather3A_566 : vector<16xf32>
        %add3A_570 = arith.addf %add3A_554, %mul3A_569 : vector<16xf32>
        %add3A_571 = arith.constant 33 : i32
        %add3A_572 = vector.broadcast %add3A_571 : i32 to vector<16xi32>
        %add3A_573 = arith.addi %add3A_40, %add3A_572 : vector<16xi32>
        %gather3A_574 = tpu.vector_load_idx %arg10[%add3A_573] : memref<62400xf32, #tpu.memory_space<vmem>>[vector<16xi32>], vector<16xf32>,
        %add3A_575 = arith.constant 33 : i32
        %add3A_576 = vector.broadcast %add3A_575 : i32 to vector<16xi32>
        %add3A_577 = arith.addi %mul3A_26, %add3A_576 : vector<16xi32>
        %gather3A_578 = tpu.vector_load_idx %arg9[%add3A_577] : memref<33280xf32, #tpu.memory_space<vmem>>[vector<16xi32>], vector<16xf32>,
        %add3A_579 = arith.constant 33 : i32
        %add3A_580 = vector.broadcast %add3A_579 : i32 to vector<16xi32>
        %add3A_581 = arith.addi %mul3A_33, %add3A_580 : vector<16xi32>
        %gather3A_582 = tpu.vector_load_idx %arg9[%add3A_581] : memref<33280xf32, #tpu.memory_space<vmem>>[vector<16xi32>], vector<16xf32>,
        %mul3A_583 = arith.mulf %gather3A_574, %gather3A_578 : vector<16xf32>
        %add3A_584 = arith.addf %add3A_568, %mul3A_583 : vector<16xf32>
        %mul3A_585 = arith.mulf %gather3A_574, %gather3A_582 : vector<16xf32>
        %add3A_586 = arith.addf %add3A_570, %mul3A_585 : vector<16xf32>
        %add3A_587 = arith.constant 34 : i32
        %add3A_588 = vector.broadcast %add3A_587 : i32 to vector<16xi32>
        %add3A_589 = arith.addi %add3A_40, %add3A_588 : vector<16xi32>
        %gather3A_590 = tpu.vector_load_idx %arg10[%add3A_589] : memref<62400xf32, #tpu.memory_space<vmem>>[vector<16xi32>], vector<16xf32>,
        %add3A_591 = arith.constant 34 : i32
        %add3A_592 = vector.broadcast %add3A_591 : i32 to vector<16xi32>
        %add3A_593 = arith.addi %mul3A_26, %add3A_592 : vector<16xi32>
        %gather3A_594 = tpu.vector_load_idx %arg9[%add3A_593] : memref<33280xf32, #tpu.memory_space<vmem>>[vector<16xi32>], vector<16xf32>,
        %add3A_595 = arith.constant 34 : i32
        %add3A_596 = vector.broadcast %add3A_595 : i32 to vector<16xi32>
        %add3A_597 = arith.addi %mul3A_33, %add3A_596 : vector<16xi32>
        %gather3A_598 = tpu.vector_load_idx %arg9[%add3A_597] : memref<33280xf32, #tpu.memory_space<vmem>>[vector<16xi32>], vector<16xf32>,
        %mul3A_599 = arith.mulf %gather3A_590, %gather3A_594 : vector<16xf32>
        %add3A_600 = arith.addf %add3A_584, %mul3A_599 : vector<16xf32>
        %mul3A_601 = arith.mulf %gather3A_590, %gather3A_598 : vector<16xf32>
        %add3A_602 = arith.addf %add3A_586, %mul3A_601 : vector<16xf32>
        %add3A_603 = arith.constant 35 : i32
        %add3A_604 = vector.broadcast %add3A_603 : i32 to vector<16xi32>
        %add3A_605 = arith.addi %add3A_40, %add3A_604 : vector<16xi32>
        %gather3A_606 = tpu.vector_load_idx %arg10[%add3A_605] : memref<62400xf32, #tpu.memory_space<vmem>>[vector<16xi32>], vector<16xf32>,
        %add3A_607 = arith.constant 35 : i32
        %add3A_608 = vector.broadcast %add3A_607 : i32 to vector<16xi32>
        %add3A_609 = arith.addi %mul3A_26, %add3A_608 : vector<16xi32>
        %gather3A_610 = tpu.vector_load_idx %arg9[%add3A_609] : memref<33280xf32, #tpu.memory_space<vmem>>[vector<16xi32>], vector<16xf32>,
        %add3A_611 = arith.constant 35 : i32
        %add3A_612 = vector.broadcast %add3A_611 : i32 to vector<16xi32>
        %add3A_613 = arith.addi %mul3A_33, %add3A_612 : vector<16xi32>
        %gather3A_614 = tpu.vector_load_idx %arg9[%add3A_613] : memref<33280xf32, #tpu.memory_space<vmem>>[vector<16xi32>], vector<16xf32>,
        %mul3A_615 = arith.mulf %gather3A_606, %gather3A_610 : vector<16xf32>
        %add3A_616 = arith.addf %add3A_600, %mul3A_615 : vector<16xf32>
        %mul3A_617 = arith.mulf %gather3A_606, %gather3A_614 : vector<16xf32>
        %add3A_618 = arith.addf %add3A_602, %mul3A_617 : vector<16xf32>
        %add3A_619 = arith.constant 36 : i32
        %add3A_620 = vector.broadcast %add3A_619 : i32 to vector<16xi32>
        %add3A_621 = arith.addi %add3A_40, %add3A_620 : vector<16xi32>
        %gather3A_622 = tpu.vector_load_idx %arg10[%add3A_621] : memref<62400xf32, #tpu.memory_space<vmem>>[vector<16xi32>], vector<16xf32>,
        %add3A_623 = arith.constant 36 : i32
        %add3A_624 = vector.broadcast %add3A_623 : i32 to vector<16xi32>
        %add3A_625 = arith.addi %mul3A_26, %add3A_624 : vector<16xi32>
        %gather3A_626 = tpu.vector_load_idx %arg9[%add3A_625] : memref<33280xf32, #tpu.memory_space<vmem>>[vector<16xi32>], vector<16xf32>,
        %add3A_627 = arith.constant 36 : i32
        %add3A_628 = vector.broadcast %add3A_627 : i32 to vector<16xi32>
        %add3A_629 = arith.addi %mul3A_33, %add3A_628 : vector<16xi32>
        %gather3A_630 = tpu.vector_load_idx %arg9[%add3A_629] : memref<33280xf32, #tpu.memory_space<vmem>>[vector<16xi32>], vector<16xf32>,
        %mul3A_631 = arith.mulf %gather3A_622, %gather3A_626 : vector<16xf32>
        %add3A_632 = arith.addf %add3A_616, %mul3A_631 : vector<16xf32>
        %mul3A_633 = arith.mulf %gather3A_622, %gather3A_630 : vector<16xf32>
        %add3A_634 = arith.addf %add3A_618, %mul3A_633 : vector<16xf32>
        %add3A_635 = arith.constant 37 : i32
        %add3A_636 = vector.broadcast %add3A_635 : i32 to vector<16xi32>
        %add3A_637 = arith.addi %add3A_40, %add3A_636 : vector<16xi32>
        %gather3A_638 = tpu.vector_load_idx %arg10[%add3A_637] : memref<62400xf32, #tpu.memory_space<vmem>>[vector<16xi32>], vector<16xf32>,
        %add3A_639 = arith.constant 37 : i32
        %add3A_640 = vector.broadcast %add3A_639 : i32 to vector<16xi32>
        %add3A_641 = arith.addi %mul3A_26, %add3A_640 : vector<16xi32>
        %gather3A_642 = tpu.vector_load_idx %arg9[%add3A_641] : memref<33280xf32, #tpu.memory_space<vmem>>[vector<16xi32>], vector<16xf32>,
        %add3A_643 = arith.constant 37 : i32
        %add3A_644 = vector.broadcast %add3A_643 : i32 to vector<16xi32>
        %add3A_645 = arith.addi %mul3A_33, %add3A_644 : vector<16xi32>
        %gather3A_646 = tpu.vector_load_idx %arg9[%add3A_645] : memref<33280xf32, #tpu.memory_space<vmem>>[vector<16xi32>], vector<16xf32>,
        %mul3A_647 = arith.mulf %gather3A_638, %gather3A_642 : vector<16xf32>
        %add3A_648 = arith.addf %add3A_632, %mul3A_647 : vector<16xf32>
        %mul3A_649 = arith.mulf %gather3A_638, %gather3A_646 : vector<16xf32>
        %add3A_650 = arith.addf %add3A_634, %mul3A_649 : vector<16xf32>
        %add3A_651 = arith.constant 38 : i32
        %add3A_652 = vector.broadcast %add3A_651 : i32 to vector<16xi32>
        %add3A_653 = arith.addi %add3A_40, %add3A_652 : vector<16xi32>
        %gather3A_654 = tpu.vector_load_idx %arg10[%add3A_653] : memref<62400xf32, #tpu.memory_space<vmem>>[vector<16xi32>], vector<16xf32>,
        %add3A_655 = arith.constant 38 : i32
        %add3A_656 = vector.broadcast %add3A_655 : i32 to vector<16xi32>
        %add3A_657 = arith.addi %mul3A_26, %add3A_656 : vector<16xi32>
        %gather3A_658 = tpu.vector_load_idx %arg9[%add3A_657] : memref<33280xf32, #tpu.memory_space<vmem>>[vector<16xi32>], vector<16xf32>,
        %add3A_659 = arith.constant 38 : i32
        %add3A_660 = vector.broadcast %add3A_659 : i32 to vector<16xi32>
        %add3A_661 = arith.addi %mul3A_33, %add3A_660 : vector<16xi32>
        %gather3A_662 = tpu.vector_load_idx %arg9[%add3A_661] : memref<33280xf32, #tpu.memory_space<vmem>>[vector<16xi32>], vector<16xf32>,
        %mul3A_663 = arith.mulf %gather3A_654, %gather3A_658 : vector<16xf32>
        %add3A_664 = arith.addf %add3A_648, %mul3A_663 : vector<16xf32>
        %mul3A_665 = arith.mulf %gather3A_654, %gather3A_662 : vector<16xf32>
        %add3A_666 = arith.addf %add3A_650, %mul3A_665 : vector<16xf32>
        %add3A_667 = arith.constant 39 : i32
        %add3A_668 = vector.broadcast %add3A_667 : i32 to vector<16xi32>
        %add3A_669 = arith.addi %add3A_40, %add3A_668 : vector<16xi32>
        %gather3A_670 = tpu.vector_load_idx %arg10[%add3A_669] : memref<62400xf32, #tpu.memory_space<vmem>>[vector<16xi32>], vector<16xf32>,
        %add3A_671 = arith.constant 39 : i32
        %add3A_672 = vector.broadcast %add3A_671 : i32 to vector<16xi32>
        %add3A_673 = arith.addi %mul3A_26, %add3A_672 : vector<16xi32>
        %gather3A_674 = tpu.vector_load_idx %arg9[%add3A_673] : memref<33280xf32, #tpu.memory_space<vmem>>[vector<16xi32>], vector<16xf32>,
        %add3A_675 = arith.constant 39 : i32
        %add3A_676 = vector.broadcast %add3A_675 : i32 to vector<16xi32>
        %add3A_677 = arith.addi %mul3A_33, %add3A_676 : vector<16xi32>
        %gather3A_678 = tpu.vector_load_idx %arg9[%add3A_677] : memref<33280xf32, #tpu.memory_space<vmem>>[vector<16xi32>], vector<16xf32>,
        %mul3A_679 = arith.mulf %gather3A_670, %gather3A_674 : vector<16xf32>
        %add3A_680 = arith.addf %add3A_664, %mul3A_679 : vector<16xf32>
        %mul3A_681 = arith.mulf %gather3A_670, %gather3A_678 : vector<16xf32>
        %add3A_682 = arith.addf %add3A_666, %mul3A_681 : vector<16xf32>
        %add3A_683 = arith.constant 40 : i32
        %add3A_684 = vector.broadcast %add3A_683 : i32 to vector<16xi32>
        %add3A_685 = arith.addi %add3A_40, %add3A_684 : vector<16xi32>
        %gather3A_686 = tpu.vector_load_idx %arg10[%add3A_685] : memref<62400xf32, #tpu.memory_space<vmem>>[vector<16xi32>], vector<16xf32>,
        %add3A_687 = arith.constant 40 : i32
        %add3A_688 = vector.broadcast %add3A_687 : i32 to vector<16xi32>
        %add3A_689 = arith.addi %mul3A_26, %add3A_688 : vector<16xi32>
        %gather3A_690 = tpu.vector_load_idx %arg9[%add3A_689] : memref<33280xf32, #tpu.memory_space<vmem>>[vector<16xi32>], vector<16xf32>,
        %add3A_691 = arith.constant 40 : i32
        %add3A_692 = vector.broadcast %add3A_691 : i32 to vector<16xi32>
        %add3A_693 = arith.addi %mul3A_33, %add3A_692 : vector<16xi32>
        %gather3A_694 = tpu.vector_load_idx %arg9[%add3A_693] : memref<33280xf32, #tpu.memory_space<vmem>>[vector<16xi32>], vector<16xf32>,
        %mul3A_695 = arith.mulf %gather3A_686, %gather3A_690 : vector<16xf32>
        %add3A_696 = arith.addf %add3A_680, %mul3A_695 : vector<16xf32>
        %mul3A_697 = arith.mulf %gather3A_686, %gather3A_694 : vector<16xf32>
        %add3A_698 = arith.addf %add3A_682, %mul3A_697 : vector<16xf32>
        %add3A_699 = arith.constant 41 : i32
        %add3A_700 = vector.broadcast %add3A_699 : i32 to vector<16xi32>
        %add3A_701 = arith.addi %add3A_40, %add3A_700 : vector<16xi32>
        %gather3A_702 = tpu.vector_load_idx %arg10[%add3A_701] : memref<62400xf32, #tpu.memory_space<vmem>>[vector<16xi32>], vector<16xf32>,
        %add3A_703 = arith.constant 41 : i32
        %add3A_704 = vector.broadcast %add3A_703 : i32 to vector<16xi32>
        %add3A_705 = arith.addi %mul3A_26, %add3A_704 : vector<16xi32>
        %gather3A_706 = tpu.vector_load_idx %arg9[%add3A_705] : memref<33280xf32, #tpu.memory_space<vmem>>[vector<16xi32>], vector<16xf32>,
        %add3A_707 = arith.constant 41 : i32
        %add3A_708 = vector.broadcast %add3A_707 : i32 to vector<16xi32>
        %add3A_709 = arith.addi %mul3A_33, %add3A_708 : vector<16xi32>
        %gather3A_710 = tpu.vector_load_idx %arg9[%add3A_709] : memref<33280xf32, #tpu.memory_space<vmem>>[vector<16xi32>], vector<16xf32>,
        %mul3A_711 = arith.mulf %gather3A_702, %gather3A_706 : vector<16xf32>
        %add3A_712 = arith.addf %add3A_696, %mul3A_711 : vector<16xf32>
        %mul3A_713 = arith.mulf %gather3A_702, %gather3A_710 : vector<16xf32>
        %add3A_714 = arith.addf %add3A_698, %mul3A_713 : vector<16xf32>
        %add3A_715 = arith.constant 42 : i32
        %add3A_716 = vector.broadcast %add3A_715 : i32 to vector<16xi32>
        %add3A_717 = arith.addi %add3A_40, %add3A_716 : vector<16xi32>
        %gather3A_718 = tpu.vector_load_idx %arg10[%add3A_717] : memref<62400xf32, #tpu.memory_space<vmem>>[vector<16xi32>], vector<16xf32>,
        %add3A_719 = arith.constant 42 : i32
        %add3A_720 = vector.broadcast %add3A_719 : i32 to vector<16xi32>
        %add3A_721 = arith.addi %mul3A_26, %add3A_720 : vector<16xi32>
        %gather3A_722 = tpu.vector_load_idx %arg9[%add3A_721] : memref<33280xf32, #tpu.memory_space<vmem>>[vector<16xi32>], vector<16xf32>,
        %add3A_723 = arith.constant 42 : i32
        %add3A_724 = vector.broadcast %add3A_723 : i32 to vector<16xi32>
        %add3A_725 = arith.addi %mul3A_33, %add3A_724 : vector<16xi32>
        %gather3A_726 = tpu.vector_load_idx %arg9[%add3A_725] : memref<33280xf32, #tpu.memory_space<vmem>>[vector<16xi32>], vector<16xf32>,
        %mul3A_727 = arith.mulf %gather3A_718, %gather3A_722 : vector<16xf32>
        %add3A_728 = arith.addf %add3A_712, %mul3A_727 : vector<16xf32>
        %mul3A_729 = arith.mulf %gather3A_718, %gather3A_726 : vector<16xf32>
        %add3A_730 = arith.addf %add3A_714, %mul3A_729 : vector<16xf32>
        %add3A_731 = arith.constant 43 : i32
        %add3A_732 = vector.broadcast %add3A_731 : i32 to vector<16xi32>
        %add3A_733 = arith.addi %add3A_40, %add3A_732 : vector<16xi32>
        %gather3A_734 = tpu.vector_load_idx %arg10[%add3A_733] : memref<62400xf32, #tpu.memory_space<vmem>>[vector<16xi32>], vector<16xf32>,
        %add3A_735 = arith.constant 43 : i32
        %add3A_736 = vector.broadcast %add3A_735 : i32 to vector<16xi32>
        %add3A_737 = arith.addi %mul3A_26, %add3A_736 : vector<16xi32>
        %gather3A_738 = tpu.vector_load_idx %arg9[%add3A_737] : memref<33280xf32, #tpu.memory_space<vmem>>[vector<16xi32>], vector<16xf32>,
        %add3A_739 = arith.constant 43 : i32
        %add3A_740 = vector.broadcast %add3A_739 : i32 to vector<16xi32>
        %add3A_741 = arith.addi %mul3A_33, %add3A_740 : vector<16xi32>
        %gather3A_742 = tpu.vector_load_idx %arg9[%add3A_741] : memref<33280xf32, #tpu.memory_space<vmem>>[vector<16xi32>], vector<16xf32>,
        %mul3A_743 = arith.mulf %gather3A_734, %gather3A_738 : vector<16xf32>
        %add3A_744 = arith.addf %add3A_728, %mul3A_743 : vector<16xf32>
        %mul3A_745 = arith.mulf %gather3A_734, %gather3A_742 : vector<16xf32>
        %add3A_746 = arith.addf %add3A_730, %mul3A_745 : vector<16xf32>
        %add3A_747 = arith.constant 44 : i32
        %add3A_748 = vector.broadcast %add3A_747 : i32 to vector<16xi32>
        %add3A_749 = arith.addi %add3A_40, %add3A_748 : vector<16xi32>
        %gather3A_750 = tpu.vector_load_idx %arg10[%add3A_749] : memref<62400xf32, #tpu.memory_space<vmem>>[vector<16xi32>], vector<16xf32>,
        %add3A_751 = arith.constant 44 : i32
        %add3A_752 = vector.broadcast %add3A_751 : i32 to vector<16xi32>
        %add3A_753 = arith.addi %mul3A_26, %add3A_752 : vector<16xi32>
        %gather3A_754 = tpu.vector_load_idx %arg9[%add3A_753] : memref<33280xf32, #tpu.memory_space<vmem>>[vector<16xi32>], vector<16xf32>,
        %add3A_755 = arith.constant 44 : i32
        %add3A_756 = vector.broadcast %add3A_755 : i32 to vector<16xi32>
        %add3A_757 = arith.addi %mul3A_33, %add3A_756 : vector<16xi32>
        %gather3A_758 = tpu.vector_load_idx %arg9[%add3A_757] : memref<33280xf32, #tpu.memory_space<vmem>>[vector<16xi32>], vector<16xf32>,
        %mul3A_759 = arith.mulf %gather3A_750, %gather3A_754 : vector<16xf32>
        %add3A_760 = arith.addf %add3A_744, %mul3A_759 : vector<16xf32>
        %mul3A_761 = arith.mulf %gather3A_750, %gather3A_758 : vector<16xf32>
        %add3A_762 = arith.addf %add3A_746, %mul3A_761 : vector<16xf32>
        %add3A_763 = arith.constant 45 : i32
        %add3A_764 = vector.broadcast %add3A_763 : i32 to vector<16xi32>
        %add3A_765 = arith.addi %add3A_40, %add3A_764 : vector<16xi32>
        %gather3A_766 = tpu.vector_load_idx %arg10[%add3A_765] : memref<62400xf32, #tpu.memory_space<vmem>>[vector<16xi32>], vector<16xf32>,
        %add3A_767 = arith.constant 45 : i32
        %add3A_768 = vector.broadcast %add3A_767 : i32 to vector<16xi32>
        %add3A_769 = arith.addi %mul3A_26, %add3A_768 : vector<16xi32>
        %gather3A_770 = tpu.vector_load_idx %arg9[%add3A_769] : memref<33280xf32, #tpu.memory_space<vmem>>[vector<16xi32>], vector<16xf32>,
        %add3A_771 = arith.constant 45 : i32
        %add3A_772 = vector.broadcast %add3A_771 : i32 to vector<16xi32>
        %add3A_773 = arith.addi %mul3A_33, %add3A_772 : vector<16xi32>
        %gather3A_774 = tpu.vector_load_idx %arg9[%add3A_773] : memref<33280xf32, #tpu.memory_space<vmem>>[vector<16xi32>], vector<16xf32>,
        %mul3A_775 = arith.mulf %gather3A_766, %gather3A_770 : vector<16xf32>
        %add3A_776 = arith.addf %add3A_760, %mul3A_775 : vector<16xf32>
        %mul3A_777 = arith.mulf %gather3A_766, %gather3A_774 : vector<16xf32>
        %add3A_778 = arith.addf %add3A_762, %mul3A_777 : vector<16xf32>
        %add3A_779 = arith.constant 46 : i32
        %add3A_780 = vector.broadcast %add3A_779 : i32 to vector<16xi32>
        %add3A_781 = arith.addi %add3A_40, %add3A_780 : vector<16xi32>
        %gather3A_782 = tpu.vector_load_idx %arg10[%add3A_781] : memref<62400xf32, #tpu.memory_space<vmem>>[vector<16xi32>], vector<16xf32>,
        %add3A_783 = arith.constant 46 : i32
        %add3A_784 = vector.broadcast %add3A_783 : i32 to vector<16xi32>
        %add3A_785 = arith.addi %mul3A_26, %add3A_784 : vector<16xi32>
        %gather3A_786 = tpu.vector_load_idx %arg9[%add3A_785] : memref<33280xf32, #tpu.memory_space<vmem>>[vector<16xi32>], vector<16xf32>,
        %add3A_787 = arith.constant 46 : i32
        %add3A_788 = vector.broadcast %add3A_787 : i32 to vector<16xi32>
        %add3A_789 = arith.addi %mul3A_33, %add3A_788 : vector<16xi32>
        %gather3A_790 = tpu.vector_load_idx %arg9[%add3A_789] : memref<33280xf32, #tpu.memory_space<vmem>>[vector<16xi32>], vector<16xf32>,
        %mul3A_791 = arith.mulf %gather3A_782, %gather3A_786 : vector<16xf32>
        %add3A_792 = arith.addf %add3A_776, %mul3A_791 : vector<16xf32>
        %mul3A_793 = arith.mulf %gather3A_782, %gather3A_790 : vector<16xf32>
        %add3A_794 = arith.addf %add3A_778, %mul3A_793 : vector<16xf32>
        %add3A_795 = arith.constant 47 : i32
        %add3A_796 = vector.broadcast %add3A_795 : i32 to vector<16xi32>
        %add3A_797 = arith.addi %add3A_40, %add3A_796 : vector<16xi32>
        %gather3A_798 = tpu.vector_load_idx %arg10[%add3A_797] : memref<62400xf32, #tpu.memory_space<vmem>>[vector<16xi32>], vector<16xf32>,
        %add3A_799 = arith.constant 47 : i32
        %add3A_800 = vector.broadcast %add3A_799 : i32 to vector<16xi32>
        %add3A_801 = arith.addi %mul3A_26, %add3A_800 : vector<16xi32>
        %gather3A_802 = tpu.vector_load_idx %arg9[%add3A_801] : memref<33280xf32, #tpu.memory_space<vmem>>[vector<16xi32>], vector<16xf32>,
        %add3A_803 = arith.constant 47 : i32
        %add3A_804 = vector.broadcast %add3A_803 : i32 to vector<16xi32>
        %add3A_805 = arith.addi %mul3A_33, %add3A_804 : vector<16xi32>
        %gather3A_806 = tpu.vector_load_idx %arg9[%add3A_805] : memref<33280xf32, #tpu.memory_space<vmem>>[vector<16xi32>], vector<16xf32>,
        %mul3A_807 = arith.mulf %gather3A_798, %gather3A_802 : vector<16xf32>
        %add3A_808 = arith.addf %add3A_792, %mul3A_807 : vector<16xf32>
        %mul3A_809 = arith.mulf %gather3A_798, %gather3A_806 : vector<16xf32>
        %add3A_810 = arith.addf %add3A_794, %mul3A_809 : vector<16xf32>
        %add3A_811 = arith.constant 48 : i32
        %add3A_812 = vector.broadcast %add3A_811 : i32 to vector<16xi32>
        %add3A_813 = arith.addi %add3A_40, %add3A_812 : vector<16xi32>
        %gather3A_814 = tpu.vector_load_idx %arg10[%add3A_813] : memref<62400xf32, #tpu.memory_space<vmem>>[vector<16xi32>], vector<16xf32>,
        %add3A_815 = arith.constant 48 : i32
        %add3A_816 = vector.broadcast %add3A_815 : i32 to vector<16xi32>
        %add3A_817 = arith.addi %mul3A_26, %add3A_816 : vector<16xi32>
        %gather3A_818 = tpu.vector_load_idx %arg9[%add3A_817] : memref<33280xf32, #tpu.memory_space<vmem>>[vector<16xi32>], vector<16xf32>,
        %add3A_819 = arith.constant 48 : i32
        %add3A_820 = vector.broadcast %add3A_819 : i32 to vector<16xi32>
        %add3A_821 = arith.addi %mul3A_33, %add3A_820 : vector<16xi32>
        %gather3A_822 = tpu.vector_load_idx %arg9[%add3A_821] : memref<33280xf32, #tpu.memory_space<vmem>>[vector<16xi32>], vector<16xf32>,
        %mul3A_823 = arith.mulf %gather3A_814, %gather3A_818 : vector<16xf32>
        %add3A_824 = arith.addf %add3A_808, %mul3A_823 : vector<16xf32>
        %mul3A_825 = arith.mulf %gather3A_814, %gather3A_822 : vector<16xf32>
        %add3A_826 = arith.addf %add3A_810, %mul3A_825 : vector<16xf32>
        %add3A_827 = arith.constant 49 : i32
        %add3A_828 = vector.broadcast %add3A_827 : i32 to vector<16xi32>
        %add3A_829 = arith.addi %add3A_40, %add3A_828 : vector<16xi32>
        %gather3A_830 = tpu.vector_load_idx %arg10[%add3A_829] : memref<62400xf32, #tpu.memory_space<vmem>>[vector<16xi32>], vector<16xf32>,
        %add3A_831 = arith.constant 49 : i32
        %add3A_832 = vector.broadcast %add3A_831 : i32 to vector<16xi32>
        %add3A_833 = arith.addi %mul3A_26, %add3A_832 : vector<16xi32>
        %gather3A_834 = tpu.vector_load_idx %arg9[%add3A_833] : memref<33280xf32, #tpu.memory_space<vmem>>[vector<16xi32>], vector<16xf32>,
        %add3A_835 = arith.constant 49 : i32
        %add3A_836 = vector.broadcast %add3A_835 : i32 to vector<16xi32>
        %add3A_837 = arith.addi %mul3A_33, %add3A_836 : vector<16xi32>
        %gather3A_838 = tpu.vector_load_idx %arg9[%add3A_837] : memref<33280xf32, #tpu.memory_space<vmem>>[vector<16xi32>], vector<16xf32>,
        %mul3A_839 = arith.mulf %gather3A_830, %gather3A_834 : vector<16xf32>
        %add3A_840 = arith.addf %add3A_824, %mul3A_839 : vector<16xf32>
        %mul3A_841 = arith.mulf %gather3A_830, %gather3A_838 : vector<16xf32>
        %add3A_842 = arith.addf %add3A_826, %mul3A_841 : vector<16xf32>
        %add3A_843 = arith.constant 50 : i32
        %add3A_844 = vector.broadcast %add3A_843 : i32 to vector<16xi32>
        %add3A_845 = arith.addi %add3A_40, %add3A_844 : vector<16xi32>
        %gather3A_846 = tpu.vector_load_idx %arg10[%add3A_845] : memref<62400xf32, #tpu.memory_space<vmem>>[vector<16xi32>], vector<16xf32>,
        %add3A_847 = arith.constant 50 : i32
        %add3A_848 = vector.broadcast %add3A_847 : i32 to vector<16xi32>
        %add3A_849 = arith.addi %mul3A_26, %add3A_848 : vector<16xi32>
        %gather3A_850 = tpu.vector_load_idx %arg9[%add3A_849] : memref<33280xf32, #tpu.memory_space<vmem>>[vector<16xi32>], vector<16xf32>,
        %add3A_851 = arith.constant 50 : i32
        %add3A_852 = vector.broadcast %add3A_851 : i32 to vector<16xi32>
        %add3A_853 = arith.addi %mul3A_33, %add3A_852 : vector<16xi32>
        %gather3A_854 = tpu.vector_load_idx %arg9[%add3A_853] : memref<33280xf32, #tpu.memory_space<vmem>>[vector<16xi32>], vector<16xf32>,
        %mul3A_855 = arith.mulf %gather3A_846, %gather3A_850 : vector<16xf32>
        %add3A_856 = arith.addf %add3A_840, %mul3A_855 : vector<16xf32>
        %mul3A_857 = arith.mulf %gather3A_846, %gather3A_854 : vector<16xf32>
        %add3A_858 = arith.addf %add3A_842, %mul3A_857 : vector<16xf32>
        %add3A_859 = arith.constant 51 : i32
        %add3A_860 = vector.broadcast %add3A_859 : i32 to vector<16xi32>
        %add3A_861 = arith.addi %add3A_40, %add3A_860 : vector<16xi32>
        %gather3A_862 = tpu.vector_load_idx %arg10[%add3A_861] : memref<62400xf32, #tpu.memory_space<vmem>>[vector<16xi32>], vector<16xf32>,
        %add3A_863 = arith.constant 51 : i32
        %add3A_864 = vector.broadcast %add3A_863 : i32 to vector<16xi32>
        %add3A_865 = arith.addi %mul3A_26, %add3A_864 : vector<16xi32>
        %gather3A_866 = tpu.vector_load_idx %arg9[%add3A_865] : memref<33280xf32, #tpu.memory_space<vmem>>[vector<16xi32>], vector<16xf32>,
        %add3A_867 = arith.constant 51 : i32
        %add3A_868 = vector.broadcast %add3A_867 : i32 to vector<16xi32>
        %add3A_869 = arith.addi %mul3A_33, %add3A_868 : vector<16xi32>
        %gather3A_870 = tpu.vector_load_idx %arg9[%add3A_869] : memref<33280xf32, #tpu.memory_space<vmem>>[vector<16xi32>], vector<16xf32>,
        %mul3A_871 = arith.mulf %gather3A_862, %gather3A_866 : vector<16xf32>
        %add3A_872 = arith.addf %add3A_856, %mul3A_871 : vector<16xf32>
        %mul3A_873 = arith.mulf %gather3A_862, %gather3A_870 : vector<16xf32>
        %add3A_874 = arith.addf %add3A_858, %mul3A_873 : vector<16xf32>
        %add3A_875 = arith.constant 52 : i32
        %add3A_876 = vector.broadcast %add3A_875 : i32 to vector<16xi32>
        %add3A_877 = arith.addi %add3A_40, %add3A_876 : vector<16xi32>
        %gather3A_878 = tpu.vector_load_idx %arg10[%add3A_877] : memref<62400xf32, #tpu.memory_space<vmem>>[vector<16xi32>], vector<16xf32>,
        %add3A_879 = arith.constant 52 : i32
        %add3A_880 = vector.broadcast %add3A_879 : i32 to vector<16xi32>
        %add3A_881 = arith.addi %mul3A_26, %add3A_880 : vector<16xi32>
        %gather3A_882 = tpu.vector_load_idx %arg9[%add3A_881] : memref<33280xf32, #tpu.memory_space<vmem>>[vector<16xi32>], vector<16xf32>,
        %add3A_883 = arith.constant 52 : i32
        %add3A_884 = vector.broadcast %add3A_883 : i32 to vector<16xi32>
        %add3A_885 = arith.addi %mul3A_33, %add3A_884 : vector<16xi32>
        %gather3A_886 = tpu.vector_load_idx %arg9[%add3A_885] : memref<33280xf32, #tpu.memory_space<vmem>>[vector<16xi32>], vector<16xf32>,
        %mul3A_887 = arith.mulf %gather3A_878, %gather3A_882 : vector<16xf32>
        %add3A_888 = arith.addf %add3A_872, %mul3A_887 : vector<16xf32>
        %mul3A_889 = arith.mulf %gather3A_878, %gather3A_886 : vector<16xf32>
        %add3A_890 = arith.addf %add3A_874, %mul3A_889 : vector<16xf32>
        %add3A_891 = arith.constant 53 : i32
        %add3A_892 = vector.broadcast %add3A_891 : i32 to vector<16xi32>
        %add3A_893 = arith.addi %add3A_40, %add3A_892 : vector<16xi32>
        %gather3A_894 = tpu.vector_load_idx %arg10[%add3A_893] : memref<62400xf32, #tpu.memory_space<vmem>>[vector<16xi32>], vector<16xf32>,
        %add3A_895 = arith.constant 53 : i32
        %add3A_896 = vector.broadcast %add3A_895 : i32 to vector<16xi32>
        %add3A_897 = arith.addi %mul3A_26, %add3A_896 : vector<16xi32>
        %gather3A_898 = tpu.vector_load_idx %arg9[%add3A_897] : memref<33280xf32, #tpu.memory_space<vmem>>[vector<16xi32>], vector<16xf32>,
        %add3A_899 = arith.constant 53 : i32
        %add3A_900 = vector.broadcast %add3A_899 : i32 to vector<16xi32>
        %add3A_901 = arith.addi %mul3A_33, %add3A_900 : vector<16xi32>
        %gather3A_902 = tpu.vector_load_idx %arg9[%add3A_901] : memref<33280xf32, #tpu.memory_space<vmem>>[vector<16xi32>], vector<16xf32>,
        %mul3A_903 = arith.mulf %gather3A_894, %gather3A_898 : vector<16xf32>
        %add3A_904 = arith.addf %add3A_888, %mul3A_903 : vector<16xf32>
        %mul3A_905 = arith.mulf %gather3A_894, %gather3A_902 : vector<16xf32>
        %add3A_906 = arith.addf %add3A_890, %mul3A_905 : vector<16xf32>
        %add3A_907 = arith.constant 54 : i32
        %add3A_908 = vector.broadcast %add3A_907 : i32 to vector<16xi32>
        %add3A_909 = arith.addi %add3A_40, %add3A_908 : vector<16xi32>
        %gather3A_910 = tpu.vector_load_idx %arg10[%add3A_909] : memref<62400xf32, #tpu.memory_space<vmem>>[vector<16xi32>], vector<16xf32>,
        %add3A_911 = arith.constant 54 : i32
        %add3A_912 = vector.broadcast %add3A_911 : i32 to vector<16xi32>
        %add3A_913 = arith.addi %mul3A_26, %add3A_912 : vector<16xi32>
        %gather3A_914 = tpu.vector_load_idx %arg9[%add3A_913] : memref<33280xf32, #tpu.memory_space<vmem>>[vector<16xi32>], vector<16xf32>,
        %add3A_915 = arith.constant 54 : i32
        %add3A_916 = vector.broadcast %add3A_915 : i32 to vector<16xi32>
        %add3A_917 = arith.addi %mul3A_33, %add3A_916 : vector<16xi32>
        %gather3A_918 = tpu.vector_load_idx %arg9[%add3A_917] : memref<33280xf32, #tpu.memory_space<vmem>>[vector<16xi32>], vector<16xf32>,
        %mul3A_919 = arith.mulf %gather3A_910, %gather3A_914 : vector<16xf32>
        %add3A_920 = arith.addf %add3A_904, %mul3A_919 : vector<16xf32>
        %mul3A_921 = arith.mulf %gather3A_910, %gather3A_918 : vector<16xf32>
        %add3A_922 = arith.addf %add3A_906, %mul3A_921 : vector<16xf32>
        %add3A_923 = arith.constant 55 : i32
        %add3A_924 = vector.broadcast %add3A_923 : i32 to vector<16xi32>
        %add3A_925 = arith.addi %add3A_40, %add3A_924 : vector<16xi32>
        %gather3A_926 = tpu.vector_load_idx %arg10[%add3A_925] : memref<62400xf32, #tpu.memory_space<vmem>>[vector<16xi32>], vector<16xf32>,
        %add3A_927 = arith.constant 55 : i32
        %add3A_928 = vector.broadcast %add3A_927 : i32 to vector<16xi32>
        %add3A_929 = arith.addi %mul3A_26, %add3A_928 : vector<16xi32>
        %gather3A_930 = tpu.vector_load_idx %arg9[%add3A_929] : memref<33280xf32, #tpu.memory_space<vmem>>[vector<16xi32>], vector<16xf32>,
        %add3A_931 = arith.constant 55 : i32
        %add3A_932 = vector.broadcast %add3A_931 : i32 to vector<16xi32>
        %add3A_933 = arith.addi %mul3A_33, %add3A_932 : vector<16xi32>
        %gather3A_934 = tpu.vector_load_idx %arg9[%add3A_933] : memref<33280xf32, #tpu.memory_space<vmem>>[vector<16xi32>], vector<16xf32>,
        %mul3A_935 = arith.mulf %gather3A_926, %gather3A_930 : vector<16xf32>
        %add3A_936 = arith.addf %add3A_920, %mul3A_935 : vector<16xf32>
        %mul3A_937 = arith.mulf %gather3A_926, %gather3A_934 : vector<16xf32>
        %add3A_938 = arith.addf %add3A_922, %mul3A_937 : vector<16xf32>
        %add3A_939 = arith.constant 56 : i32
        %add3A_940 = vector.broadcast %add3A_939 : i32 to vector<16xi32>
        %add3A_941 = arith.addi %add3A_40, %add3A_940 : vector<16xi32>
        %gather3A_942 = tpu.vector_load_idx %arg10[%add3A_941] : memref<62400xf32, #tpu.memory_space<vmem>>[vector<16xi32>], vector<16xf32>,
        %add3A_943 = arith.constant 56 : i32
        %add3A_944 = vector.broadcast %add3A_943 : i32 to vector<16xi32>
        %add3A_945 = arith.addi %mul3A_26, %add3A_944 : vector<16xi32>
        %gather3A_946 = tpu.vector_load_idx %arg9[%add3A_945] : memref<33280xf32, #tpu.memory_space<vmem>>[vector<16xi32>], vector<16xf32>,
        %add3A_947 = arith.constant 56 : i32
        %add3A_948 = vector.broadcast %add3A_947 : i32 to vector<16xi32>
        %add3A_949 = arith.addi %mul3A_33, %add3A_948 : vector<16xi32>
        %gather3A_950 = tpu.vector_load_idx %arg9[%add3A_949] : memref<33280xf32, #tpu.memory_space<vmem>>[vector<16xi32>], vector<16xf32>,
        %mul3A_951 = arith.mulf %gather3A_942, %gather3A_946 : vector<16xf32>
        %add3A_952 = arith.addf %add3A_936, %mul3A_951 : vector<16xf32>
        %mul3A_953 = arith.mulf %gather3A_942, %gather3A_950 : vector<16xf32>
        %add3A_954 = arith.addf %add3A_938, %mul3A_953 : vector<16xf32>
        %add3A_955 = arith.constant 57 : i32
        %add3A_956 = vector.broadcast %add3A_955 : i32 to vector<16xi32>
        %add3A_957 = arith.addi %add3A_40, %add3A_956 : vector<16xi32>
        %gather3A_958 = tpu.vector_load_idx %arg10[%add3A_957] : memref<62400xf32, #tpu.memory_space<vmem>>[vector<16xi32>], vector<16xf32>,
        %add3A_959 = arith.constant 57 : i32
        %add3A_960 = vector.broadcast %add3A_959 : i32 to vector<16xi32>
        %add3A_961 = arith.addi %mul3A_26, %add3A_960 : vector<16xi32>
        %gather3A_962 = tpu.vector_load_idx %arg9[%add3A_961] : memref<33280xf32, #tpu.memory_space<vmem>>[vector<16xi32>], vector<16xf32>,
        %add3A_963 = arith.constant 57 : i32
        %add3A_964 = vector.broadcast %add3A_963 : i32 to vector<16xi32>
        %add3A_965 = arith.addi %mul3A_33, %add3A_964 : vector<16xi32>
        %gather3A_966 = tpu.vector_load_idx %arg9[%add3A_965] : memref<33280xf32, #tpu.memory_space<vmem>>[vector<16xi32>], vector<16xf32>,
        %mul3A_967 = arith.mulf %gather3A_958, %gather3A_962 : vector<16xf32>
        %add3A_968 = arith.addf %add3A_952, %mul3A_967 : vector<16xf32>
        %mul3A_969 = arith.mulf %gather3A_958, %gather3A_966 : vector<16xf32>
        %add3A_970 = arith.addf %add3A_954, %mul3A_969 : vector<16xf32>
        %add3A_971 = arith.constant 58 : i32
        %add3A_972 = vector.broadcast %add3A_971 : i32 to vector<16xi32>
        %add3A_973 = arith.addi %add3A_40, %add3A_972 : vector<16xi32>
        %gather3A_974 = tpu.vector_load_idx %arg10[%add3A_973] : memref<62400xf32, #tpu.memory_space<vmem>>[vector<16xi32>], vector<16xf32>,
        %add3A_975 = arith.constant 58 : i32
        %add3A_976 = vector.broadcast %add3A_975 : i32 to vector<16xi32>
        %add3A_977 = arith.addi %mul3A_26, %add3A_976 : vector<16xi32>
        %gather3A_978 = tpu.vector_load_idx %arg9[%add3A_977] : memref<33280xf32, #tpu.memory_space<vmem>>[vector<16xi32>], vector<16xf32>,
        %add3A_979 = arith.constant 58 : i32
        %add3A_980 = vector.broadcast %add3A_979 : i32 to vector<16xi32>
        %add3A_981 = arith.addi %mul3A_33, %add3A_980 : vector<16xi32>
        %gather3A_982 = tpu.vector_load_idx %arg9[%add3A_981] : memref<33280xf32, #tpu.memory_space<vmem>>[vector<16xi32>], vector<16xf32>,
        %mul3A_983 = arith.mulf %gather3A_974, %gather3A_978 : vector<16xf32>
        %add3A_984 = arith.addf %add3A_968, %mul3A_983 : vector<16xf32>
        %mul3A_985 = arith.mulf %gather3A_974, %gather3A_982 : vector<16xf32>
        %add3A_986 = arith.addf %add3A_970, %mul3A_985 : vector<16xf32>
        %add3A_987 = arith.constant 59 : i32
        %add3A_988 = vector.broadcast %add3A_987 : i32 to vector<16xi32>
        %add3A_989 = arith.addi %add3A_40, %add3A_988 : vector<16xi32>
        %gather3A_990 = tpu.vector_load_idx %arg10[%add3A_989] : memref<62400xf32, #tpu.memory_space<vmem>>[vector<16xi32>], vector<16xf32>,
        %add3A_991 = arith.constant 59 : i32
        %add3A_992 = vector.broadcast %add3A_991 : i32 to vector<16xi32>
        %add3A_993 = arith.addi %mul3A_26, %add3A_992 : vector<16xi32>
        %gather3A_994 = tpu.vector_load_idx %arg9[%add3A_993] : memref<33280xf32, #tpu.memory_space<vmem>>[vector<16xi32>], vector<16xf32>,
        %add3A_995 = arith.constant 59 : i32
        %add3A_996 = vector.broadcast %add3A_995 : i32 to vector<16xi32>
        %add3A_997 = arith.addi %mul3A_33, %add3A_996 : vector<16xi32>
        %gather3A_998 = tpu.vector_load_idx %arg9[%add3A_997] : memref<33280xf32, #tpu.memory_space<vmem>>[vector<16xi32>], vector<16xf32>,
        %mul3A_999 = arith.mulf %gather3A_990, %gather3A_994 : vector<16xf32>
        %add3A_1000 = arith.addf %add3A_984, %mul3A_999 : vector<16xf32>
        %mul3A_1001 = arith.mulf %gather3A_990, %gather3A_998 : vector<16xf32>
        %add3A_1002 = arith.addf %add3A_986, %mul3A_1001 : vector<16xf32>
        %add3A_1003 = arith.constant 60 : i32
        %add3A_1004 = vector.broadcast %add3A_1003 : i32 to vector<16xi32>
        %add3A_1005 = arith.addi %add3A_40, %add3A_1004 : vector<16xi32>
        %gather3A_1006 = tpu.vector_load_idx %arg10[%add3A_1005] : memref<62400xf32, #tpu.memory_space<vmem>>[vector<16xi32>], vector<16xf32>,
        %add3A_1007 = arith.constant 60 : i32
        %add3A_1008 = vector.broadcast %add3A_1007 : i32 to vector<16xi32>
        %add3A_1009 = arith.addi %mul3A_26, %add3A_1008 : vector<16xi32>
        %gather3A_1010 = tpu.vector_load_idx %arg9[%add3A_1009] : memref<33280xf32, #tpu.memory_space<vmem>>[vector<16xi32>], vector<16xf32>,
        %add3A_1011 = arith.constant 60 : i32
        %add3A_1012 = vector.broadcast %add3A_1011 : i32 to vector<16xi32>
        %add3A_1013 = arith.addi %mul3A_33, %add3A_1012 : vector<16xi32>
        %gather3A_1014 = tpu.vector_load_idx %arg9[%add3A_1013] : memref<33280xf32, #tpu.memory_space<vmem>>[vector<16xi32>], vector<16xf32>,
        %mul3A_1015 = arith.mulf %gather3A_1006, %gather3A_1010 : vector<16xf32>
        %add3A_1016 = arith.addf %add3A_1000, %mul3A_1015 : vector<16xf32>
        %mul3A_1017 = arith.mulf %gather3A_1006, %gather3A_1014 : vector<16xf32>
        %add3A_1018 = arith.addf %add3A_1002, %mul3A_1017 : vector<16xf32>
        %add3A_1019 = arith.constant 61 : i32
        %add3A_1020 = vector.broadcast %add3A_1019 : i32 to vector<16xi32>
        %add3A_1021 = arith.addi %add3A_40, %add3A_1020 : vector<16xi32>
        %gather3A_1022 = tpu.vector_load_idx %arg10[%add3A_1021] : memref<62400xf32, #tpu.memory_space<vmem>>[vector<16xi32>], vector<16xf32>,
        %add3A_1023 = arith.constant 61 : i32
        %add3A_1024 = vector.broadcast %add3A_1023 : i32 to vector<16xi32>
        %add3A_1025 = arith.addi %mul3A_26, %add3A_1024 : vector<16xi32>
        %gather3A_1026 = tpu.vector_load_idx %arg9[%add3A_1025] : memref<33280xf32, #tpu.memory_space<vmem>>[vector<16xi32>], vector<16xf32>,
        %add3A_1027 = arith.constant 61 : i32
        %add3A_1028 = vector.broadcast %add3A_1027 : i32 to vector<16xi32>
        %add3A_1029 = arith.addi %mul3A_33, %add3A_1028 : vector<16xi32>
        %gather3A_1030 = tpu.vector_load_idx %arg9[%add3A_1029] : memref<33280xf32, #tpu.memory_space<vmem>>[vector<16xi32>], vector<16xf32>,
        %mul3A_1031 = arith.mulf %gather3A_1022, %gather3A_1026 : vector<16xf32>
        %add3A_1032 = arith.addf %add3A_1016, %mul3A_1031 : vector<16xf32>
        %mul3A_1033 = arith.mulf %gather3A_1022, %gather3A_1030 : vector<16xf32>
        %add3A_1034 = arith.addf %add3A_1018, %mul3A_1033 : vector<16xf32>
        %add3A_1035 = arith.constant 62 : i32
        %add3A_1036 = vector.broadcast %add3A_1035 : i32 to vector<16xi32>
        %add3A_1037 = arith.addi %add3A_40, %add3A_1036 : vector<16xi32>
        %gather3A_1038 = tpu.vector_load_idx %arg10[%add3A_1037] : memref<62400xf32, #tpu.memory_space<vmem>>[vector<16xi32>], vector<16xf32>,
        %add3A_1039 = arith.constant 62 : i32
        %add3A_1040 = vector.broadcast %add3A_1039 : i32 to vector<16xi32>
        %add3A_1041 = arith.addi %mul3A_26, %add3A_1040 : vector<16xi32>
        %gather3A_1042 = tpu.vector_load_idx %arg9[%add3A_1041] : memref<33280xf32, #tpu.memory_space<vmem>>[vector<16xi32>], vector<16xf32>,
        %add3A_1043 = arith.constant 62 : i32
        %add3A_1044 = vector.broadcast %add3A_1043 : i32 to vector<16xi32>
        %add3A_1045 = arith.addi %mul3A_33, %add3A_1044 : vector<16xi32>
        %gather3A_1046 = tpu.vector_load_idx %arg9[%add3A_1045] : memref<33280xf32, #tpu.memory_space<vmem>>[vector<16xi32>], vector<16xf32>,
        %mul3A_1047 = arith.mulf %gather3A_1038, %gather3A_1042 : vector<16xf32>
        %add3A_1048 = arith.addf %add3A_1032, %mul3A_1047 : vector<16xf32>
        %mul3A_1049 = arith.mulf %gather3A_1038, %gather3A_1046 : vector<16xf32>
        %add3A_1050 = arith.addf %add3A_1034, %mul3A_1049 : vector<16xf32>
        %add3A_1051 = arith.constant 63 : i32
        %add3A_1052 = vector.broadcast %add3A_1051 : i32 to vector<16xi32>
        %add3A_1053 = arith.addi %add3A_40, %add3A_1052 : vector<16xi32>
        %gather3A_1054 = tpu.vector_load_idx %arg10[%add3A_1053] : memref<62400xf32, #tpu.memory_space<vmem>>[vector<16xi32>], vector<16xf32>,
        %add3A_1055 = arith.constant 63 : i32
        %add3A_1056 = vector.broadcast %add3A_1055 : i32 to vector<16xi32>
        %add3A_1057 = arith.addi %mul3A_26, %add3A_1056 : vector<16xi32>
        %gather3A_1058 = tpu.vector_load_idx %arg9[%add3A_1057] : memref<33280xf32, #tpu.memory_space<vmem>>[vector<16xi32>], vector<16xf32>,
        %add3A_1059 = arith.constant 63 : i32
        %add3A_1060 = vector.broadcast %add3A_1059 : i32 to vector<16xi32>
        %add3A_1061 = arith.addi %mul3A_33, %add3A_1060 : vector<16xi32>
        %gather3A_1062 = tpu.vector_load_idx %arg9[%add3A_1061] : memref<33280xf32, #tpu.memory_space<vmem>>[vector<16xi32>], vector<16xf32>,
        %mul3A_1063 = arith.mulf %gather3A_1054, %gather3A_1058 : vector<16xf32>
        %add3A_1064 = arith.addf %add3A_1048, %mul3A_1063 : vector<16xf32>
        %mul3A_1065 = arith.mulf %gather3A_1054, %gather3A_1062 : vector<16xf32>
        %add3A_1066 = arith.addf %add3A_1050, %mul3A_1065 : vector<16xf32>
        %mul3A_1067 = arith.constant 16 : i32
        %mul3A_1068 = arith.muli %scan3A_20, %mul3A_1067 : i32
        %get3A_1069 = arith.index_cast %mul3A_1068 : i32 to index
        %get3A_1070 = tpu.vector_load %arg13[%get3A_1069] {strides = array<i32>} : memref<960xf32, #tpu.memory_space<vmem>>, vector<16xf32>,
        %mul3A_1071 = arith.constant 16 : i32
        %mul3A_1072 = arith.muli %scan3A_20, %mul3A_1071 : i32
        %get3A_1073 = arith.index_cast %mul3A_1072 : i32 to index
        %get3A_1074 = tpu.vector_load %arg14[%get3A_1073] {strides = array<i32>} : memref<960xf32, #tpu.memory_space<vmem>>, vector<16xf32>,
        %mul3A_1075 = arith.mulf %get3A_1070, %add3A_1064 : vector<16xf32>
        %mul3A_1076 = arith.mulf %get3A_1074, %add3A_1066 : vector<16xf32>
        %add3A_1077 = arith.addf %mul3A_1075, %mul3A_1076 : vector<16xf32>
        %mul3A_1078 = arith.constant 16 : i32
        %mul3A_1079 = arith.muli %scan3A_20, %mul3A_1078 : i32
        %swap3A = arith.index_cast %mul3A_1079 : i32 to index
        %swap3A_1080 = tpu.vector_load %arg15[%swap3A] {strides = array<i32>} : memref<960xf32, #tpu.memory_space<vmem>>, vector<16xf32>,
        tpu.vector_store %arg15[%swap3A], %add3A_1077 {strides = array<i32>} : memref<960xf32, #tpu.memory_space<vmem>>, vector<16xf32>,
      }
      %scan3A_19 = arith.constant 60 : i32
      "tpu.region"() ({
        %run_scoped3A = tpu.sem_alloc : memref<!tpu.dma_semaphore, #tpu.memory_space<semaphore_mem>>
        %dma_start3A = tpu.memref_slice %arg8[%add3A_11] : memref<768000xf32, #tpu.memory_space<hbm>> -> memref<960xf32, #tpu.memory_space<hbm>>
        %dma_start3A_20 = tpu.memref_slice %arg8[%add3A_11] : memref<768000xf32, #tpu.memory_space<hbm>> -> memref<960xf32, #tpu.memory_space<hbm>>
        tpu.enqueue_dma source(%arg15 : memref<960xf32, #tpu.memory_space<vmem>>) target(%dma_start3A_20 : memref<960xf32, #tpu.memory_space<hbm>>) target_semaphore(%run_scoped3A : memref<!tpu.dma_semaphore, #tpu.memory_space<semaphore_mem>>)
        %dma_wait3A = tpu.memref_slice %arg8[%add3A_11] : memref<768000xf32, #tpu.memory_space<hbm>> -> memref<960xf32, #tpu.memory_space<hbm>>
        %dma_wait3A_21 = tpu.memref_slice %arg8[%add3A_11] : memref<768000xf32, #tpu.memory_space<hbm>> -> memref<960xf32, #tpu.memory_space<hbm>>
        tpu.wait_dma2 semaphore(%run_scoped3A : memref<!tpu.dma_semaphore, #tpu.memory_space<semaphore_mem>>) src(%arg15 : memref<960xf32, #tpu.memory_space<vmem>>) dst(%dma_wait3A_21 : memref<960xf32, #tpu.memory_space<hbm>>)
        tpu.yield
      }) : () -> ()
    }
    %scan3A_7 = arith.constant 25 : i32
    return
  }
}

module attributes {stable_mosaic.version = 14 : i64} {
  func.func @_phase_body(%arg0: i32, %arg1: i32, %arg2: memref<1x1x1x9600xf32, #tpu.memory_space<vmem>>, %arg3: memref<1x1x1x9600xf32, #tpu.memory_space<vmem>>, %arg4: memref<1x1x1x9600xf32, #tpu.memory_space<vmem>>, %arg5: memref<1x1x9600x64xf32, #tpu.memory_space<vmem>>, %arg6: memref<1x1x1x9600xi32, #tpu.memory_space<vmem>>, %arg7: memref<1x1x1x9600xi32, #tpu.memory_space<vmem>>, %arg8: memref<1x1x1x9600xf32, #tpu.memory_space<vmem>>, %arg9: memref<1x1x1x9600xf32, #tpu.memory_space<vmem>>, %arg10: memref<1x1x9600x65xf32, #tpu.memory_space<vmem>>, %arg11: memref<8x128xf32, #tpu.memory_space<vmem>>) attributes {dimension_semantics = [#tpu.dimension_semantics<arbitrary>, #tpu.dimension_semantics<arbitrary>], iteration_bounds = array<i64: 16, 5>, scalar_prefetch = 0 : i64, scratch_operands = 1 : i64, tpu.core_type = #tpu.core_type<tc>, window_params = [{transform_indices = @transform_0, window_bounds = array<i64: 1, 1, 1, 9600>}, {transform_indices = @transform_1, window_bounds = array<i64: 1, 1, 1, 9600>}, {transform_indices = @transform_2, window_bounds = array<i64: 1, 1, 1, 9600>}, {transform_indices = @transform_3, window_bounds = array<i64: 1, 1, 9600, 64>}, {transform_indices = @transform_4, window_bounds = array<i64: 1, 1, 1, 9600>}, {transform_indices = @transform_5, window_bounds = array<i64: 1, 1, 1, 9600>}, {transform_indices = @transform_6, window_bounds = array<i64: 1, 1, 1, 9600>}, {transform_indices = @transform_7, window_bounds = array<i64: 1, 1, 1, 9600>}, {transform_indices = @transform_8, window_bounds = array<i64: 1, 1, 9600, 65>}]} {
    %eq3A = arith.constant 0 : i32
    %eq3A_0 = arith.cmpi eq, %arg1, %eq3A : i32
    %convert_element_type3A = arith.extui %eq3A_0 : i1 to i32
    %cond3A = arith.constant 0 : i32
    %cond3A_1 = arith.cmpi ne, %convert_element_type3A, %cond3A : i32
    scf.if %cond3A_1 {
      %broadcast_in_dim3A_180 = arith.constant 0.000000e+00 : f32
      %broadcast_in_dim3A_181 = vector.broadcast %broadcast_in_dim3A_180 : f32 to vector<8x128xf32>
      %swap3A_182 = arith.constant 0 : index
      %swap3A_183 = arith.constant 0 : index
      %swap3A_184 = vector.load %arg11[%swap3A_182, %swap3A_183] : memref<8x128xf32, #tpu.memory_space<vmem>>, vector<8x128xf32>
      tpu.vector_store %arg11[%swap3A_182, %swap3A_183], %broadcast_in_dim3A_181 {strides = array<i32>} : memref<8x128xf32, #tpu.memory_space<vmem>>, vector<8x128xf32>,
    } else {
    }
    %get3A = arith.constant 0 : index
    %get3A_2 = arith.constant 0 : index
    %get3A_3 = arith.constant 0 : index
    %get3A_4 = arith.constant 0 : index
    %get3A_5 = vector.load %arg2[%get3A, %get3A_2, %get3A_3, %get3A_4] : memref<1x1x1x9600xf32, #tpu.memory_space<vmem>>, vector<1x1x1x9600xf32>
    %get3A_6 = vector.shape_cast %get3A_5 : vector<1x1x1x9600xf32> to vector<1x9600xf32>
    %mul3A = arith.constant 3.200000e-02 : f32
    %mul3A_7 = vector.broadcast %mul3A : f32 to vector<1x9600xf32>
    %mul3A_8 = arith.mulf %get3A_6, %mul3A_7 : vector<1x9600xf32>
    %broadcast_in_dim3A = arith.constant 0.000000e+00 : f32
    %broadcast_in_dim3A_9 = vector.broadcast %broadcast_in_dim3A : f32 to vector<1x1xf32>
    %slice3A = vector.extract_strided_slice %mul3A_8 {offsets = [0, 0], sizes = [1, 9599], strides = [1, 1]} : vector<1x9600xf32> to vector<1x9599xf32>
    %concatenate3A = tpu.concatenate %broadcast_in_dim3A_9, %slice3A in 1 : vector<1x1xf32>, vector<1x9599xf32> -> vector<1x9600xf32>
    %add3A = arith.addf %mul3A_8, %concatenate3A : vector<1x9600xf32>
    %broadcast_in_dim3A_10 = arith.constant 0.000000e+00 : f32
    %broadcast_in_dim3A_11 = vector.broadcast %broadcast_in_dim3A_10 : f32 to vector<1x2xf32>
    %slice3A_12 = vector.extract_strided_slice %add3A {offsets = [0, 0], sizes = [1, 9598], strides = [1, 1]} : vector<1x9600xf32> to vector<1x9598xf32>
    %concatenate3A_13 = tpu.concatenate %broadcast_in_dim3A_11, %slice3A_12 in 1 : vector<1x2xf32>, vector<1x9598xf32> -> vector<1x9600xf32>
    %add3A_14 = arith.addf %add3A, %concatenate3A_13 : vector<1x9600xf32>
    %broadcast_in_dim3A_15 = arith.constant 0.000000e+00 : f32
    %broadcast_in_dim3A_16 = vector.broadcast %broadcast_in_dim3A_15 : f32 to vector<1x4xf32>
    %slice3A_17 = vector.extract_strided_slice %add3A_14 {offsets = [0, 0], sizes = [1, 9596], strides = [1, 1]} : vector<1x9600xf32> to vector<1x9596xf32>
    %concatenate3A_18 = tpu.concatenate %broadcast_in_dim3A_16, %slice3A_17 in 1 : vector<1x4xf32>, vector<1x9596xf32> -> vector<1x9600xf32>
    %add3A_19 = arith.addf %add3A_14, %concatenate3A_18 : vector<1x9600xf32>
    %broadcast_in_dim3A_20 = arith.constant 0.000000e+00 : f32
    %broadcast_in_dim3A_21 = vector.broadcast %broadcast_in_dim3A_20 : f32 to vector<1x8xf32>
    %slice3A_22 = vector.extract_strided_slice %add3A_19 {offsets = [0, 0], sizes = [1, 9592], strides = [1, 1]} : vector<1x9600xf32> to vector<1x9592xf32>
    %concatenate3A_23 = tpu.concatenate %broadcast_in_dim3A_21, %slice3A_22 in 1 : vector<1x8xf32>, vector<1x9592xf32> -> vector<1x9600xf32>
    %add3A_24 = arith.addf %add3A_19, %concatenate3A_23 : vector<1x9600xf32>
    %broadcast_in_dim3A_25 = arith.constant 0.000000e+00 : f32
    %broadcast_in_dim3A_26 = vector.broadcast %broadcast_in_dim3A_25 : f32 to vector<1x16xf32>
    %slice3A_27 = vector.extract_strided_slice %add3A_24 {offsets = [0, 0], sizes = [1, 9584], strides = [1, 1]} : vector<1x9600xf32> to vector<1x9584xf32>
    %concatenate3A_28 = tpu.concatenate %broadcast_in_dim3A_26, %slice3A_27 in 1 : vector<1x16xf32>, vector<1x9584xf32> -> vector<1x9600xf32>
    %add3A_29 = arith.addf %add3A_24, %concatenate3A_28 : vector<1x9600xf32>
    %broadcast_in_dim3A_30 = arith.constant 0.000000e+00 : f32
    %broadcast_in_dim3A_31 = vector.broadcast %broadcast_in_dim3A_30 : f32 to vector<1x32xf32>
    %slice3A_32 = vector.extract_strided_slice %add3A_29 {offsets = [0, 0], sizes = [1, 9568], strides = [1, 1]} : vector<1x9600xf32> to vector<1x9568xf32>
    %concatenate3A_33 = tpu.concatenate %broadcast_in_dim3A_31, %slice3A_32 in 1 : vector<1x32xf32>, vector<1x9568xf32> -> vector<1x9600xf32>
    %add3A_34 = arith.addf %add3A_29, %concatenate3A_33 : vector<1x9600xf32>
    %broadcast_in_dim3A_35 = arith.constant 0.000000e+00 : f32
    %broadcast_in_dim3A_36 = vector.broadcast %broadcast_in_dim3A_35 : f32 to vector<1x64xf32>
    %slice3A_37 = vector.extract_strided_slice %add3A_34 {offsets = [0, 0], sizes = [1, 9536], strides = [1, 1]} : vector<1x9600xf32> to vector<1x9536xf32>
    %concatenate3A_38 = tpu.concatenate %broadcast_in_dim3A_36, %slice3A_37 in 1 : vector<1x64xf32>, vector<1x9536xf32> -> vector<1x9600xf32>
    %add3A_39 = arith.addf %add3A_34, %concatenate3A_38 : vector<1x9600xf32>
    %broadcast_in_dim3A_40 = arith.constant 0.000000e+00 : f32
    %broadcast_in_dim3A_41 = vector.broadcast %broadcast_in_dim3A_40 : f32 to vector<1x128xf32>
    %slice3A_42 = vector.extract_strided_slice %add3A_39 {offsets = [0, 0], sizes = [1, 9472], strides = [1, 1]} : vector<1x9600xf32> to vector<1x9472xf32>
    %concatenate3A_43 = tpu.concatenate %broadcast_in_dim3A_41, %slice3A_42 in 1 : vector<1x128xf32>, vector<1x9472xf32> -> vector<1x9600xf32>
    %add3A_44 = arith.addf %add3A_39, %concatenate3A_43 : vector<1x9600xf32>
    %broadcast_in_dim3A_45 = arith.constant 0.000000e+00 : f32
    %broadcast_in_dim3A_46 = vector.broadcast %broadcast_in_dim3A_45 : f32 to vector<1x256xf32>
    %slice3A_47 = vector.extract_strided_slice %add3A_44 {offsets = [0, 0], sizes = [1, 9344], strides = [1, 1]} : vector<1x9600xf32> to vector<1x9344xf32>
    %concatenate3A_48 = tpu.concatenate %broadcast_in_dim3A_46, %slice3A_47 in 1 : vector<1x256xf32>, vector<1x9344xf32> -> vector<1x9600xf32>
    %add3A_49 = arith.addf %add3A_44, %concatenate3A_48 : vector<1x9600xf32>
    %broadcast_in_dim3A_50 = arith.constant 0.000000e+00 : f32
    %broadcast_in_dim3A_51 = vector.broadcast %broadcast_in_dim3A_50 : f32 to vector<1x512xf32>
    %slice3A_52 = vector.extract_strided_slice %add3A_49 {offsets = [0, 0], sizes = [1, 9088], strides = [1, 1]} : vector<1x9600xf32> to vector<1x9088xf32>
    %concatenate3A_53 = tpu.concatenate %broadcast_in_dim3A_51, %slice3A_52 in 1 : vector<1x512xf32>, vector<1x9088xf32> -> vector<1x9600xf32>
    %add3A_54 = arith.addf %add3A_49, %concatenate3A_53 : vector<1x9600xf32>
    %broadcast_in_dim3A_55 = arith.constant 0.000000e+00 : f32
    %broadcast_in_dim3A_56 = vector.broadcast %broadcast_in_dim3A_55 : f32 to vector<1x1024xf32>
    %slice3A_57 = vector.extract_strided_slice %add3A_54 {offsets = [0, 0], sizes = [1, 8576], strides = [1, 1]} : vector<1x9600xf32> to vector<1x8576xf32>
    %concatenate3A_58 = tpu.concatenate %broadcast_in_dim3A_56, %slice3A_57 in 1 : vector<1x1024xf32>, vector<1x8576xf32> -> vector<1x9600xf32>
    %add3A_59 = arith.addf %add3A_54, %concatenate3A_58 : vector<1x9600xf32>
    %broadcast_in_dim3A_60 = arith.constant 0.000000e+00 : f32
    %broadcast_in_dim3A_61 = vector.broadcast %broadcast_in_dim3A_60 : f32 to vector<1x2048xf32>
    %slice3A_62 = vector.extract_strided_slice %add3A_59 {offsets = [0, 0], sizes = [1, 7552], strides = [1, 1]} : vector<1x9600xf32> to vector<1x7552xf32>
    %concatenate3A_63 = tpu.concatenate %broadcast_in_dim3A_61, %slice3A_62 in 1 : vector<1x2048xf32>, vector<1x7552xf32> -> vector<1x9600xf32>
    %add3A_64 = arith.addf %add3A_59, %concatenate3A_63 : vector<1x9600xf32>
    %broadcast_in_dim3A_65 = arith.constant 0.000000e+00 : f32
    %broadcast_in_dim3A_66 = vector.broadcast %broadcast_in_dim3A_65 : f32 to vector<1x4096xf32>
    %slice3A_67 = vector.extract_strided_slice %add3A_64 {offsets = [0, 0], sizes = [1, 5504], strides = [1, 1]} : vector<1x9600xf32> to vector<1x5504xf32>
    %concatenate3A_68 = tpu.concatenate %broadcast_in_dim3A_66, %slice3A_67 in 1 : vector<1x4096xf32>, vector<1x5504xf32> -> vector<1x9600xf32>
    %add3A_69 = arith.addf %add3A_64, %concatenate3A_68 : vector<1x9600xf32>
    %broadcast_in_dim3A_70 = arith.constant 0.000000e+00 : f32
    %broadcast_in_dim3A_71 = vector.broadcast %broadcast_in_dim3A_70 : f32 to vector<1x8192xf32>
    %slice3A_72 = vector.extract_strided_slice %add3A_69 {offsets = [0, 0], sizes = [1, 1408], strides = [1, 1]} : vector<1x9600xf32> to vector<1x1408xf32>
    %concatenate3A_73 = tpu.concatenate %broadcast_in_dim3A_71, %slice3A_72 in 1 : vector<1x8192xf32>, vector<1x1408xf32> -> vector<1x9600xf32>
    %add3A_74 = arith.addf %add3A_69, %concatenate3A_73 : vector<1x9600xf32>
    %get3A_75 = arith.constant 0 : index
    %get3A_76 = arith.constant 0 : index
    %get3A_77 = vector.load %arg11[%get3A_75, %get3A_76] : memref<8x128xf32, #tpu.memory_space<vmem>>, vector<1x1xf32>
    %add3A_78 = vector.broadcast %get3A_77 : vector<1x1xf32> to vector<1x9600xf32>
    %add3A_79 = arith.addf %add3A_74, %add3A_78 : vector<1x9600xf32>
    %slice3A_80 = vector.extract_strided_slice %add3A_79 {offsets = [0, 9599], sizes = [1, 1], strides = [1, 1]} : vector<1x9600xf32> to vector<1x1xf32>
    %swap3A = arith.constant 0 : index
    %swap3A_81 = arith.constant 0 : index
    %swap3A_82 = vector.load %arg11[%swap3A, %swap3A_81] : memref<8x128xf32, #tpu.memory_space<vmem>>, vector<1x1xf32>
    tpu.vector_store %arg11[%swap3A, %swap3A_81], %slice3A_80 {strides = array<i32>} : memref<8x128xf32, #tpu.memory_space<vmem>>, vector<1x1xf32>,
    %get3A_83 = arith.constant 0 : index
    %get3A_84 = arith.constant 0 : index
    %get3A_85 = arith.constant 0 : index
    %get3A_86 = arith.constant 0 : index
    %get3A_87 = vector.load %arg3[%get3A_83, %get3A_84, %get3A_85, %get3A_86] : memref<1x1x1x9600xf32, #tpu.memory_space<vmem>>, vector<1x1x1x9600xf32>
    %get3A_88 = vector.shape_cast %get3A_87 : vector<1x1x1x9600xf32> to vector<1x9600xf32>
    %mul3A_89 = arith.constant 3.200000e-02 : f32
    %mul3A_90 = vector.broadcast %mul3A_89 : f32 to vector<1x9600xf32>
    %mul3A_91 = arith.mulf %get3A_88, %mul3A_90 : vector<1x9600xf32>
    %sub3A = arith.subf %add3A_79, %mul3A_91 : vector<1x9600xf32>
    %jit3A = arith.constant 5.120000e+02 : f32
    %rem3A = vector.broadcast %jit3A : f32 to vector<1x9600xf32>
    %rem3A_92 = arith.remf %sub3A, %rem3A : vector<1x9600xf32>
    %ne3A = arith.constant 0.000000e+00 : f32
    %ne3A_93 = vector.broadcast %ne3A : f32 to vector<1x9600xf32>
    %ne3A_94 = arith.cmpf one, %rem3A_92, %ne3A_93 : vector<1x9600xf32>
    %lt3A = arith.constant 0.000000e+00 : f32
    %lt3A_95 = vector.broadcast %lt3A : f32 to vector<1x9600xf32>
    %lt3A_96 = arith.cmpf olt, %rem3A_92, %lt3A_95 : vector<1x9600xf32>
    %lt3A_97 = arith.constant 0.000000e+00 : f32
    %lt3A_98 = arith.cmpf olt, %jit3A, %lt3A_97 : f32
    %ne3A_99 = vector.broadcast %lt3A_98 : i1 to vector<1x9600xi1>
    %ne3A_100 = vector.broadcast %ne3A_99 : vector<1x9600xi1> to vector<1x9600xi1>
    %ne3A_101 = arith.xori %lt3A_96, %ne3A_100 : vector<1x9600xi1>
    %and3A = arith.andi %ne3A_101, %ne3A_94 : vector<1x9600xi1>
    %add3A_102 = vector.broadcast %jit3A : f32 to vector<1x9600xf32>
    %add3A_103 = arith.addf %rem3A_92, %add3A_102 : vector<1x9600xf32>
    %select_n3A = arith.select %and3A, %add3A_103, %rem3A_92 : vector<1x9600xi1>, vector<1x9600xf32>
    %sub3A_104 = arith.constant 5.120000e+02 : f32
    %sub3A_105 = vector.broadcast %sub3A_104 : f32 to vector<1x9600xf32>
    %sub3A_106 = arith.subf %sub3A_105, %select_n3A : vector<1x9600xf32>
    %lt3A_107 = arith.constant 9.99999974E-6 : f32
    %lt3A_108 = vector.broadcast %lt3A_107 : f32 to vector<1x9600xf32>
    %lt3A_109 = arith.cmpf olt, %sub3A_106, %lt3A_108 : vector<1x9600xf32>
    %jit3A_110 = arith.constant 0.000000e+00 : f32
    %broadcast_in_dim3A_111 = vector.broadcast %jit3A_110 : f32 to vector<1x9600xf32>
    %select_n3A_112 = arith.select %lt3A_109, %broadcast_in_dim3A_111, %select_n3A : vector<1x9600xi1>, vector<1x9600xf32>
    %floor3A = math.floor %select_n3A_112 : vector<1x9600xf32>
    %sub3A_113 = arith.subf %select_n3A_112, %floor3A : vector<1x9600xf32>
    %ge3A = arith.constant 5.110000e+02 : f32
    %ge3A_114 = vector.broadcast %ge3A : f32 to vector<1x9600xf32>
    %ge3A_115 = arith.cmpf oge, %floor3A, %ge3A_114 : vector<1x9600xf32>
    %sub3A_116 = arith.constant 5.110000e+02 : f32
    %sub3A_117 = vector.broadcast %sub3A_116 : f32 to vector<1x9600xf32>
    %sub3A_118 = arith.subf %floor3A, %sub3A_117 : vector<1x9600xf32>
    %add3A_119 = arith.constant 1.000000e+00 : f32
    %add3A_120 = vector.broadcast %add3A_119 : f32 to vector<1x9600xf32>
    %add3A_121 = arith.addf %floor3A, %add3A_120 : vector<1x9600xf32>
    %select_n3A_122 = arith.select %ge3A_115, %sub3A_118, %add3A_121 : vector<1x9600xi1>, vector<1x9600xf32>
    %get3A_123 = arith.constant 0 : index
    %get3A_124 = arith.constant 0 : index
    %get3A_125 = arith.constant 0 : index
    %get3A_126 = arith.constant 0 : index
    %get3A_127 = vector.load %arg4[%get3A_123, %get3A_124, %get3A_125, %get3A_126] : memref<1x1x1x9600xf32, #tpu.memory_space<vmem>>, vector<1x1x1x9600xf32>
    %get3A_128 = vector.shape_cast %get3A_127 : vector<1x1x1x9600xf32> to vector<1x9600xf32>
    %convert_element_type3A_129 = arith.fptosi %floor3A : vector<1x9600xf32> to vector<1x9600xi32>
    %swap3A_130 = arith.constant 0 : index
    %swap3A_131 = arith.constant 0 : index
    %swap3A_132 = arith.constant 0 : index
    %swap3A_133 = arith.constant 0 : index
    %swap3A_134 = vector.load %arg6[%swap3A_130, %swap3A_131, %swap3A_132, %swap3A_133] : memref<1x1x1x9600xi32, #tpu.memory_space<vmem>>, vector<1x1x1x9600xi32>
    %swap3A_135 = vector.shape_cast %swap3A_134 : vector<1x1x1x9600xi32> to vector<1x9600xi32>
    %swap3A_136 = vector.shape_cast %convert_element_type3A_129 : vector<1x9600xi32> to vector<1x1x1x9600xi32>
    tpu.vector_store %arg6[%swap3A_130, %swap3A_131, %swap3A_132, %swap3A_133], %swap3A_136 {strides = array<i32>} : memref<1x1x1x9600xi32, #tpu.memory_space<vmem>>, vector<1x1x1x9600xi32>,
    %convert_element_type3A_137 = arith.fptosi %select_n3A_122 : vector<1x9600xf32> to vector<1x9600xi32>
    %swap3A_138 = arith.constant 0 : index
    %swap3A_139 = arith.constant 0 : index
    %swap3A_140 = arith.constant 0 : index
    %swap3A_141 = arith.constant 0 : index
    %swap3A_142 = vector.load %arg7[%swap3A_138, %swap3A_139, %swap3A_140, %swap3A_141] : memref<1x1x1x9600xi32, #tpu.memory_space<vmem>>, vector<1x1x1x9600xi32>
    %swap3A_143 = vector.shape_cast %swap3A_142 : vector<1x1x1x9600xi32> to vector<1x9600xi32>
    %swap3A_144 = vector.shape_cast %convert_element_type3A_137 : vector<1x9600xi32> to vector<1x1x1x9600xi32>
    tpu.vector_store %arg7[%swap3A_138, %swap3A_139, %swap3A_140, %swap3A_141], %swap3A_144 {strides = array<i32>} : memref<1x1x1x9600xi32, #tpu.memory_space<vmem>>, vector<1x1x1x9600xi32>,
    %sub3A_145 = arith.constant 1.000000e+00 : f32
    %sub3A_146 = vector.broadcast %sub3A_145 : f32 to vector<1x9600xf32>
    %sub3A_147 = arith.subf %sub3A_146, %sub3A_113 : vector<1x9600xf32>
    %mul3A_148 = arith.mulf %get3A_128, %sub3A_147 : vector<1x9600xf32>
    %swap3A_149 = arith.constant 0 : index
    %swap3A_150 = arith.constant 0 : index
    %swap3A_151 = arith.constant 0 : index
    %swap3A_152 = arith.constant 0 : index
    %swap3A_153 = vector.load %arg8[%swap3A_149, %swap3A_150, %swap3A_151, %swap3A_152] : memref<1x1x1x9600xf32, #tpu.memory_space<vmem>>, vector<1x1x1x9600xf32>
    %swap3A_154 = vector.shape_cast %swap3A_153 : vector<1x1x1x9600xf32> to vector<1x9600xf32>
    %swap3A_155 = vector.shape_cast %mul3A_148 : vector<1x9600xf32> to vector<1x1x1x9600xf32>
    tpu.vector_store %arg8[%swap3A_149, %swap3A_150, %swap3A_151, %swap3A_152], %swap3A_155 {strides = array<i32>} : memref<1x1x1x9600xf32, #tpu.memory_space<vmem>>, vector<1x1x1x9600xf32>,
    %mul3A_156 = arith.mulf %get3A_128, %sub3A_113 : vector<1x9600xf32>
    %swap3A_157 = arith.constant 0 : index
    %swap3A_158 = arith.constant 0 : index
    %swap3A_159 = arith.constant 0 : index
    %swap3A_160 = arith.constant 0 : index
    %swap3A_161 = vector.load %arg9[%swap3A_157, %swap3A_158, %swap3A_159, %swap3A_160] : memref<1x1x1x9600xf32, #tpu.memory_space<vmem>>, vector<1x1x1x9600xf32>
    %swap3A_162 = vector.shape_cast %swap3A_161 : vector<1x1x1x9600xf32> to vector<1x9600xf32>
    %swap3A_163 = vector.shape_cast %mul3A_156 : vector<1x9600xf32> to vector<1x1x1x9600xf32>
    tpu.vector_store %arg9[%swap3A_157, %swap3A_158, %swap3A_159, %swap3A_160], %swap3A_163 {strides = array<i32>} : memref<1x1x1x9600xf32, #tpu.memory_space<vmem>>, vector<1x1x1x9600xf32>,
    %get3A_164 = arith.constant 0 : index
    %get3A_165 = arith.constant 0 : index
    %get3A_166 = arith.constant 0 : index
    %get3A_167 = arith.constant 0 : index
    %get3A_168 = vector.load %arg5[%get3A_164, %get3A_165, %get3A_166, %get3A_167] : memref<1x1x9600x64xf32, #tpu.memory_space<vmem>>, vector<1x1x9600x64xf32>
    %get3A_169 = vector.shape_cast %get3A_168 : vector<1x1x9600x64xf32> to vector<9600x64xf32>
    %broadcast_in_dim3A_170 = arith.constant 0.000000e+00 : f32
    %broadcast_in_dim3A_171 = vector.broadcast %broadcast_in_dim3A_170 : f32 to vector<9600x1xf32>
    %concatenate3A_172 = tpu.concatenate %get3A_169, %broadcast_in_dim3A_171 in 1 : vector<9600x64xf32>, vector<9600x1xf32> -> vector<9600x65xf32>
    %swap3A_173 = arith.constant 0 : index
    %swap3A_174 = arith.constant 0 : index
    %swap3A_175 = arith.constant 0 : index
    %swap3A_176 = arith.constant 0 : index
    %swap3A_177 = vector.load %arg10[%swap3A_173, %swap3A_174, %swap3A_175, %swap3A_176] : memref<1x1x9600x65xf32, #tpu.memory_space<vmem>>, vector<1x1x9600x65xf32>
    %swap3A_178 = vector.shape_cast %swap3A_177 : vector<1x1x9600x65xf32> to vector<9600x65xf32>
    %swap3A_179 = vector.shape_cast %concatenate3A_172 : vector<9600x65xf32> to vector<1x1x9600x65xf32>
    tpu.vector_store %arg10[%swap3A_173, %swap3A_174, %swap3A_175, %swap3A_176], %swap3A_179 {strides = array<i32>} : memref<1x1x9600x65xf32, #tpu.memory_space<vmem>>, vector<1x1x9600x65xf32>,
    return
  }
  func.func @transform_0(%arg0: i32, %arg1: i32) -> (i32, i32, i32, i32) {
    %c0_i32 = arith.constant 0 : i32
    %c0_i32_0 = arith.constant 0 : i32
    %c0_i32_1 = arith.constant 0 : i32
    return %arg0, %arg1, %c0_i32, %c0_i32_0 : i32, i32, i32, i32
  }
  func.func @transform_1(%arg0: i32, %arg1: i32) -> (i32, i32, i32, i32) {
    %c0_i32 = arith.constant 0 : i32
    %c0_i32_0 = arith.constant 0 : i32
    %c0_i32_1 = arith.constant 0 : i32
    %c0_i32_2 = arith.constant 0 : i32
    return %c0_i32, %arg1, %c0_i32_0, %c0_i32_1 : i32, i32, i32, i32
  }
  func.func @transform_2(%arg0: i32, %arg1: i32) -> (i32, i32, i32, i32) {
    %c0_i32 = arith.constant 0 : i32
    %c0_i32_0 = arith.constant 0 : i32
    %c0_i32_1 = arith.constant 0 : i32
    return %arg0, %arg1, %c0_i32, %c0_i32_0 : i32, i32, i32, i32
  }
  func.func @transform_3(%arg0: i32, %arg1: i32) -> (i32, i32, i32, i32) {
    %c0_i32 = arith.constant 0 : i32
    %c0_i32_0 = arith.constant 0 : i32
    %c0_i32_1 = arith.constant 0 : i32
    return %arg0, %arg1, %c0_i32, %c0_i32_0 : i32, i32, i32, i32
  }
  func.func @transform_4(%arg0: i32, %arg1: i32) -> (i32, i32, i32, i32) {
    %c0_i32 = arith.constant 0 : i32
    %c0_i32_0 = arith.constant 0 : i32
    %c0_i32_1 = arith.constant 0 : i32
    return %arg0, %arg1, %c0_i32, %c0_i32_0 : i32, i32, i32, i32
  }
  func.func @transform_5(%arg0: i32, %arg1: i32) -> (i32, i32, i32, i32) {
    %c0_i32 = arith.constant 0 : i32
    %c0_i32_0 = arith.constant 0 : i32
    %c0_i32_1 = arith.constant 0 : i32
    return %arg0, %arg1, %c0_i32, %c0_i32_0 : i32, i32, i32, i32
  }
  func.func @transform_6(%arg0: i32, %arg1: i32) -> (i32, i32, i32, i32) {
    %c0_i32 = arith.constant 0 : i32
    %c0_i32_0 = arith.constant 0 : i32
    %c0_i32_1 = arith.constant 0 : i32
    return %arg0, %arg1, %c0_i32, %c0_i32_0 : i32, i32, i32, i32
  }
  func.func @transform_7(%arg0: i32, %arg1: i32) -> (i32, i32, i32, i32) {
    %c0_i32 = arith.constant 0 : i32
    %c0_i32_0 = arith.constant 0 : i32
    %c0_i32_1 = arith.constant 0 : i32
    return %arg0, %arg1, %c0_i32, %c0_i32_0 : i32, i32, i32, i32
  }
  func.func @transform_8(%arg0: i32, %arg1: i32) -> (i32, i32, i32, i32) {
    %c0_i32 = arith.constant 0 : i32
    %c0_i32_0 = arith.constant 0 : i32
    %c0_i32_1 = arith.constant 0 : i32
    return %arg0, %arg1, %c0_i32, %c0_i32_0 : i32, i32, i32, i32
  }
}

</mosaic_0001>

<sc_bundles>
// kernel: kernel.4.cloned.1.call-start
scs
__scs_entry_jumppad:
0x0: {  	(pc) =	sbr.rel $0x88, $3  }
0x1: {  	(tag) =	ssettag $0x0;
	lr =	simm.s32 $0x1  }
0x2: {  	[smem:$0x3F9D] =	sst lr;
	_ =	strace $0xD0000000  }
0x3: {  	_ = 	snop  }
0x4: {  	_ = 	snop  }
0x5: {  	_ = 	snop  }
0x6: {  	_ = 	snop  }
0x7: {  	_ = 	snop  }
__scs_overlays_trampoline_lowered:
0x8: {  	[smem:$0x3FAC] =	sst s0  }
0x9: {  	[smem:$0x3FAD] =	sst s1  }
0xa: {  	[smem:$0x3FAE] =	sst s2  }
0xb: {  	[smem:$0x3FAF] =	sst s3  }
0xc: {  	[smem:$0x3FB0] =	sst s4  }
0xd: {  	[smem:$0x3FB1] =	sst s5  }
0xe: {  	[smem:$0x3FB2] =	sst s6  }
0xf: {  	[smem:$0x3FB3] =	sst s7  }
0x10: {  	[smem:$0x3FB4] =	sst s8  }
0x11: {  	[smem:$0x3FB5] =	sst s9;
	s0 =	simm.s32 @!p0 $0x0  }
0x12: {  	s1 =	sld [smem:$0x3F9B];
	s0 =	simm.s32 @p0 $0x1  }
0x13: {  	[smem:$0x3FB6] =	sst s0;
	s0 =	simm.s32 @!p1 $0x0  }
0x14: {  	s2 =	sld [smem:$0x3F9A];
	s0 =	simm.s32 @p1 $0x1  }
0x15: {  	[smem:$0x3FB7] =	sst s0;
	s0 =	simm.s32 @!p2 $0x0  }
0x16: {  	s3 =	sld [smem:$0x3FDB];
	s0 =	simm.s32 @p2 $0x1  }
0x17: {  	s4 =	simm.s32 $0x1BF5;
	[smem:$0x3FB9] =	sst s0  }
0x18: {  	s0 =	sld [smem:$0x3F9C];
	_ =	swait.ge [sflag:s4], $0x0  }
0x19: {  	s7 =	sld [smem:$0x3F9D]  }
0x1a: {  	s8 =	sadd.s32 $0xFFFFE003, lr  }
0x1b: {  	s9 =	sadd.s32 $0xFFFFFEF7, lr;
	s5 =	simm.s32 $0xFFFFFFFF;
	p2 =	slt.u32 s8, $0xFFFFF086  }
0x1c: {  	p1 =	slt.u32 s9, $0xF7A;
	s5 =	simm.s32 @!p2 $0x0  }
0x1d: {  	s5 =	simm.s32 @p1 $0x1;
	p0 =	seq.s32 s7, s2  }
0x1e: {  	s7 =	smul.u32 @!p0 $0xF7A, s2;
	p2 =	seq.s32 @!p0 s5, $0x0  }
0x1f: {  	s9 =	smul.u32 $0xF7A, s1;
	s8 =	simm.s32 @!p0 $0x1BF5;
	p2 =	por !p2, p0  }
0x20: {  	[sflag:s8] =	ssyncset.s32 @!p0 $0xFFFFF086;
	s6 =	sadd.s32 @!p0 s3, s7;
	s7 =	simm.s32 @!p0 $0x108  }
0x21: {  	s3 =	sadd.s32 s3, s9;
	s6 =	sadd.s32 @!p0 $0x88, s6;
	s7 =	simm.s32 @p2 $0x1082  }
0x22: {  	[simem:s7], [sflag:s8] =	dma.local @!p0 [hbm:s6], $0xF7A  }
0x23: {  	s9 =	sor.u32 $0xD0000000, s2;
	s6 =	simm.s32 $0x108;
	_ =	swait.ge @!p0 [sflag:s8], $0x0  }
0x24: {  	s3 =	sadd.s32 $0x88, s3;
	s6 =	simm.s32 @!p1 $0x1082;
	[sflag:s4] =	ssyncset.s32 $0xFFFFF086  }
0x25: {  	[simem:s6], [sflag:s4] =	dma.local [hbm:s3], $0xF7A  }
0x26: {  	[smem:$0x3F9D] =	sst s1;
	(tag) =	ssettag s2;
	_ =	strace s9  }
0x27: {  	s1 =	sld [smem:$0x3FAD]  }
0x28: {  	s2 =	sld [smem:$0x3FAE]  }
0x29: {  	s4 =	sld [smem:$0x3FB0]  }
0x2a: {  	p0 =	seq.s32 s5, $0x0;
	s5 =	sld [smem:$0x3FB1]  }
0x2b: {  	s6 =	sld [smem:$0x3FB2]  }
0x2c: {  	s7 =	sld [smem:$0x3FB3]  }
0x2d: {  	s3 =	simm.s32 $0x108;
	s8 =	sld [smem:$0x3FB4]  }
0x2e: {  	s3 =	simm.s32 @!p0 $0x1082;
	s9 =	sld [smem:$0x3FB5]  }
0x2f: {  	lr =	sadd.s32 s0, s3;
	s0 =	sld [smem:$0x3FAC]  }
0x30: {  	s3 =	sld [smem:$0x3FAF]  }
0x31: {  	[smem:$0x3FB8] =	sst s10  }
0x32: {  	s10 =	sld [smem:$0x3FB6];
	_ =	sdelay $0x3  }
0x33: {  	p0 =	seq.s32 s10, $0x1;
	s10 =	sld [smem:$0x3FB8];
	_ =	sdelay $0x3  }
0x34: {  	[smem:$0x3FB8] =	sst s10  }
0x35: {  	s10 =	sld [smem:$0x3FB7];
	_ =	sdelay $0x3  }
0x36: {  	p1 =	seq.s32 s10, $0x1;
	s10 =	sld [smem:$0x3FB8];
	_ =	sdelay $0x3  }
0x37: {  	[smem:$0x3FB8] =	sst s10  }
0x38: {  	s10 =	sld [smem:$0x3FB9]  }
0x39: {  	_ = 	snop;
	(pc) =	sbr.ind lr, $3  }
0x3a: {  	_ = 	snop  }
0x3b: {  	_ = 	snop  }
0x3c: {  	p2 =	seq.s32 s10, $0x1;
	s10 =	sld [smem:$0x3FB8]  }
0x3d: {  	_ =	shalt  }
0x3e: {  	_ =	shalt  }
0x3f: {  	_ =	shalt  }
0x40: {  	_ =	shalt  }
0x41: {  	_ =	shalt  }
0x42: {  	_ =	shalt  }
0x43: {  	_ =	shalt  }
0x44: {  	_ =	shalt  }
0x45: {  	_ =	shalt  }
0x46: {  	_ =	shalt  }
0x47: {  	_ =	shalt  }
0x48: {  	_ =	shalt  }
0x49: {  	_ =	shalt  }
0x4a: {  	_ =	shalt  }
0x4b: {  	_ =	shalt  }
0x4c: {  	_ =	shalt  }
0x4d: {  	_ =	shalt  }
0x4e: {  	_ =	shalt  }
0x4f: {  	_ =	shalt  }
0x50: {  	_ =	shalt  }
0x51: {  	_ =	shalt  }
0x52: {  	_ =	shalt  }
0x53: {  	_ =	shalt  }
0x54: {  	_ =	shalt  }
0x55: {  	_ =	shalt  }
0x56: {  	_ =	shalt  }
0x57: {  	_ =	shalt  }
0x58: {  	_ =	shalt  }
0x59: {  	_ =	shalt  }
0x5a: {  	_ =	shalt  }
0x5b: {  	_ =	shalt  }
0x5c: {  	_ =	shalt  }
0x5d: {  	_ =	shalt  }
0x5e: {  	_ =	shalt  }
0x5f: {  	_ =	shalt  }
0x60: {  	_ =	shalt  }
0x61: {  	_ =	shalt  }
0x62: {  	_ =	shalt  }
0x63: {  	_ =	shalt  }
0x64: {  	_ =	shalt  }
0x65: {  	_ =	shalt  }
0x66: {  	_ =	shalt  }
0x67: {  	_ =	shalt  }
0x68: {  	_ =	shalt  }
0x69: {  	_ =	shalt  }
0x6a: {  	_ =	shalt  }
0x6b: {  	_ =	shalt  }
0x6c: {  	_ =	shalt  }
0x6d: {  	_ =	shalt  }
0x6e: {  	_ =	shalt  }
0x6f: {  	_ =	shalt  }
0x70: {  	_ =	shalt  }
0x71: {  	_ =	shalt  }
0x72: {  	_ =	shalt  }
0x73: {  	_ =	shalt  }
0x74: {  	_ =	shalt  }
0x75: {  	_ =	shalt  }
0x76: {  	_ =	shalt  }
0x77: {  	_ =	shalt  }
0x78: {  	_ =	shalt  }
0x79: {  	_ =	shalt  }
0x7a: {  	_ =	shalt  }
0x7b: {  	_ =	shalt  }
0x7c: {  	_ =	shalt  }
0x7d: {  	_ =	shalt  }
0x7e: {  	_ =	shalt  }
0x7f: {  	_ =	shalt  }
0x80: {  	_ =	shalt  }
0x81: {  	_ =	shalt  }
0x82: {  	_ =	shalt  }
0x83: {  	_ =	shalt  }
0x84: {  	_ =	shalt  }
0x85: {  	_ =	shalt  }
0x86: {  	_ =	shalt  }
0x87: {  	_ =	shalt  }
.Lfunc_end0:
.L_simem_size_0:
called_computation_lowered:
.L_overlay_start_0:
0x88: {  	s2 =	sld [smem:$0x3FD9]  }
0x89: {  	s3 =	sld [smem:$0x3FFE];
	_ =	sdelay $0x1  }
0x8a: {  	s1 =	srdreg.scid  }
0x8b: {  	s0 =	sand.u32 $0x1, s1  }
0x8c: {  	s17 =	sshll.u32 s0, $0xA;
	s2 =	sadd.s32 s3, s2  }
0x8d: {  	s2 =	sadd.s32 s2, s17  }
0x8e: {  	[smem:$0x3FC4] =	sst s2  }
0x8f: {  	_ = 	snop  }
0x90: {  	s2 =	sld [smem:$0x3FD0];
	(tm) =	ssettm $0x1  }
0x91: {  	s18 =	sld [smem:$0x3FFB];
	_ =	sdelay $0x3  }
0x92: {  	_ =	strace s18  }
0x93: {  	s3 =	sld [smem:$0x3FFC];
	_ =	sdelay $0x3  }
0x94: {  	_ =	strace s3  }
0x95: {  	s3 =	sld [smem:$0x3FFD];
	_ =	sdelay $0x3  }
0x96: {  	_ =	strace s3  }
0x97: {  	_ =	strace $0x8FFFFFFF  }
0x98: {  	s19 =	sld [smem:$0x3FDB];
	_ =	sdelay $0x1  }
0x99: {  	s4 =	simm.s32 $_scs_section_size  }
0x9a: {  	s5 =	simm.s32 $_size__tile_overlayer_lowered;
	s6 =	simm.s32 $_tile_overlayer_lowered  }
0x9b: {  	s22 =	simm.s32 $0x1BFF;
	s21 =	sshll.u32 s6, $0x1;
	s3 =	sadd.s32 s4, s19  }
0x9c: {  	s7 =	simm.s32 $0x0;
	s20 =	sshll.u32 s5, $0x1;
	s5 =	sadd.s32 s21, s3  }
0x9d: {  	[timem:s7], [sflag:s22] =	dma.local [hbm:s5], s20  }
0x9e: {  	_ =	swait.ge [sflag:s22], s20  }
0x9f: {  	s4 =	ssub.s32 $0x0, s20;
	[sflag:s22] =	ssyncset.done $0x0  }
0xa0: {  	[sflag:s22] =	ssyncadd.s32 s4;
	_ =	sdelay $0x1  }
0xa1: {  	s23 =	simm.s32 $0x1B8B  }
0xa2: {  	_ =	swait.ge [sflag:s23], $0x1  }
0xa3: {  	[sflag:s23] =	ssyncset.done $0x0  }
0xa4: {  	s25 =	simm.s32 $0x1B8E;
	s24 =	sld [smem:$0x3FFE];
	[sflag:s23] =	ssyncadd.s32 $0xFFFFFFFF  }
0xa5: {  	s26 =	simm.s32 $execute0_lowered;
	[smem:$0x3FD2] =	sst s25  }
0xa6: {  	s5 =	sshll.u32 s26, $0x1;
	_ =	strace $0x80000046;
	[dreg:$0x1] =	wrdreg $0xFFFFFFFF  }
0xa7: {  	s28 =	simm.s32 $_size_execute0_lowered;
	s3 =	sadd.s32 s3, s5;
	[dreg:$0x0] =	wrdreg $0x0  }
0xa8: {  	s5 =	sshll.u32 s28, $0x1;
	[dreg:$0x2] =	wrdreg s3  }
0xa9: {  	[dreg:$0x3] =	wrdreg s5  }
0xaa: {  	[dreg:$0x4] =	wrdreg $0xC0  }
0xab: {  	_ =	task [dreg:s7], $0x5FFFF  }
0xac: {  	[dreg:$0x1] =	wrdreg $0xFFFFFFFF  }
0xad: {  	[dreg:$0x0] =	wrdreg $0x60  }
0xae: {  	[dreg:$0x2] =	wrdreg s24  }
0xaf: {  	[dreg:$0x3] =	wrdreg s2  }
0xb0: {  	[dreg:$0x4] =	wrdreg $0x9  }
0xb1: {  	_ =	task.clear_ibuf [dreg:s7], $0x5FFFF;
	_ =	strace $0x90000046  }
0xb2: {  	s29 =	simm.s32 $0x9;
	_ =	strace $0x80000048  }
0xb3: {  	_ =	swait.ge [sflag:s29], $0x1  }
0xb4: {  	[sflag:s29] =	ssyncadd.s32 $0xFFFFFFFF  }
0xb5: {  	_ =	strace $0x90000048  }
0xb6: {  	_ =	sfence  }
0xb7: {  	s30 =	sld [smem:$0x0];
	_ =	sdelay $0x2  }
0xb8: {  	s31 =	sshll.u32 s1, $0xD;
	s1 =	sshrl.u32 s1, $0x2  }
0xb9: {  	s3 =	sand.u32 $0x4000, s31;
	s1 =	sadd.s32 s1, s30  }
0xba: {  	s0 =	sor.u32 s3, s0;
	s1 =	sshll.u32 s1, $0x11  }
0xbb: {  	s0 =	sor.u32 s1, s0  }
0xbc: {  	s0 =	sadd.s32 $0x8F2B, s0  }
0xbd: {  	[sflag:s0] =	ssyncadd.remote.s32 $0x1  }
0xbe: {  	_ =	sfence.sel $0xFFFF  }
0xbf: {  	[dreg:$0x0] =	wrdreg $0xFFFFFFFF;
	(pc) =	sbr.abs _section_cstart, $3  }
0xc0: {  	[dreg:$0x1] =	wrdreg $0xFFFFFFFF  }
0xc1: {  	_ =	task.clear_ibuf [dreg:s7], $0x2FFFF;
	_ =	strace $0x9FFFFFFF  }
0xc2: {  	(tm) =	ssettm $0x7FFFFFFF  }
0xc3: {  	_ =	shalt  }
tec
execute0_lowered:
.L_overlay_start_1:
0x0: {  	(tag) =	ssettag $0x1  }
0x1: {  	v0 =	vlaneseq.u32  }
0x2: {  	v60 =	vmul.u32 $0x41, v0;
	_ =	sdelay $0x1  }
0x3: {  	s9 =	rddreg [dreg:$0x0];
	v0 =	vadd.s32 $0x2, v60  }
0x4: {  	s1 =	rddreg [dreg:$0x1];
	s2 =	simm.s32 $0x0;
	[tilespmem:$0x1FC00] =	vst v0;
	v0 =	vadd.s32 $0x3, v60  }
0x5: {  	[smem:$0x7FF] =	sst s2;
	v63 =	vadd.s32 $0x3F, v60;
	[tilespmem:$0x1FC10] =	vst v0  }
0x6: {  	s0 =	rddreg [dreg:$0x2];
	v1 =	vadd.s32 $0x3E, v60;
	_ =	strace $0x80000047;
	[tilespmem:$0x1FC20] =	vst v63  }
0x7: {  	v2 =	vadd.s32 $0x3D, v60;
	[tilespmem:$0x1FC30] =	vst v1  }
0x8: {  	v3 =	vadd.s32 $0x3C, v60;
	[tilespmem:$0x1FC40] =	vst v2  }
0x9: {  	v4 =	vadd.s32 $0x3B, v60;
	[tilespmem:$0x1FC50] =	vst v3  }
0xa: {  	v5 =	vadd.s32 $0x3A, v60;
	[tilespmem:$0x1FC60] =	vst v4  }
0xb: {  	v6 =	vadd.s32 $0x39, v60;
	[tilespmem:$0x1FC70] =	vst v5  }
0xc: {  	v7 =	vadd.s32 $0x38, v60;
	[tilespmem:$0x1FC80] =	vst v6  }
0xd: {  	v8 =	vadd.s32 $0x37, v60;
	[tilespmem:$0x1FC90] =	vst v7  }
0xe: {  	v9 =	vadd.s32 $0x36, v60;
	[tilespmem:$0x1FCA0] =	vst v8  }
0xf: {  	v10 =	vadd.s32 $0x35, v60;
	[tilespmem:$0x1FCB0] =	vst v9  }
0x10: {  	v11 =	vadd.s32 $0x34, v60;
	[tilespmem:$0x1FCC0] =	vst v10  }
0x11: {  	v12 =	vadd.s32 $0x33, v60;
	[tilespmem:$0x1FCD0] =	vst v11  }
0x12: {  	v13 =	vadd.s32 $0x32, v60;
	[tilespmem:$0x1FCE0] =	vst v12  }
0x13: {  	v14 =	vadd.s32 $0x31, v60;
	[tilespmem:$0x1FCF0] =	vst v13  }
0x14: {  	v15 =	vadd.s32 $0x30, v60;
	[tilespmem:$0x1FD00] =	vst v14  }
0x15: {  	v16 =	vadd.s32 $0x2F, v60;
	[tilespmem:$0x1FD10] =	vst v15  }
0x16: {  	v17 =	vadd.s32 $0x2E, v60;
	[tilespmem:$0x1FD20] =	vst v16  }
0x17: {  	v18 =	vadd.s32 $0x2D, v60;
	[tilespmem:$0x1FD30] =	vst v17  }
0x18: {  	v21 =	vadd.s32 $0x2C, v60;
	[tilespmem:$0x1FD40] =	vst v18  }
0x19: {  	v22 =	vadd.s32 $0x2B, v60;
	[tilespmem:$0x1FD50] =	vst v21  }
0x1a: {  	v23 =	vadd.s32 $0x2A, v60;
	[tilespmem:$0x1FD60] =	vst v22  }
0x1b: {  	v19 =	vadd.s32 $0x29, v60;
	[tilespmem:$0x1FD70] =	vst v23  }
0x1c: {  	v20 =	vadd.s32 $0x28, v60;
	[tilespmem:$0x1FD80] =	vst v19  }
0x1d: {  	v27 =	vadd.s32 $0x26, v60;
	[tilespmem:$0x1FD90] =	vst v20  }
0x1e: {  	v28 =	vadd.s32 $0x25, v60;
	[tilespmem:$0x1FDA0] =	vst v27  }
0x1f: {  	v29 =	vadd.s32 $0x24, v60;
	[tilespmem:$0x1FDB0] =	vst v28  }
0x20: {  	v30 =	vadd.s32 $0x27, v60;
	[tilespmem:$0x1FDC0] =	vst v29  }
0x21: {  	v25 =	vadd.s32 $0x23, v60;
	[tilespmem:$0x1FDD0] =	vst v30  }
0x22: {  	v26 =	vadd.s32 $0x22, v60;
	[tilespmem:$0x1FDE0] =	vst v25  }
0x23: {  	v33 =	vadd.s32 $0x20, v60;
	[tilespmem:$0x1FDF0] =	vst v26  }
0x24: {  	v34 =	vadd.s32 $0x1F, v60;
	[tilespmem:$0x1FE00] =	vst v33  }
0x25: {  	v35 =	vadd.s32 $0x1E, v60;
	[tilespmem:$0x1FE10] =	vst v34  }
0x26: {  	v36 =	vadd.s32 $0x21, v60;
	[tilespmem:$0x1FE20] =	vst v35  }
0x27: {  	v31 =	vadd.s32 $0x1D, v60;
	[tilespmem:$0x1FE30] =	vst v36  }
0x28: {  	v32 =	vadd.s32 $0x1C, v60;
	[tilespmem:$0x1FE40] =	vst v31  }
0x29: {  	v39 =	vadd.s32 $0x1A, v60;
	[tilespmem:$0x1FE50] =	vst v32  }
0x2a: {  	v40 =	vadd.s32 $0x19, v60;
	[tilespmem:$0x1FE60] =	vst v39  }
0x2b: {  	v41 =	vadd.s32 $0x18, v60;
	[tilespmem:$0x1FE70] =	vst v40  }
0x2c: {  	v42 =	vadd.s32 $0x1B, v60;
	[tilespmem:$0x1FE80] =	vst v41  }
0x2d: {  	v37 =	vadd.s32 $0x17, v60;
	[tilespmem:$0x1FE90] =	vst v42  }
0x2e: {  	v38 =	vadd.s32 $0x16, v60;
	[tilespmem:$0x1FEA0] =	vst v37  }
0x2f: {  	v45 =	vadd.s32 $0x14, v60;
	[tilespmem:$0x1FEB0] =	vst v38  }
0x30: {  	v46 =	vadd.s32 $0x13, v60;
	[tilespmem:$0x1FEC0] =	vst v45  }
0x31: {  	v47 =	vadd.s32 $0x12, v60;
	[tilespmem:$0x1FED0] =	vst v46  }
0x32: {  	v48 =	vadd.s32 $0x15, v60;
	[tilespmem:$0x1FEE0] =	vst v47  }
0x33: {  	v43 =	vadd.s32 $0x11, v60;
	[tilespmem:$0x1FEF0] =	vst v48  }
0x34: {  	v44 =	vadd.s32 $0x10, v60;
	[tilespmem:$0x1FF00] =	vst v43  }
0x35: {  	v51 =	vadd.s32 $0xE, v60;
	[tilespmem:$0x1FF10] =	vst v44  }
0x36: {  	v52 =	vadd.s32 $0xD, v60;
	[tilespmem:$0x1FF20] =	vst v51  }
0x37: {  	v53 =	vadd.s32 $0xC, v60;
	[tilespmem:$0x1FF30] =	vst v52  }
0x38: {  	v54 =	vadd.s32 $0xF, v60;
	[tilespmem:$0x1FF40] =	vst v53  }
0x39: {  	v49 =	vadd.s32 $0xB, v60;
	[tilespmem:$0x1FF50] =	vst v54  }
0x3a: {  	v50 =	vadd.s32 $0xA, v60;
	[tilespmem:$0x1FF60] =	vst v49  }
0x3b: {  	v55 =	vadd.s32 $0x8, v60;
	[tilespmem:$0x1FF70] =	vst v50  }
0x3c: {  	v56 =	vadd.s32 $0x7, v60;
	[tilespmem:$0x1FF80] =	vst v55  }
0x3d: {  	s6 =	srdreg.scid;
	s14 =	simm.s32 $0x18600;
	v57 =	vadd.s32 $0x9, v60;
	[tilespmem:$0x1FF90] =	vst v56  }
0x3e: {  	s15 =	simm.s32 $0x0;
	s3 =	sadd.s32 $0x652C00, s9;
	s4 =	sadd.s32 $0x5F400, s9;
	v58 =	vadd.s32 $0x6, v60;
	[tilespmem:$0x1FFA0] =	vst v57  }
0x3f: {  	s5 =	sadd.s32 $0x1400, s9;
	s10 =	sand.u32 $0x1, s6;
	s7 =	sadd.s32 $0x18C00, s9;
	v59 =	vadd.s32 $0x5, v60;
	[tilespmem:$0x1FFB0] =	vst v58  }
0x40: {  	s6 =	stileid.u32;
	s8 =	sadd.s32 $0x30400, s9;
	s11 =	ssub.s32 $0x2, s10;
	v61 =	vadd.s32 $0x4, v60;
	[tilespmem:$0x1FFC0] =	vst v59  }
0x41: {  	s9 =	sadd.s32 $0x47C00, s9;
	s13 =	sshll.u32 s6, $0x1;
	s12 =	sshrl.u32 s11, $0x1;
	[tilespmem:$0x1FFD0] =	vst v61  }
0x42: {  	v62 =	vadd.s32 $0x1, v60;
	s10 =	sor.u32 s10, s13;
	s13 =	simm.s32 $0x8200;
	s11 =	ssub.s32 s11, s12;
	[tilespmem:$0x1FFE0] =	vst v60  }
0x43: {  	s10 =	smul.u32 $0x5DC0, s10;
	s12 =	simm.s32 $0x1;
	s11 =	smax.u32 s11, $0x1;
	[tilespmem:$0x1FFF0] =	vst v62  }
.LBB2_1:
0x44: {  	[tilespmem:s2], [sflag:$0x1] =	stream.linear.gather [hbm4b:s3+s2], $0x8200, $0x38;
	[tilespmem:$0x18A00] =	vst v63  }
0x45: {  	_ =	swait.ge [sflag:s12], $0x8200  }
0x46: {  	[sflag:s12] =	ssyncset.done $0x0  }
0x47: {  	s16 =	simm.s32 $0x0;
	[sflag:s12] =	ssyncadd.s32 $0xFFFF7E00  }
.LBB2_2:
0x48: {  	s17 =	smul.u32 $0x3C0, s16;
	_ =	sdelay $0x1  }
0x49: {  	s17 =	sadd.s32 s10, s17  }
0x4a: {  	s18 =	smul.u32 $0x41, s17;
	_ =	sdelay $0x1  }
0x4b: {  	s18 =	sshrl.u32 s18, $0x3  }
0x4c: {  	s20 =	simm.s32 $0x0;
	s18 =	sadd.s32 s4, s18  }
0x4d: {  	[tilespmem:s13], [sflag:$0x1] =	stream.linear.gather [hbm4b:s18+s20], $0xF3C0, $0x38;
	[tilespmem:$0x18A00] =	vst v63  }
0x4e: {  	_ =	swait.ge [sflag:s12], $0xF3C0  }
0x4f: {  	s17 =	sshrl.u32 s17, $0x3;
	[sflag:s12] =	ssyncset.done $0x0  }
0x50: {  	s21 =	simm.s32 $0x17600;
	s30 =	sadd.s32 s5, s17;
	[sflag:s12] =	ssyncadd.s32 $0xFFFF0C40  }
0x51: {  	[tilespmem:s21], [sflag:$0x1] =	stream.linear.gather [hbm4b:s30+s20], $0x3C0, $0x38;
	[tilespmem:$0x18A00] =	vst v63  }
0x52: {  	_ =	swait.ge [sflag:s12], $0x3C0  }
0x53: {  	[sflag:s12] =	ssyncset.done $0x0  }
0x54: {  	s22 =	simm.s32 $0x17A00;
	s31 =	sadd.s32 s7, s17;
	[sflag:s12] =	ssyncadd.s32 $0xFFFFFC40  }
0x55: {  	[tilespmem:s22], [sflag:$0x1] =	stream.linear.gather [hbm4b:s31+s20], $0x3C0, $0x38;
	[tilespmem:$0x18A00] =	vst v63  }
0x56: {  	_ =	swait.ge [sflag:s12], $0x3C0  }
0x57: {  	[sflag:s12] =	ssyncset.done $0x0  }
0x58: {  	s19 =	sadd.s32 s8, s17;
	s18 =	simm.s32 $0x17E00;
	[sflag:s12] =	ssyncadd.s32 $0xFFFFFC40  }
0x59: {  	[tilespmem:s18], [sflag:$0x1] =	stream.linear.gather [hbm4b:s19+s20], $0x3C0, $0x38;
	[tilespmem:$0x18A00] =	vst v63  }
0x5a: {  	_ =	swait.ge [sflag:s12], $0x3C0  }
0x5b: {  	[sflag:s12] =	ssyncset.done $0x0  }
0x5c: {  	v0 =	vadd.s32 s20, v63;
	s23 =	sadd.s32 s9, s17;
	s19 =	simm.s32 $0x18200;
	[sflag:s12] =	ssyncadd.s32 $0xFFFFFC40  }
0x5d: {  	v4 =	vadd.s32 s20, v4;
	[tilespmem:s19], [sflag:$0x1] =	stream.linear.gather [hbm4b:s23+s20], $0x3C0, $0x38;
	[tilespmem:$0x18A00] =	vst v63  }
0x5e: {  	v5 =	vadd.s32 s20, v5;
	_ =	swait.ge [sflag:s12], $0x3C0  }
0x5f: {  	v6 =	vadd.s32 s20, v6;
	[sflag:s12] =	ssyncset.done $0x0  }
0x60: {  	v7 =	vadd.s32 s20, v7;
	[sflag:s12] =	ssyncadd.s32 $0xFFFFFC40  }
0x61: {  	v8 =	vadd.s32 s20, v8;
	v0 =	vld.idx.msk [tilespmem:v0+s13+$0x0], $0xffff  }
0x62: {  	v9 =	vadd.s32 s20, v9;
	v4 =	vld.idx.msk [tilespmem:v4+s13+$0x0], $0xffff  }
0x63: {  	v10 =	vadd.s32 s20, v10;
	v5 =	vld.idx.msk [tilespmem:v5+s13+$0x0], $0xffff  }
0x64: {  	v11 =	vadd.s32 s20, v11;
	v6 =	vld.idx.msk [tilespmem:v6+s13+$0x0], $0xffff  }
0x65: {  	v12 =	vadd.s32 s20, v12;
	v7 =	vld.idx.msk [tilespmem:v7+s13+$0x0], $0xffff  }
0x66: {  	v13 =	vadd.s32 s20, v13;
	v8 =	vld.idx.msk [tilespmem:v8+s13+$0x0], $0xffff  }
0x67: {  	v14 =	vadd.s32 s20, v14;
	v9 =	vld.idx.msk [tilespmem:v9+s13+$0x0], $0xffff  }
0x68: {  	v15 =	vadd.s32 s20, v15;
	v10 =	vld.idx.msk [tilespmem:v10+s13+$0x0], $0xffff  }
0x69: {  	v16 =	vadd.s32 s20, v16;
	v11 =	vld.idx.msk [tilespmem:v11+s13+$0x0], $0xffff  }
0x6a: {  	v17 =	vadd.s32 s20, v17;
	v12 =	vld.idx.msk [tilespmem:v12+s13+$0x0], $0xffff  }
0x6b: {  	v18 =	vadd.s32 s20, v18;
	v13 =	vld.idx.msk [tilespmem:v13+s13+$0x0], $0xffff  }
0x6c: {  	v21 =	vadd.s32 s20, v21;
	v14 =	vld.idx.msk [tilespmem:v14+s13+$0x0], $0xffff  }
0x6d: {  	v22 =	vadd.s32 s20, v22;
	v15 =	vld.idx.msk [tilespmem:v15+s13+$0x0], $0xffff  }
0x6e: {  	v23 =	vadd.s32 s20, v23;
	v16 =	vld.idx.msk [tilespmem:v16+s13+$0x0], $0xffff  }
0x6f: {  	v24 =	vadd.s32 s20, v19;
	v19 =	vld.idx.msk [tilespmem:v17+s13+$0x0], $0xffff  }
0x70: {  	v27 =	vadd.s32 s20, v27;
	v17 =	vadd.s32 s20, v20;
	v20 =	vld.idx.msk [tilespmem:v18+s13+$0x0], $0xffff  }
0x71: {  	v28 =	vadd.s32 s20, v28;
	v21 =	vld.idx.msk [tilespmem:v21+s13+$0x0], $0xffff  }
0x72: {  	v29 =	vadd.s32 s20, v29;
	v22 =	vld.idx.msk [tilespmem:v22+s13+$0x0], $0xffff  }
0x73: {  	v33 =	vadd.s32 s20, v33;
	v23 =	vld.idx.msk [tilespmem:v23+s13+$0x0], $0xffff  }
0x74: {  	v34 =	vadd.s32 s20, v34;
	v24 =	vld.idx.msk [tilespmem:v24+s13+$0x0], $0xffff  }
0x75: {  	v35 =	vadd.s32 s20, v35;
	v27 =	vld.idx.msk [tilespmem:v27+s13+$0x0], $0xffff  }
0x76: {  	v39 =	vadd.s32 s20, v39;
	v28 =	vld.idx.msk [tilespmem:v28+s13+$0x0], $0xffff  }
0x77: {  	v40 =	vadd.s32 s20, v40;
	v29 =	vld.idx.msk [tilespmem:v29+s13+$0x0], $0xffff  }
0x78: {  	v33 =	vld.idx.msk [tilespmem:v33+s13+$0x0], $0xffff  }
0x79: {  	v18 =	vadd.s32 s20, v30;
	v34 =	vld.idx.msk [tilespmem:v34+s13+$0x0], $0xffff  }
0x7a: {  	v41 =	vadd.s32 s20, v41;
	v35 =	vld.idx.msk [tilespmem:v35+s13+$0x0], $0xffff  }
0x7b: {  	v45 =	vadd.s32 s20, v45;
	v39 =	vld.idx.msk [tilespmem:v39+s13+$0x0], $0xffff  }
0x7c: {  	v46 =	vadd.s32 s20, v46;
	v40 =	vld.idx.msk [tilespmem:v40+s13+$0x0], $0xffff  }
0x7d: {  	v30 =	vadd.s32 s20, v25;
	v25 =	vld.idx.msk [tilespmem:v17+s13+$0x0], $0xffff;
	v17 =	vadd.s32 s20, v26  }
0x7e: {  	v26 =	vld.idx.msk [tilespmem:v18+s13+$0x0], $0xffff;
	v18 =	vadd.s32 s20, v36  }
0x7f: {  	v47 =	vadd.s32 s20, v47;
	v41 =	vld.idx.msk [tilespmem:v41+s13+$0x0], $0xffff  }
0x80: {  	v51 =	vadd.s32 s20, v51;
	v45 =	vld.idx.msk [tilespmem:v45+s13+$0x0], $0xffff  }
0x81: {  	v52 =	vadd.s32 s20, v52;
	v46 =	vld.idx.msk [tilespmem:v46+s13+$0x0], $0xffff  }
0x82: {  	[tilespmem:$0x1FAB0] =	vst v4;
	v4 =	vadd.s32 s20, v31;
	v31 =	vld.idx.msk [tilespmem:v17+s13+$0x0], $0xffff;
	v17 =	vadd.s32 s20, v32  }
0x83: {  	v32 =	vld.idx.msk [tilespmem:v18+s13+$0x0], $0xffff;
	v18 =	vadd.s32 s20, v42  }
0x84: {  	v53 =	vadd.s32 s20, v53;
	v47 =	vld.idx.msk [tilespmem:v47+s13+$0x0], $0xffff  }
0x85: {  	v55 =	vadd.s32 s20, v55;
	v51 =	vld.idx.msk [tilespmem:v51+s13+$0x0], $0xffff  }
0x86: {  	v56 =	vadd.s32 s20, v56;
	v52 =	vld.idx.msk [tilespmem:v52+s13+$0x0], $0xffff  }
0x87: {  	[tilespmem:$0x1FAA0] =	vst v5;
	v5 =	vadd.s32 s20, v37;
	v37 =	vld.idx.msk [tilespmem:v17+s13+$0x0], $0xffff;
	v17 =	vadd.s32 s20, v38  }
0x88: {  	v38 =	vld.idx.msk [tilespmem:v18+s13+$0x0], $0xffff;
	v18 =	vadd.s32 s20, v48  }
0x89: {  	v1 =	vadd.s32 s20, v1;
	v53 =	vld.idx.msk [tilespmem:v53+s13+$0x0], $0xffff  }
0x8a: {  	v55 =	vld.idx.msk [tilespmem:v55+s13+$0x0], $0xffff  }
0x8b: {  	v56 =	vld.idx.msk [tilespmem:v56+s13+$0x0], $0xffff  }
0x8c: {  	[tilespmem:$0x1FA90] =	vst v6;
	v6 =	vadd.s32 s20, v43;
	v43 =	vld.idx.msk [tilespmem:v17+s13+$0x0], $0xffff;
	v17 =	vadd.s32 s20, v44  }
0x8d: {  	v44 =	vld.idx.msk [tilespmem:v18+s13+$0x0], $0xffff;
	v18 =	vadd.s32 s20, v54  }
0x8e: {  	[tilespmem:$0x1FAF0] =	vst v0;
	v0 =	vld.idx.msk [tilespmem:v1+s13+$0x0], $0xffff  }
0x8f: {  	v61 =	vadd.s32 s20, v61;
	[tilespmem:$0x1FA60] =	vst v9;
	v9 =	vld [tilespmem:s22+$0x0]  }
0x90: {  	v2 =	vadd.s32 s20, v2;
	[tilespmem:$0x1FA50] =	vst v10;
	v10 =	vld [tilespmem:$0x1FC10]  }
0x91: {  	[tilespmem:$0x1FA80] =	vst v7;
	v7 =	vadd.s32 s20, v49;
	v49 =	vld.idx.msk [tilespmem:v17+s13+$0x0], $0xffff;
	v17 =	vadd.s32 s20, v50  }
0x92: {  	v50 =	vld.idx.msk [tilespmem:v18+s13+$0x0], $0xffff;
	v18 =	vadd.s32 s20, v57  }
0x93: {  	[tilespmem:$0x1FA00] =	vst v15;
	v15 =	vld [tilespmem:$0x1FC00]  }
0x94: {  	[tilespmem:$0x1FA70] =	vst v8;
	v8 =	vmov v60;
	v60 =	vld.idx.msk [tilespmem:v61+s13+$0x0], $0xffff  }
0x95: {  	v3 =	vadd.s32 s20, v3;
	[tilespmem:$0x1FAE0] =	vst v0;
	v0 =	vld.idx.msk [tilespmem:v2+s13+$0x0], $0xffff  }
0x96: {  	v57 =	vld.idx.msk [tilespmem:v17+s13+$0x0], $0xffff  }
0x97: {  	v17 =	vadd.s32 s20, v58;
	v58 =	vld.idx.msk [tilespmem:v18+s13+$0x0], $0xffff  }
0x98: {  	v18 =	vld [tilespmem:s21+$0x0]  }
0x99: {  	[tilespmem:$0x1FA40] =	vst v11;
	v42 =	vld.idx.msk [tilespmem:v5+s13+$0x0], $0xffff  }
0x9a: {  	v11 =	vadd.s32 s20, v10;
	[tilespmem:$0x1FAD0] =	vst v0;
	v0 =	vld.idx.msk [tilespmem:v3+s13+$0x0], $0xffff  }
0x9b: {  	v5 =	vadd.s32 s20, v15;
	v48 =	vld.idx.msk [tilespmem:v6+s13+$0x0], $0xffff  }
0x9c: {  	v6 =	vadd.s32 s20, v62;
	v54 =	vld.idx.msk [tilespmem:v7+s13+$0x0], $0xffff  }
0x9d: {  	v7 =	vadd.s32 s20, v8;
	v15 =	vld.idx.msk [tilespmem:v17+s13+$0x0], $0xffff;
	v17 =	vmul.u32 $0x41, v18  }
0x9e: {  	v36 =	vld.idx.msk [tilespmem:v4+s13+$0x0], $0xffff;
	v18 =	vmul.u32 $0x41, v9  }
0x9f: {  	[tilespmem:$0x1FA10] =	vst v14;
	v14 =	vld.idx.msk [tilespmem:v11+s13+$0x0], $0xffff  }
0xa0: {  	v10 =	vld.idx.msk [tilespmem:v5+s13+$0x0], $0xffff;
	v11 =	vadd.s32 $0x1, v17  }
0xa1: {  	[tilespmem:$0x1FA30] =	vst v12;
	v1 =	vld.idx.msk [tilespmem:v6+s13+$0x0], $0xffff;
	v2 =	vadd.s32 $0x1, v18  }
0xa2: {  	[tilespmem:$0x1FAC0] =	vst v0;
	v0 =	vld.idx.msk [tilespmem:v7+s13+$0x0], $0xffff;
	v12 =	vadd.s32 $0x2, v17  }
0xa3: {  	[tilespmem:$0x1FA20] =	vst v13;
	v13 =	vadd.s32 $0x2, v18;
	v5 =	vld.idx.msk [tilespmem:v17+s2+$0x0], $0xffff  }
0xa4: {  	v7 =	vadd.s32 $0x3, v17;
	v6 =	vld.idx.msk [tilespmem:v18+s2+$0x0], $0xffff  }
0xa5: {  	v59 =	vadd.s32 s20, v59;
	v61 =	vld.idx.msk [tilespmem:v11+s2+$0x0], $0xffff  }
0xa6: {  	v62 =	vadd.s32 $0x3, v18;
	v2 =	vld.idx.msk [tilespmem:v2+s2+$0x0], $0xffff  }
0xa7: {  	v3 =	vadd.s32 $0x4, v18;
	v11 =	vld.idx.msk [tilespmem:v12+s2+$0x0], $0xffff  }
0xa8: {  	v9 =	vadd.s32 $0x4, v17;
	v12 =	vld.idx.msk [tilespmem:v13+s2+$0x0], $0xffff  }
0xa9: {  	v4 =	vadd.s32 $0x5, v17;
	v13 =	vld.idx.msk [tilespmem:v7+s2+$0x0], $0xffff  }
0xaa: {  	v59 =	vld.idx.msk [tilespmem:v59+s13+$0x0], $0xffff;
	v7 =	vadd.s32 $0x5, v18;
	v5 =	vmul.f32 v5, v0  }
0xab: {  	v8 =	vld.idx.msk [tilespmem:v62+s2+$0x0], $0xffff;
	v0 =	vmul.f32 v6, v0;
	v6 =	vadd.s32 $0x6, v17  }
0xac: {  	v3 =	vld.idx.msk [tilespmem:v3+s2+$0x0], $0xffff;
	v61 =	vmul.f32 v61, v1;
	v1 =	vmul.f32 v2, v1;
	v5 =	vadd.f32 $0.0e+00, v5  }
0xad: {  	v2 =	vld.idx.msk [tilespmem:v9+s2+$0x0], $0xffff;
	v9 =	vadd.s32 $0x6, v18;
	v11 =	vmul.f32 v11, v10;
	v0 =	vadd.f32 $0.0e+00, v0  }
0xae: {  	v4 =	vld.idx.msk [tilespmem:v4+s2+$0x0], $0xffff;
	v62 =	vmul.f32 v13, v14;
	v5 =	vadd.f32 v61, v5;
	v61 =	vadd.s32 $0x7, v17  }
0xaf: {  	v7 =	vld.idx.msk [tilespmem:v7+s2+$0x0], $0xffff;
	v0 =	vadd.f32 v1, v0;
	v1 =	vmul.f32 v12, v10;
	v12 =	vadd.s32 $0x8, v17  }
0xb0: {  	v30 =	vld.idx.msk [tilespmem:v30+s13+$0x0], $0xffff;
	v14 =	vmul.f32 v8, v14;
	v10 =	vadd.s32 $0x7, v18;
	v5 =	vadd.f32 v11, v5  }
0xb1: {  	v8 =	vadd.s32 $0x8, v18;
	v13 =	vadd.s32 $0x9, v18;
	v6 =	vld.idx.msk [tilespmem:v6+s2+$0x0], $0xffff;
	v0 =	vadd.f32 v1, v0  }
0xb2: {  	v9 =	vld.idx.msk [tilespmem:v9+s2+$0x0], $0xffff;
	v2 =	vmul.f32 v2, v60;
	v11 =	vadd.s32 $0x9, v17;
	v5 =	vadd.f32 v62, v5  }
0xb3: {  	v4 =	vmul.f32 v4, v59;
	v0 =	vadd.f32 v14, v0;
	v62 =	vmul.f32 v3, v60;
	v3 =	vld.idx.msk [tilespmem:v61+s2+$0x0], $0xffff  }
0xb4: {  	v60 =	vmul.f32 v7, v59;
	v7 =	vld.idx.msk [tilespmem:v12+s2+$0x0], $0xffff;
	v61 =	vadd.s32 $0xA, v18;
	v2 =	vadd.f32 v2, v5  }
0xb5: {  	v5 =	vld.idx.msk [tilespmem:v10+s2+$0x0], $0xffff;
	v10 =	vadd.s32 $0xA, v17;
	v0 =	vadd.f32 v62, v0  }
0xb6: {  	v6 =	vmul.f32 v6, v15;
	v2 =	vadd.f32 v4, v2;
	v4 =	vld.idx.msk [tilespmem:v8+s2+$0x0], $0xffff;
	v8 =	vadd.s32 $0xB, v17  }
0xb7: {  	v62 =	vmul.f32 v9, v15;
	v9 =	vld.idx.msk [tilespmem:v11+s2+$0x0], $0xffff;
	v11 =	vadd.s32 $0xB, v18;
	v0 =	vadd.f32 v60, v0  }
0xb8: {  	v60 =	vadd.s32 $0xC, v18;
	v2 =	vadd.f32 v6, v2;
	v6 =	vld.idx.msk [tilespmem:v13+s2+$0x0], $0xffff  }
0xb9: {  	v3 =	vmul.f32 v3, v56;
	v13 =	vadd.s32 $0xC, v17;
	v0 =	vadd.f32 v62, v0;
	v61 =	vld.idx.msk [tilespmem:v61+s2+$0x0], $0xffff  }
0xba: {  	v7 =	vmul.f32 v7, v55;
	v62 =	vadd.s32 $0xD, v17;
	v59 =	vmul.f32 v5, v56;
	v5 =	vld.idx.msk [tilespmem:v10+s2+$0x0], $0xffff  }
0xbb: {  	v56 =	vadd.s32 $0xE, v17;
	v2 =	vadd.f32 v3, v2;
	v15 =	vmul.f32 v4, v55;
	v4 =	vld.idx.msk [tilespmem:v8+s2+$0x0], $0xffff  }
0xbc: {  	v10 =	vadd.s32 $0xF, v17;
	v0 =	vadd.f32 v59, v0;
	v8 =	vadd.s32 $0xD, v18;
	v55 =	vld.idx.msk [tilespmem:v11+s2+$0x0], $0xffff  }
0xbd: {  	v9 =	vmul.f32 v9, v58;
	v59 =	vadd.s32 $0xE, v18;
	v60 =	vld.idx.msk [tilespmem:v60+s2+$0x0], $0xffff;
	v2 =	vadd.f32 v7, v2  }
0xbe: {  	v0 =	vadd.f32 v15, v0;
	v58 =	vmul.f32 v6, v58;
	v6 =	vld.idx.msk [tilespmem:v13+s2+$0x0], $0xffff;
	v61 =	vmul.f32 v61, v57  }
0xbf: {  	v3 =	vld.idx.msk [tilespmem:v62+s2+$0x0], $0xffff;
	v2 =	vadd.f32 v9, v2;
	v5 =	vmul.f32 v5, v57;
	v57 =	vadd.s32 $0x10, v18  }
0xc0: {  	v62 =	vadd.s32 $0xF, v18;
	v56 =	vld.idx.msk [tilespmem:v56+s2+$0x0], $0xffff;
	v0 =	vadd.f32 v58, v0  }
0xc1: {  	v2 =	vadd.f32 v5, v2;
	v5 =	vld.idx.msk [tilespmem:v8+s2+$0x0], $0xffff;
	v4 =	vmul.f32 v4, v54;
	v8 =	vadd.s32 $0x10, v17  }
0xc2: {  	v55 =	vmul.f32 v55, v54;
	v58 =	vld.idx.msk [tilespmem:v59+s2+$0x0], $0xffff;
	v59 =	vadd.s32 $0x11, v17;
	v0 =	vadd.f32 v61, v0  }
0xc3: {  	v9 =	vld.idx.msk [tilespmem:v10+s2+$0x0], $0xffff;
	v54 =	vadd.s32 $0x12, v18;
	v2 =	vadd.f32 v4, v2;
	v6 =	vmul.f32 v6, v53  }
0xc4: {  	v61 =	vadd.s32 $0x11, v18;
	v0 =	vadd.f32 v55, v0;
	v55 =	vld.idx.msk [tilespmem:v57+s2+$0x0], $0xffff  }
0xc5: {  	v7 =	vmul.f32 v56, v51;
	v56 =	vadd.s32 $0x13, v17;
	v2 =	vadd.f32 v6, v2;
	v6 =	vld.idx.msk [tilespmem:v62+s2+$0x0], $0xffff  }
0xc6: {  	v60 =	vmul.f32 v60, v53;
	v62 =	vadd.s32 $0x12, v17;
	v53 =	vld.idx.msk [tilespmem:v8+s2+$0x0], $0xffff  }
0xc7: {  	v3 =	vmul.f32 v3, v52;
	v57 =	vmul.f32 v58, v51;
	v58 =	vld.idx.msk [tilespmem:v59+s2+$0x0], $0xffff;
	v59 =	vadd.s32 $0x13, v18  }
0xc8: {  	v0 =	vadd.f32 v60, v0;
	v52 =	vmul.f32 v5, v52;
	v51 =	vadd.s32 $0x15, v17;
	v8 =	vld.idx.msk [tilespmem:v54+s2+$0x0], $0xffff  }
0xc9: {  	v2 =	vadd.f32 v3, v2;
	v60 =	vld.idx.msk [tilespmem:v61+s2+$0x0], $0xffff;
	v61 =	vadd.s32 $0x14, v17  }
0xca: {  	v54 =	vadd.s32 $0x16, v17;
	v0 =	vadd.f32 v52, v0;
	v52 =	vld.idx.msk [tilespmem:v56+s2+$0x0], $0xffff  }
0xcb: {  	v9 =	vmul.f32 v9, v50;
	v2 =	vadd.f32 v7, v2;
	v56 =	vadd.s32 $0x16, v18;
	v62 =	vld.idx.msk [tilespmem:v62+s2+$0x0], $0xffff  }
0xcc: {  	v6 =	vmul.f32 v6, v50;
	v50 =	vadd.s32 $0x14, v18;
	v13 =	vld.idx.msk [tilespmem:v59+s2+$0x0], $0xffff  }
0xcd: {  	v0 =	vadd.f32 v57, v0;
	v57 =	vadd.s32 $0x17, v17;
	v2 =	vadd.f32 v9, v2;
	v9 =	vld.idx.msk [tilespmem:v51+s2+$0x0], $0xffff  }
0xce: {  	v3 =	vmul.f32 v55, v49;
	v5 =	vmul.f32 v53, v49;
	v53 =	vadd.s32 $0x15, v18;
	v55 =	vld.idx.msk [tilespmem:v61+s2+$0x0], $0xffff  }
0xcf: {  	v4 =	vmul.f32 v58, v48;
	v58 =	vadd.s32 $0x17, v18;
	v7 =	vmul.f32 v60, v48;
	v60 =	vld.idx.msk [tilespmem:v54+s2+$0x0], $0xffff  }
0xd0: {  	v59 =	vadd.s32 $0x18, v17;
	v0 =	vadd.f32 v6, v0;
	v2 =	vadd.f32 v5, v2;
	v10 =	vld.idx.msk [tilespmem:v56+s2+$0x0], $0xffff  }
0xd1: {  	v61 =	vadd.s32 $0x18, v18;
	v12 =	vld.idx.msk [tilespmem:v50+s2+$0x0], $0xffff  }
0xd2: {  	v49 =	vadd.s32 $0x1A, v17;
	v0 =	vadd.f32 v3, v0;
	v2 =	vadd.f32 v4, v2;
	v4 =	vld.idx.msk [tilespmem:v57+s2+$0x0], $0xffff  }
0xd3: {  	v8 =	vmul.f32 v8, v47;
	v6 =	vmul.f32 v52, v46;
	v52 =	vadd.s32 $0x1B, v17;
	v11 =	vld.idx.msk [tilespmem:v53+s2+$0x0], $0xffff  }
0xd4: {  	v1 =	vmul.f32 v62, v47;
	v47 =	vadd.s32 $0x19, v18;
	v0 =	vadd.f32 v7, v0;
	v7 =	vld.idx.msk [tilespmem:v58+s2+$0x0], $0xffff  }
0xd5: {  	v50 =	vadd.s32 $0x1A, v18;
	v14 =	vld.idx.msk [tilespmem:v59+s2+$0x0], $0xffff  }
0xd6: {  	v57 =	vadd.s32 $0x1C, v18;
	v1 =	vadd.f32 v1, v2;
	v5 =	vld.idx.msk [tilespmem:v61+s2+$0x0], $0xffff  }
0xd7: {  	v0 =	vadd.f32 v8, v0;
	v8 =	vld.idx.msk [tilespmem:v49+s2+$0x0], $0xffff  }
0xd8: {  	v62 =	vmul.f32 v13, v46;
	v46 =	vadd.s32 $0x19, v17;
	v1 =	vadd.f32 v6, v1;
	v6 =	vld.idx.msk [tilespmem:v52+s2+$0x0], $0xffff  }
0xd9: {  	v53 =	vadd.s32 $0x1B, v18;
	v3 =	vmul.f32 v55, v45;
	v56 =	vld.idx.msk [tilespmem:v47+s2+$0x0], $0xffff  }
0xda: {  	v59 =	vadd.s32 $0x1D, v17;
	v2 =	vmul.f32 v60, v43;
	v60 =	vld.idx.msk [tilespmem:v50+s2+$0x0], $0xffff  }
0xdb: {  	v9 =	vmul.f32 v9, v44;
	v49 =	vld.idx.msk [tilespmem:v57+s2+$0x0], $0xffff;
	v1 =	vadd.f32 v3, v1  }
0xdc: {  	v48 =	vmul.f32 v12, v45;
	v12 =	vld [tilespmem:$0x1FDE0]  }
0xdd: {  	v55 =	vadd.s32 $0x1C, v17;
	v13 =	vld.idx.msk [tilespmem:v46+s2+$0x0], $0xffff;
	v1 =	vadd.f32 v9, v1  }
0xde: {  	v52 =	vadd.s32 $0x20, v17;
	v0 =	vadd.f32 v62, v0;
	v51 =	vmul.f32 v11, v44;
	v44 =	vld.idx.msk [tilespmem:v53+s2+$0x0], $0xffff  }
0xdf: {  	v4 =	vmul.f32 v4, v42;
	v62 =	vadd.s32 $0x1D, v18;
	v3 =	vld.idx.msk [tilespmem:v59+s2+$0x0], $0xffff;
	v1 =	vadd.f32 v2, v1  }
0xe0: {  	v54 =	vmul.f32 v10, v43;
	v46 =	vadd.s32 $0x1E, v18;
	v11 =	vld [tilespmem:$0x1FDC0]  }
0xe1: {  	v61 =	vmul.f32 v14, v41;
	v14 =	vld [tilespmem:$0x1FE30];
	v0 =	vadd.f32 v48, v0;
	v1 =	vadd.f32 v4, v1  }
0xe2: {  	v43 =	vadd.s32 $0x1E, v17;
	v58 =	vmul.f32 v7, v42;
	v48 =	vadd.s32 $0x1F, v17;
	v9 =	vld.idx.msk [tilespmem:v55+s2+$0x0], $0xffff  }
0xe3: {  	v0 =	vadd.f32 v51, v0;
	v7 =	vld.idx.msk [tilespmem:v52+s2+$0x0], $0xffff;
	v45 =	vmul.f32 v13, v40;
	v1 =	vadd.f32 v61, v1  }
0xe4: {  	v50 =	vadd.s32 $0x1F, v18;
	v8 =	vmul.f32 v8, v39;
	v47 =	vmul.f32 v56, v40;
	v53 =	vld.idx.msk [tilespmem:v62+s2+$0x0], $0xffff  }
0xe5: {  	v56 =	vadd.s32 $0x21, v17;
	v0 =	vadd.f32 v54, v0;
	v57 =	vld.idx.msk [tilespmem:v46+s2+$0x0], $0xffff;
	v1 =	vadd.f32 v45, v1  }
0xe6: {  	v42 =	vmul.f32 v5, v41;
	v6 =	vmul.f32 v6, v38;
	v54 =	vadd.s32 $0x20, v18;
	v13 =	vld [tilespmem:$0x1FDF0]  }
0xe7: {  	v62 =	vadd.s32 $0x22, v18;
	v4 =	vld.idx.msk [tilespmem:v43+s2+$0x0], $0xffff;
	v0 =	vadd.f32 v58, v0;
	v1 =	vadd.f32 v8, v1  }
0xe8: {  	v51 =	vmul.f32 v60, v39;
	v40 =	vadd.s32 $0x23, v18;
	v10 =	vld.idx.msk [tilespmem:v48+s2+$0x0], $0xffff;
	v58 =	vadd.s32 $0x21, v18  }
0xe9: {  	v9 =	vmul.f32 v9, v37;
	v61 =	vld.idx.msk [tilespmem:v50+s2+$0x0], $0xffff;
	v0 =	vadd.f32 v42, v0;
	v1 =	vadd.f32 v6, v1  }
0xea: {  	v59 =	vmul.f32 v49, v37;
	v60 =	vadd.s32 $0x22, v17;
	v3 =	vmul.f32 v3, v36;
	v5 =	vld.idx.msk [tilespmem:v56+s2+$0x0], $0xffff  }
0xeb: {  	v56 =	vadd.s32 $0x27, v18;
	v39 =	vld.idx.msk [tilespmem:v54+s2+$0x0], $0xffff;
	v0 =	vadd.f32 v47, v0;
	v1 =	vadd.f32 v9, v1  }
0xec: {  	v55 =	vmul.f32 v44, v38;
	v38 =	vadd.s32 $0x23, v17;
	v44 =	vadd.s32 $0x24, v18;
	v47 =	vld.idx.msk [tilespmem:v62+s2+$0x0], $0xffff  }
0xed: {  	v4 =	vmul.f32 v4, v35;
	v43 =	vld.idx.msk [tilespmem:v58+s2+$0x0], $0xffff;
	v0 =	vadd.f32 v51, v0;
	v1 =	vadd.f32 v3, v1  }
0xee: {  	v42 =	vadd.s32 $0x24, v17;
	v41 =	vmul.f32 v57, v35;
	v35 =	vadd.s32 $0x2A, v17;
	v51 =	vld.idx.msk [tilespmem:v40+s2+$0x0], $0xffff  }
0xef: {  	v10 =	vmul.f32 v10, v34;
	v6 =	vld.idx.msk [tilespmem:v60+s2+$0x0], $0xffff;
	v0 =	vadd.f32 v55, v0;
	v1 =	vadd.f32 v4, v1  }
0xf0: {  	v46 =	vadd.s32 $0x25, v17;
	v48 =	vadd.s32 $0x25, v18;
	v37 =	vmul.f32 v53, v36;
	v36 =	vld.idx.msk [tilespmem:v56+s2+$0x0], $0xffff  }
0xf1: {  	v7 =	vmul.f32 v7, v33;
	v55 =	vld.idx.msk [tilespmem:v44+s2+$0x0], $0xffff;
	v0 =	vadd.f32 v59, v0;
	v1 =	vadd.f32 v10, v1  }
0xf2: {  	v52 =	vadd.s32 $0x26, v18;
	v50 =	vadd.s32 $0x26, v17;
	v9 =	vld.idx.msk [tilespmem:v38+s2+$0x0], $0xffff  }
0xf3: {  	v5 =	vmul.f32 v5, v32;
	v8 =	vld.idx.msk [tilespmem:v35+s2+$0x0], $0xffff;
	v0 =	vadd.f32 v37, v0;
	v1 =	vadd.f32 v7, v1  }
0xf4: {  	v54 =	vadd.s32 $0x27, v17;
	v45 =	vmul.f32 v61, v34;
	v60 =	vadd.s32 $0x28, v18;
	v3 =	vld.idx.msk [tilespmem:v42+s2+$0x0], $0xffff  }
0xf5: {  	v59 =	vld.idx.msk [tilespmem:v48+s2+$0x0], $0xffff;
	v6 =	vmul.f32 v6, v31;
	v0 =	vadd.f32 v41, v0;
	v1 =	vadd.f32 v5, v1  }
0xf6: {  	v58 =	vadd.s32 $0x28, v17;
	v49 =	vmul.f32 v39, v33;
	v33 =	vadd.s32 $0x29, v18;
	v4 =	vld.idx.msk [tilespmem:v46+s2+$0x0], $0xffff  }
0xf7: {  	v9 =	vmul.f32 v9, v30;
	v10 =	vld.idx.msk [tilespmem:v50+s2+$0x0], $0xffff;
	v0 =	vadd.f32 v45, v0;
	v1 =	vadd.f32 v6, v1  }
0xf8: {  	v62 =	vadd.s32 $0x29, v17;
	v53 =	vmul.f32 v43, v32;
	v32 =	vld.idx.msk [tilespmem:v52+s2+$0x0], $0xffff;
	v37 =	vadd.s32 $0x2A, v18  }
0xf9: {  	v40 =	vld.idx.msk [tilespmem:v60+s2+$0x0], $0xffff;
	v3 =	vmul.f32 v3, v29;
	v0 =	vadd.f32 v49, v0;
	v1 =	vadd.f32 v9, v1  }
0xfa: {  	v57 =	vmul.f32 v47, v31;
	v61 =	vmul.f32 v51, v30;
	v41 =	vadd.s32 $0x2B, v18;
	v7 =	vld.idx.msk [tilespmem:v54+s2+$0x0], $0xffff  }
0xfb: {  	s21 =	simm.s32 $0x410;
	v44 =	vld.idx.msk [tilespmem:v33+s2+$0x0], $0xffff;
	v4 =	vmul.f32 v4, v28;
	v0 =	vadd.f32 v53, v0;
	v1 =	vadd.f32 v3, v1  }
0xfc: {  	v30 =	vadd.s32 s21, v12;
	v45 =	vadd.s32 $0x2C, v18;
	v5 =	vld.idx.msk [tilespmem:v58+s2+$0x0], $0xffff;
	v10 =	vmul.f32 v10, v27  }
0xfd: {  	v12 =	vld [tilespmem:$0x1FF00];
	v0 =	vadd.f32 v57, v0;
	v57 =	vadd.s32 $0x2F, v18;
	v1 =	vadd.f32 v4, v1  }
0xfe: {  	v34 =	vmul.f32 v55, v29;
	v55 =	vadd.s32 $0x2F, v17;
	v48 =	vld.idx.msk [tilespmem:v37+s2+$0x0], $0xffff  }
0xff: {  	v47 =	vadd.s32 $0x2D, v17;
	v52 =	vld.idx.msk [tilespmem:v41+s2+$0x0], $0xffff;
	v7 =	vmul.f32 v7, v26;
	v1 =	vadd.f32 v10, v1  }
0x100: {  	v49 =	vadd.s32 $0x2D, v18;
	v6 =	vld.idx.msk [tilespmem:v62+s2+$0x0], $0xffff;
	v0 =	vadd.f32 v61, v0  }
0x101: {  	v56 =	vld.idx.msk [tilespmem:v45+s2+$0x0], $0xffff;
	v5 =	vmul.f32 v5, v25;
	v61 =	vadd.s32 $0x30, v18;
	v1 =	vadd.f32 v7, v1  }
0x102: {  	v38 =	vmul.f32 v59, v28;
	v59 =	vadd.s32 $0x30, v17;
	v37 =	vld.idx.msk [tilespmem:v57+s2+$0x0], $0xffff  }
0x103: {  	v1 =	vadd.f32 v5, v1;
	v5 =	vld.idx.msk [tilespmem:v55+s2+$0x0], $0xffff  }
0x104: {  	v39 =	vadd.s32 $0x2B, v17;
	v9 =	vld.idx.msk [tilespmem:v47+s2+$0x0], $0xffff  }
0x105: {  	v51 =	vadd.s32 $0x2E, v17;
	v60 =	vld.idx.msk [tilespmem:v49+s2+$0x0], $0xffff;
	v6 =	vmul.f32 v6, v24  }
0x106: {  	v0 =	vadd.f32 v34, v0;
	v34 =	vadd.s32 $0x31, v18;
	v41 =	vld.idx.msk [tilespmem:v61+s2+$0x0], $0xffff  }
0x107: {  	v42 =	vmul.f32 v32, v27;
	v32 =	vadd.s32 $0x31, v17;
	v1 =	vadd.f32 v6, v1;
	v6 =	vld.idx.msk [tilespmem:v59+s2+$0x0], $0xffff  }
0x108: {  	v47 =	vmul.f32 v37, v16;
	v5 =	vmul.f32 v5, v16;
	v16 =	vld [tilespmem:$0x1FA00]  }
0x109: {  	v43 =	vadd.s32 $0x2C, v17;
	v3 =	vld.idx.msk [tilespmem:v39+s2+$0x0], $0xffff  }
0x10a: {  	v8 =	vmul.f32 v8, v23;
	v7 =	vld.idx.msk [tilespmem:v51+s2+$0x0], $0xffff  }
0x10b: {  	v0 =	vadd.f32 v38, v0;
	v38 =	vadd.s32 $0x32, v18;
	v45 =	vld.idx.msk [tilespmem:v34+s2+$0x0], $0xffff  }
0x10c: {  	v46 =	vmul.f32 v36, v26;
	v36 =	vadd.s32 $0x32, v17;
	v1 =	vadd.f32 v8, v1;
	v8 =	vld.idx.msk [tilespmem:v32+s2+$0x0], $0xffff  }
0x10d: {  	v6 =	vmul.f32 v6, v16;
	v51 =	vmul.f32 v41, v16;
	v16 =	vld [tilespmem:$0x1FA10]  }
0x10e: {  	v53 =	vadd.s32 $0x2E, v18;
	v4 =	vld.idx.msk [tilespmem:v43+s2+$0x0], $0xffff  }
0x10f: {  	v10 =	vld [tilespmem:$0x1FDB0];
	v0 =	vadd.f32 v42, v0;
	v3 =	vmul.f32 v3, v22  }
0x110: {  	v50 =	vmul.f32 v40, v25;
	v42 =	vadd.s32 $0x33, v18;
	v49 =	vld.idx.msk [tilespmem:v38+s2+$0x0], $0xffff  }
0x111: {  	v40 =	vadd.s32 $0x33, v17;
	v0 =	vadd.f32 v46, v0;
	v1 =	vadd.f32 v3, v1;
	v3 =	vld.idx.msk [tilespmem:v36+s2+$0x0], $0xffff  }
0x112: {  	v8 =	vmul.f32 v8, v16;
	v55 =	vmul.f32 v45, v16;
	v16 =	vld [tilespmem:$0x1FA20]  }
0x113: {  	v54 =	vmul.f32 v44, v24;
	v33 =	vld.idx.msk [tilespmem:v53+s2+$0x0], $0xffff;
	v46 =	vadd.s32 $0x34, v18;
	v0 =	vadd.f32 v50, v0  }
0x114: {  	v4 =	vmul.f32 v4, v21;
	v50 =	vadd.s32 $0x35, v18;
	v28 =	vadd.s32 s21, v10;
	v10 =	vld [tilespmem:$0x1FEE0]  }
0x115: {  	v53 =	vld.idx.msk [tilespmem:v42+s2+$0x0], $0xffff;
	v0 =	vadd.f32 v54, v0;
	v54 =	vadd.s32 $0x36, v18  }
0x116: {  	v44 =	vadd.s32 $0x34, v17;
	v58 =	vmul.f32 v48, v23;
	v1 =	vadd.f32 v4, v1;
	v4 =	vld.idx.msk [tilespmem:v40+s2+$0x0], $0xffff  }
0x117: {  	v3 =	vmul.f32 v3, v16;
	v59 =	vmul.f32 v49, v16;
	v16 =	vld [tilespmem:$0x1FA30]  }
0x118: {  	v62 =	vmul.f32 v52, v22;
	v57 =	vld.idx.msk [tilespmem:v46+s2+$0x0], $0xffff;
	v0 =	vadd.f32 v58, v0;
	v58 =	vadd.s32 $0x37, v18  }
0x119: {  	v48 =	vadd.s32 $0x35, v17;
	v9 =	vmul.f32 v9, v20;
	v61 =	vld.idx.msk [tilespmem:v50+s2+$0x0], $0xffff  }
0x11a: {  	v0 =	vadd.f32 v62, v0;
	v62 =	vadd.s32 $0x38, v18;
	v34 =	vld.idx.msk [tilespmem:v54+s2+$0x0], $0xffff  }
0x11b: {  	v35 =	vmul.f32 v56, v21;
	v7 =	vmul.f32 v7, v19;
	v1 =	vadd.f32 v9, v1;
	v9 =	vld.idx.msk [tilespmem:v44+s2+$0x0], $0xffff  }
0x11c: {  	v4 =	vmul.f32 v4, v16;
	v32 =	vmul.f32 v53, v16;
	v16 =	vld [tilespmem:$0x1FA40]  }
0x11d: {  	v52 =	vadd.s32 $0x36, v17;
	v39 =	vmul.f32 v60, v20;
	v38 =	vld.idx.msk [tilespmem:v58+s2+$0x0], $0xffff  }
0x11e: {  	v0 =	vadd.f32 v35, v0;
	v35 =	vadd.s32 $0x39, v18;
	v1 =	vadd.f32 v7, v1;
	v7 =	vld.idx.msk [tilespmem:v48+s2+$0x0], $0xffff  }
0x11f: {  	v56 =	vadd.s32 $0x37, v17;
	v42 =	vld.idx.msk [tilespmem:v62+s2+$0x0], $0xffff  }
0x120: {  	v43 =	vmul.f32 v33, v19;
	v0 =	vadd.f32 v39, v0;
	v39 =	vadd.s32 $0x3A, v18;
	v62 =	vld [tilespmem:$0x1FAB0]  }
0x121: {  	v9 =	vmul.f32 v9, v16;
	v36 =	vmul.f32 v57, v16;
	v16 =	vld [tilespmem:$0x1FA50]  }
0x122: {  	v1 =	vadd.f32 v5, v1;
	v5 =	vld.idx.msk [tilespmem:v52+s2+$0x0], $0xffff  }
0x123: {  	v60 =	vadd.s32 $0x38, v17;
	v0 =	vadd.f32 v43, v0;
	v46 =	vld.idx.msk [tilespmem:v35+s2+$0x0], $0xffff  }
0x124: {  	v43 =	vadd.s32 $0x3B, v18;
	v1 =	vadd.f32 v6, v1;
	v6 =	vld.idx.msk [tilespmem:v56+s2+$0x0], $0xffff  }
0x125: {  	v0 =	vadd.f32 v47, v0;
	v50 =	vld.idx.msk [tilespmem:v39+s2+$0x0], $0xffff  }
0x126: {  	v7 =	vmul.f32 v7, v16;
	v40 =	vmul.f32 v61, v16;
	v16 =	vld [tilespmem:$0x1FA60]  }
0x127: {  	v47 =	vadd.s32 $0x3C, v18;
	v39 =	vld [tilespmem:$0x1FAE0];
	v0 =	vadd.f32 v51, v0  }
0x128: {  	v33 =	vadd.s32 $0x39, v17;
	v1 =	vadd.f32 v8, v1;
	v8 =	vld.idx.msk [tilespmem:v60+s2+$0x0], $0xffff  }
0x129: {  	v54 =	vld.idx.msk [tilespmem:v43+s2+$0x0], $0xffff;
	v0 =	vadd.f32 v55, v0;
	v55 =	vadd.s32 $0x3E, v18  }
0x12a: {  	v37 =	vadd.s32 $0x3A, v17;
	v43 =	vld [tilespmem:$0x1FAF0]  }
0x12b: {  	v5 =	vmul.f32 v5, v16;
	v44 =	vmul.f32 v34, v16;
	v16 =	vld [tilespmem:$0x1FA70]  }
0x12c: {  	v58 =	vld.idx.msk [tilespmem:v47+s2+$0x0], $0xffff  }
0x12d: {  	v1 =	vadd.f32 v3, v1;
	v3 =	vld.idx.msk [tilespmem:v33+s2+$0x0], $0xffff  }
0x12e: {  	v41 =	vadd.s32 $0x3B, v17;
	v33 =	vld.idx.msk [tilespmem:v55+s2+$0x0], $0xffff  }
0x12f: {  	v0 =	vadd.f32 v59, v0;
	v59 =	vadd.s32 $0x3F, v18;
	v1 =	vadd.f32 v4, v1;
	v4 =	vld.idx.msk [tilespmem:v37+s2+$0x0], $0xffff  }
0x130: {  	v6 =	vmul.f32 v6, v16;
	v48 =	vmul.f32 v38, v16;
	v16 =	vld [tilespmem:$0x1FA80]  }
0x131: {  	v51 =	vadd.s32 $0x3D, v18;
	v37 =	vld [tilespmem:$0x1FAD0]  }
0x132: {  	v45 =	vadd.s32 $0x3C, v17;
	v0 =	vadd.f32 v32, v0;
	v32 =	vmul.f32 v54, v62;
	v54 =	vld [tilespmem:$0x1FC70]  }
0x133: {  	v1 =	vadd.f32 v9, v1;
	v9 =	vld.idx.msk [tilespmem:v41+s2+$0x0], $0xffff  }
0x134: {  	v0 =	vadd.f32 v36, v0;
	v36 =	vld.idx.msk [tilespmem:v59+s2+$0x0], $0xffff  }
0x135: {  	v8 =	vmul.f32 v8, v16;
	v52 =	vmul.f32 v42, v16;
	v16 =	vld [tilespmem:$0x1FA90]  }
0x136: {  	v49 =	vadd.s32 $0x3D, v17;
	v61 =	vld.idx.msk [tilespmem:v51+s2+$0x0], $0xffff;
	v1 =	vadd.f32 v7, v1  }
0x137: {  	v0 =	vadd.f32 v40, v0;
	v7 =	vld.idx.msk [tilespmem:v45+s2+$0x0], $0xffff  }
0x138: {  	v34 =	vld [tilespmem:$0x1FAC0];
	v1 =	vadd.f32 v5, v1  }
0x139: {  	v57 =	vadd.s32 $0x3F, v17;
	v45 =	vld [tilespmem:s19+$0x0];
	v0 =	vadd.f32 v44, v0  }
0x13a: {  	v1 =	vadd.f32 v6, v1;
	v3 =	vmul.f32 v3, v16;
	v56 =	vmul.f32 v46, v16;
	v16 =	vld [tilespmem:$0x1FAA0]  }
0x13b: {  	v53 =	vadd.s32 $0x3E, v17;
	v5 =	vld.idx.msk [tilespmem:v49+s2+$0x0], $0xffff;
	v0 =	vadd.f32 v48, v0  }
0x13c: {  	v49 =	vld [tilespmem:$0x1FC40];
	v1 =	vadd.f32 v8, v1  }
0x13d: {  	v35 =	vmul.f32 v58, v34;
	v58 =	vld [tilespmem:$0x1FC90];
	v0 =	vadd.f32 v52, v0  }
0x13e: {  	v38 =	vmul.f32 v61, v37;
	v8 =	vld.idx.msk [tilespmem:v57+s2+$0x0], $0xffff;
	v1 =	vadd.f32 v3, v1  }
0x13f: {  	v61 =	vld [tilespmem:$0x1FCA0];
	v0 =	vadd.f32 v56, v0;
	v4 =	vmul.f32 v4, v16;
	v60 =	vmul.f32 v50, v16  }
0x140: {  	v6 =	vld.idx.msk [tilespmem:v53+s2+$0x0], $0xffff  }
0x141: {  	v9 =	vmul.f32 v9, v62;
	v48 =	vld [tilespmem:$0x1FC30];
	v1 =	vadd.f32 v4, v1;
	v0 =	vadd.f32 v60, v0  }
0x142: {  	v7 =	vmul.f32 v7, v34;
	v42 =	vld [tilespmem:s18+$0x0]  }
0x143: {  	v44 =	vmul.f32 v8, v43;
	v8 =	vld [tilespmem:$0x1FDD0];
	v1 =	vadd.f32 v9, v1;
	v0 =	vadd.f32 v32, v0  }
0x144: {  	v52 =	vld [tilespmem:$0x1FC60]  }
0x145: {  	v5 =	vmul.f32 v5, v37;
	v56 =	vld [tilespmem:$0x1FC80];
	v1 =	vadd.f32 v7, v1;
	v0 =	vadd.f32 v35, v0  }
0x146: {  	v41 =	vmul.f32 v33, v39;
	v40 =	vmul.f32 v6, v39;
	v50 =	vld [tilespmem:$0x1FC50]  }
0x147: {  	v4 =	vadd.s32 s21, v49;
	v49 =	vld [tilespmem:$0x1FD10];
	v1 =	vadd.f32 v5, v1;
	v0 =	vadd.f32 v38, v0  }
0x148: {  	v26 =	vadd.s32 s21, v8;
	v8 =	vld [tilespmem:$0x1FED0]  }
0x149: {  	v46 =	vmul.f32 v36, v43;
	v32 =	vld [tilespmem:$0x1FCB0];
	v1 =	vadd.f32 v40, v1;
	v0 =	vadd.f32 v41, v0  }
0x14a: {  	v9 =	vld [tilespmem:$0x1FDA0]  }
0x14b: {  	v35 =	vld [tilespmem:$0x1FCC0];
	v1 =	vadd.f32 v44, v1;
	v0 =	vadd.f32 v46, v0  }
0x14c: {  	v44 =	vld [tilespmem:$0x1FCF0]  }
0x14d: {  	v47 =	vadd.s32 s21, v63;
	v7 =	vld [tilespmem:$0x1FD90];
	v1 =	vmul.f32 v1, v42;
	v0 =	vmul.f32 v0, v45  }
0x14e: {  	v3 =	vadd.s32 s21, v48;
	v38 =	vld [tilespmem:$0x1FCD0]  }
0x14f: {  	v5 =	vld [tilespmem:$0x1FD80];
	v0 =	vadd.f32 v0, v1  }
0x150: {  	s20 =	simm.s32 $0x18600;
	v51 =	vadd.s32 s21, v50;
	v41 =	vld [tilespmem:$0x1FCE0]  }
0x151: {  	v53 =	vadd.s32 s21, v52;
	v45 =	vadd.s32 s21, v44;
	v44 =	vld [tilespmem:$0x1FE20];
	[tilespmem:s20+$0x0] =	vst v0  }
0x152: {  	v55 =	vadd.s32 s21, v54;
	v62 =	vld.idx.msk [tilespmem:v47+s13+$0x0], $0xffff  }
0x153: {  	v57 =	vadd.s32 s21, v56;
	v63 =	vld.idx.msk [tilespmem:v3+s13+$0x0], $0xffff  }
0x154: {  	v59 =	vadd.s32 s21, v58;
	v60 =	vld.idx.msk [tilespmem:v4+s13+$0x0], $0xffff  }
0x155: {  	v15 =	vld.idx.msk [tilespmem:v51+s13+$0x0], $0xffff  }
0x156: {  	v33 =	vadd.s32 s21, v32;
	v34 =	vld.idx.msk [tilespmem:v53+s13+$0x0], $0xffff  }
0x157: {  	v36 =	vadd.s32 s21, v35;
	v37 =	vld.idx.msk [tilespmem:v55+s13+$0x0], $0xffff  }
0x158: {  	v40 =	vld.idx.msk [tilespmem:v57+s13+$0x0], $0xffff  }
0x159: {  	v39 =	vadd.s32 s21, v38;
	v43 =	vld.idx.msk [tilespmem:v59+s13+$0x0], $0xffff  }
0x15a: {  	v47 =	vld [tilespmem:$0x1FD00]  }
0x15b: {  	v48 =	vld.idx.msk [tilespmem:v33+s13+$0x0], $0xffff  }
0x15c: {  	v50 =	vld.idx.msk [tilespmem:v36+s13+$0x0], $0xffff  }
0x15d: {  	v51 =	vld [tilespmem:$0x1FD20]  }
0x15e: {  	v52 =	vld.idx.msk [tilespmem:v39+s13+$0x0], $0xffff  }
0x15f: {  	v42 =	vadd.s32 s21, v41;
	v53 =	vld [tilespmem:$0x1FD30]  }
0x160: {  	v55 =	vld [tilespmem:$0x1FD40]  }
0x161: {  	v57 =	vld [tilespmem:$0x1FD50]  }
0x162: {  	v4 =	vadd.s32 s21, v61;
	v59 =	vld [tilespmem:$0x1FD60]  }
0x163: {  	v17 =	vadd.s32 s21, v49;
	v61 =	vld [tilespmem:$0x1FD70]  }
0x164: {  	v54 =	vld.idx.msk [tilespmem:v42+s13+$0x0], $0xffff  }
0x165: {  	v42 =	vld [tilespmem:$0x1FE10]  }
0x166: {  	v56 =	vld.idx.msk [tilespmem:v45+s13+$0x0], $0xffff  }
0x167: {  	v46 =	vld.idx.msk [tilespmem:v4+s13+$0x0], $0xffff  }
0x168: {  	[tilespmem:$0x1FB00] =	vst v60;
	v60 =	vld.idx.msk [tilespmem:v17+s13+$0x0], $0xffff  }
0x169: {  	[tilespmem:$0x1FB40] =	vst v40;
	v40 =	vld [tilespmem:$0x1FE00]  }
0x16a: {  	v45 =	vadd.s32 s21, v44;
	[tilespmem:$0x1FB70] =	vst v48;
	v48 =	vld [tilespmem:$0x1FE50]  }
0x16b: {  	[tilespmem:$0x1FB80] =	vst v50;
	v50 =	vld [tilespmem:$0x1FE90]  }
0x16c: {  	v16 =	vadd.s32 s21, v47;
	[tilespmem:$0x1FB90] =	vst v52;
	v52 =	vld [tilespmem:$0x1FE60]  }
0x16d: {  	[tilespmem:$0x1FB10] =	vst v15;
	v18 =	vadd.s32 s21, v51;
	v15 =	vadd.s32 s21, v14;
	v14 =	vld [tilespmem:$0x1FF10]  }
0x16e: {  	v19 =	vadd.s32 s21, v53;
	[tilespmem:$0x1FBA0] =	vst v54;
	v54 =	vld [tilespmem:$0x1FE70]  }
0x16f: {  	v20 =	vadd.s32 s21, v55;
	v33 =	vld.idx.msk [tilespmem:v45+s13+$0x0], $0xffff  }
0x170: {  	v21 =	vadd.s32 s21, v57;
	[tilespmem:$0x1FBB0] =	vst v56;
	v56 =	vld [tilespmem:$0x1FE80]  }
0x171: {  	v22 =	vadd.s32 s21, v59;
	v58 =	vld.idx.msk [tilespmem:v16+s13+$0x0], $0xffff  }
0x172: {  	v23 =	vadd.s32 s21, v61;
	v4 =	vld.idx.msk [tilespmem:v18+s13+$0x0], $0xffff  }
0x173: {  	v24 =	vadd.s32 s21, v5;
	v6 =	vld.idx.msk [tilespmem:v19+s13+$0x0], $0xffff  }
0x174: {  	v25 =	vadd.s32 s21, v7;
	v18 =	vld.idx.msk [tilespmem:v20+s13+$0x0], $0xffff  }
0x175: {  	v19 =	vld.idx.msk [tilespmem:v21+s13+$0x0], $0xffff  }
0x176: {  	v27 =	vadd.s32 s21, v9;
	v20 =	vld.idx.msk [tilespmem:v22+s13+$0x0], $0xffff  }
0x177: {  	v21 =	vld.idx.msk [tilespmem:v23+s13+$0x0], $0xffff  }
0x178: {  	v29 =	vadd.s32 s21, v11;
	v22 =	vld.idx.msk [tilespmem:v24+s13+$0x0], $0xffff  }
0x179: {  	v23 =	vld.idx.msk [tilespmem:v25+s13+$0x0], $0xffff  }
0x17a: {  	v24 =	vld.idx.msk [tilespmem:v26+s13+$0x0], $0xffff  }
0x17b: {  	v31 =	vadd.s32 s21, v13;
	v25 =	vld.idx.msk [tilespmem:v27+s13+$0x0], $0xffff  }
0x17c: {  	v26 =	vld.idx.msk [tilespmem:v28+s13+$0x0], $0xffff  }
0x17d: {  	v27 =	vld.idx.msk [tilespmem:v29+s13+$0x0], $0xffff  }
0x17e: {  	v13 =	vadd.s32 s21, v12;
	v28 =	vld.idx.msk [tilespmem:v30+s13+$0x0], $0xffff  }
0x17f: {  	[tilespmem:$0x1FB60] =	vst v46;
	v46 =	vld [tilespmem:$0x1FE40]  }
0x180: {  	v29 =	vld.idx.msk [tilespmem:v31+s13+$0x0], $0xffff  }
0x181: {  	[tilespmem:$0x1FB50] =	vst v43;
	v43 =	vadd.s32 s21, v42;
	v30 =	vld.idx.msk [tilespmem:v15+s13+$0x0], $0xffff  }
0x182: {  	[tilespmem:$0x1FBD0] =	vst v60;
	v41 =	vadd.s32 s21, v40;
	v60 =	vld [tilespmem:$0x1FEB0]  }
0x183: {  	v49 =	vadd.s32 s21, v48;
	v48 =	vld.idx.msk [tilespmem:v13+s13+$0x0], $0xffff  }
0x184: {  	v13 =	vld [tilespmem:$0x1FF80]  }
0x185: {  	v51 =	vadd.s32 s21, v50;
	v15 =	vadd.s32 s21, v14;
	v14 =	vld [tilespmem:$0x1FF90]  }
0x186: {  	v32 =	vld.idx.msk [tilespmem:v43+s13+$0x0], $0xffff  }
0x187: {  	v53 =	vadd.s32 s21, v52;
	v31 =	vld.idx.msk [tilespmem:v41+s13+$0x0], $0xffff  }
0x188: {  	[tilespmem:$0x1FBC0] =	vst v58;
	v58 =	vld [tilespmem:$0x1FEA0]  }
0x189: {  	v9 =	vadd.s32 s21, v8;
	v35 =	vld.idx.msk [tilespmem:v49+s13+$0x0], $0xffff  }
0x18a: {  	v36 =	vld.idx.msk [tilespmem:v51+s13+$0x0], $0xffff  }
0x18b: {  	[tilespmem:$0x1FBE0] =	vst v4;
	v4 =	vld [tilespmem:$0x1FEF0]  }
0x18c: {  	[tilespmem:$0x1FB30] =	vst v37;
	v37 =	vld.idx.msk [tilespmem:v53+s13+$0x0], $0xffff  }
0x18d: {  	[tilespmem:$0x1FBF0] =	vst v6;
	v6 =	vld [tilespmem:$0x1FEC0]  }
0x18e: {  	v57 =	vadd.s32 s21, v56;
	v47 =	vadd.s32 s21, v46;
	v46 =	vld.idx.msk [tilespmem:v9+s13+$0x0], $0xffff  }
0x18f: {  	v49 =	vld.idx.msk [tilespmem:v15+s13+$0x0], $0xffff  }
0x190: {  	s22 =	simm.s32 $0x17610;
	v9 =	vld [tilespmem:$0x1FF70]  }
0x191: {  	v61 =	vadd.s32 s21, v60;
	v41 =	vld [tilespmem:s22+$0x0]  }
0x192: {  	v15 =	vld [tilespmem:$0x1FFB0]  }
0x193: {  	v11 =	vadd.s32 s21, v10;
	v40 =	vld.idx.msk [tilespmem:v57+s13+$0x0], $0xffff  }
0x194: {  	v57 =	vld [tilespmem:$0x1FF50]  }
0x195: {  	[tilespmem:$0x1FB20] =	vst v34;
	v34 =	vld.idx.msk [tilespmem:v47+s13+$0x0], $0xffff;
	v59 =	vadd.s32 s21, v58  }
0x196: {  	v5 =	vadd.s32 s21, v4;
	v43 =	vld.idx.msk [tilespmem:v61+s13+$0x0], $0xffff  }
0x197: {  	v7 =	vadd.s32 s21, v6;
	v61 =	vld [tilespmem:$0x1FF30]  }
0x198: {  	v47 =	vld.idx.msk [tilespmem:v11+s13+$0x0], $0xffff  }
0x199: {  	v11 =	vld [tilespmem:$0x1FFA0]  }
0x19a: {  	v42 =	vld.idx.msk [tilespmem:v59+s13+$0x0], $0xffff  }
0x19b: {  	v55 =	vadd.s32 s21, v54;
	v44 =	vld.idx.msk [tilespmem:v5+s13+$0x0], $0xffff  }
0x19c: {  	v10 =	vadd.s32 s21, v9;
	v45 =	vld.idx.msk [tilespmem:v7+s13+$0x0], $0xffff  }
0x19d: {  	v58 =	vadd.s32 s21, v57;
	v59 =	vld [tilespmem:$0x1FF20]  }
0x19e: {  	v5 =	vld [tilespmem:$0x1FF40]  }
0x19f: {  	v4 =	vadd.s32 s21, v61;
	v7 =	vld [tilespmem:$0x1FF60]  }
0x1a0: {  	v38 =	vld.idx.msk [tilespmem:v55+s13+$0x0], $0xffff  }
0x1a1: {  	v12 =	vadd.s32 s21, v11;
	v55 =	vld.idx.msk [tilespmem:v10+s13+$0x0], $0xffff  }
0x1a2: {  	v50 =	vld.idx.msk [tilespmem:v58+s13+$0x0], $0xffff;
	v60 =	vadd.s32 s21, v59  }
0x1a3: {  	v58 =	vld [tilespmem:$0x1FFC0];
	v6 =	vadd.s32 s21, v5  }
0x1a4: {  	v8 =	vadd.s32 s21, v7;
	v52 =	vld.idx.msk [tilespmem:v4+s13+$0x0], $0xffff  }
0x1a5: {  	v59 =	vld [tilespmem:$0x1FFD0]  }
0x1a6: {  	v56 =	vld.idx.msk [tilespmem:v12+s13+$0x0], $0xffff  }
0x1a7: {  	v51 =	vld.idx.msk [tilespmem:v60+s13+$0x0], $0xffff  }
0x1a8: {  	v53 =	vld.idx.msk [tilespmem:v6+s13+$0x0], $0xffff  }
0x1a9: {  	s23 =	simm.s32 $0x17A10;
	v39 =	vadd.s32 s21, v14;
	v57 =	vadd.s32 s21, v13;
	v54 =	vld.idx.msk [tilespmem:v8+s13+$0x0], $0xffff  }
0x1aa: {  	s24 =	simm.s32 $0x820;
	v61 =	vadd.s32 s21, v15;
	v60 =	vadd.s32 s21, v58;
	v58 =	vld [tilespmem:s23+$0x0];
	v59 =	vadd.s32 s21, v59  }
.LBB2_3:
0x1ab: {  	v0 =	vld [tilespmem:$0x1FC10]  }
0x1ac: {  	v13 =	vld [tilespmem:$0x1FC00]  }
0x1ad: {  	v1 =	vld [tilespmem:$0x1FFF0]  }
0x1ae: {  	v2 =	vld [tilespmem:$0x1FFE0];
	_ =	sdelay $0x1  }
0x1af: {  	v57 =	vld.idx.msk [tilespmem:v57+s13+$0x0], $0xffff;
	v12 =	vadd.s32 s21, v0  }
0x1b0: {  	v61 =	vld.idx.msk [tilespmem:v61+s13+$0x0], $0xffff;
	v14 =	vadd.s32 s21, v13  }
0x1b1: {  	v60 =	vld.idx.msk [tilespmem:v60+s13+$0x0], $0xffff;
	v1 =	vadd.s32 s21, v1  }
0x1b2: {  	v41 =	vmul.u32 $0x41, v41;
	v0 =	vld.idx.msk [tilespmem:v39+s13+$0x0], $0xffff;
	v2 =	vadd.s32 s21, v2  }
0x1b3: {  	v39 =	vmul.u32 $0x41, v58;
	v58 =	vld.idx.msk [tilespmem:v59+s13+$0x0], $0xffff  }
0x1b4: {  	v59 =	vld.idx.msk [tilespmem:v12+s13+$0x0], $0xffff  }
0x1b5: {  	v17 =	vmov v63;
	v15 =	vadd.s32 $0x1, v41;
	v63 =	vld.idx.msk [tilespmem:v14+s13+$0x0], $0xffff  }
0x1b6: {  	v4 =	vadd.s32 $0x2, v41;
	v1 =	vld.idx.msk [tilespmem:v1+s13+$0x0], $0xffff  }
0x1b7: {  	v3 =	vadd.s32 $0x1, v39;
	v2 =	vld.idx.msk [tilespmem:v2+s13+$0x0], $0xffff  }
0x1b8: {  	v8 =	vadd.s32 $0x3, v41;
	v5 =	vld.idx.msk [tilespmem:v41+s2+$0x0], $0xffff  }
0x1b9: {  	v6 =	vadd.s32 $0x2, v39;
	v7 =	vld.idx.msk [tilespmem:v39+s2+$0x0], $0xffff  }
0x1ba: {  	[tilespmem:$0x1F9F0] =	vst v62;
	v10 =	vadd.s32 $0x4, v41;
	v62 =	vld.idx.msk [tilespmem:v15+s2+$0x0], $0xffff  }
0x1bb: {  	v9 =	vadd.s32 $0x3, v39;
	v4 =	vld.idx.msk [tilespmem:v4+s2+$0x0], $0xffff  }
0x1bc: {  	v11 =	vadd.s32 $0x4, v39;
	v3 =	vld.idx.msk [tilespmem:v3+s2+$0x0], $0xffff  }
0x1bd: {  	v12 =	vadd.s32 $0x5, v41;
	v8 =	vld.idx.msk [tilespmem:v8+s2+$0x0], $0xffff  }
0x1be: {  	v13 =	vadd.s32 $0x5, v39;
	v6 =	vld.idx.msk [tilespmem:v6+s2+$0x0], $0xffff  }
0x1bf: {  	v10 =	vld.idx.msk [tilespmem:v10+s2+$0x0], $0xffff;
	v15 =	vadd.s32 $0x7, v41;
	v5 =	vmul.f32 v5, v2;
	v2 =	vmul.f32 v7, v2  }
0x1c0: {  	v14 =	vadd.s32 $0x6, v39;
	v7 =	vld.idx.msk [tilespmem:v9+s2+$0x0], $0xffff;
	v9 =	vadd.s32 $0x6, v41;
	v62 =	vmul.f32 v62, v1  }
0x1c1: {  	v5 =	vadd.f32 $0.0e+00, v5;
	v1 =	vmul.f32 v3, v1;
	v3 =	vld.idx.msk [tilespmem:v11+s2+$0x0], $0xffff;
	v2 =	vadd.f32 $0.0e+00, v2  }
0x1c2: {  	v16 =	vadd.s32 $0x8, v41;
	v4 =	vmul.f32 v4, v63;
	v11 =	vld.idx.msk [tilespmem:v12+s2+$0x0], $0xffff;
	v12 =	vadd.s32 $0x7, v39  }
0x1c3: {  	v5 =	vadd.f32 v62, v5;
	v1 =	vadd.f32 v1, v2;
	v2 =	vmul.f32 v6, v63;
	v6 =	vld.idx.msk [tilespmem:v13+s2+$0x0], $0xffff  }
0x1c4: {  	v13 =	vadd.s32 $0x8, v39;
	v63 =	vmul.f32 v10, v58;
	v10 =	vld.idx.msk [tilespmem:v15+s2+$0x0], $0xffff  }
0x1c5: {  	v8 =	vmul.f32 v8, v59;
	v62 =	vadd.s32 $0x9, v41;
	v9 =	vld.idx.msk [tilespmem:v9+s2+$0x0], $0xffff;
	v4 =	vadd.f32 v4, v5  }
0x1c6: {  	v59 =	vmul.f32 v7, v59;
	v5 =	vld.idx.msk [tilespmem:v14+s2+$0x0], $0xffff;
	v14 =	vadd.s32 $0x9, v39;
	v1 =	vadd.f32 v2, v1  }
0x1c7: {  	v15 =	vadd.s32 $0xA, v41;
	v4 =	vadd.f32 v8, v4;
	v8 =	vmul.f32 v11, v60;
	v11 =	vld.idx.msk [tilespmem:v16+s2+$0x0], $0xffff  }
0x1c8: {  	v16 =	vadd.s32 $0xB, v41;
	v1 =	vadd.f32 v59, v1;
	v59 =	vmul.f32 v3, v58;
	v3 =	vld.idx.msk [tilespmem:v12+s2+$0x0], $0xffff  }
0x1c9: {  	v12 =	vadd.s32 $0xA, v39;
	v4 =	vadd.f32 v63, v4;
	v60 =	vmul.f32 v6, v60;
	v6 =	vld.idx.msk [tilespmem:v13+s2+$0x0], $0xffff  }
0x1ca: {  	v13 =	vadd.s32 $0xB, v39;
	v1 =	vadd.f32 v59, v1;
	v63 =	vmul.f32 v9, v61;
	v9 =	vld.idx.msk [tilespmem:v62+s2+$0x0], $0xffff  }
0x1cb: {  	v58 =	vadd.s32 $0xC, v41;
	v59 =	vmul.f32 v5, v61;
	v5 =	vld.idx.msk [tilespmem:v14+s2+$0x0], $0xffff  }
0x1cc: {  	v4 =	vadd.f32 v8, v4;
	v1 =	vadd.f32 v60, v1;
	v60 =	vmul.f32 v10, v0;
	v10 =	vld.idx.msk [tilespmem:v15+s2+$0x0], $0xffff  }
0x1cd: {  	v61 =	vadd.s32 $0xC, v39;
	v7 =	vld.idx.msk [tilespmem:v16+s2+$0x0], $0xffff  }
0x1ce: {  	v15 =	vadd.s32 $0xD, v41;
	v62 =	vmul.f32 v11, v57;
	v4 =	vadd.f32 v63, v4;
	v2 =	vld.idx.msk [tilespmem:v12+s2+$0x0], $0xffff  }
0x1cf: {  	v11 =	vadd.s32 $0xD, v39;
	v0 =	vmul.f32 v3, v0;
	v63 =	vmul.f32 v6, v57;
	v6 =	vld.idx.msk [tilespmem:v13+s2+$0x0], $0xffff  }
0x1d0: {  	v12 =	vadd.s32 $0xE, v41;
	v1 =	vadd.f32 v59, v1;
	v13 =	vld [tilespmem:$0x1FB00];
	v4 =	vadd.f32 v60, v4  }
0x1d1: {  	v57 =	vmul.f32 v9, v56;
	v9 =	vld.idx.msk [tilespmem:v58+s2+$0x0], $0xffff  }
0x1d2: {  	v59 =	vadd.s32 $0xE, v39;
	v0 =	vadd.f32 v0, v1;
	v3 =	vadd.f32 v62, v4;
	v4 =	vld.idx.msk [tilespmem:v61+s2+$0x0], $0xffff  }
0x1d3: {  	v61 =	vmul.f32 v10, v55;
	v10 =	vld.idx.msk [tilespmem:v15+s2+$0x0], $0xffff  }
0x1d4: {  	v16 =	vadd.s32 $0xF, v41;
	v0 =	vadd.f32 v63, v0;
	v63 =	vmul.f32 v2, v55;
	v2 =	vld.idx.msk [tilespmem:v11+s2+$0x0], $0xffff  }
0x1d5: {  	v62 =	vadd.s32 $0xF, v39;
	v8 =	vld.idx.msk [tilespmem:v12+s2+$0x0], $0xffff  }
0x1d6: {  	v15 =	vadd.s32 $0x10, v41;
	v11 =	vld [tilespmem:$0x1FDE0]  }
0x1d7: {  	v60 =	vmul.f32 v5, v56;
	v55 =	vadd.s32 $0x10, v39;
	v58 =	vld.idx.msk [tilespmem:v59+s2+$0x0], $0xffff  }
0x1d8: {  	v56 =	vadd.s32 $0x11, v41;
	v3 =	vadd.f32 v57, v3;
	v57 =	vmul.f32 v6, v54;
	v6 =	vld [tilespmem:$0x1FD90]  }
0x1d9: {  	v59 =	vmul.f32 v9, v53;
	v9 =	vld.idx.msk [tilespmem:v16+s2+$0x0], $0xffff  }
0x1da: {  	v3 =	vadd.f32 v61, v3;
	v61 =	vmul.f32 v4, v53;
	v4 =	vld.idx.msk [tilespmem:v62+s2+$0x0], $0xffff  }
0x1db: {  	v0 =	vadd.f32 v60, v0;
	v60 =	vadd.s32 $0x11, v39;
	v62 =	vmul.f32 v10, v52;
	v10 =	vld.idx.msk [tilespmem:v15+s2+$0x0], $0xffff  }
0x1dc: {  	v7 =	vmul.f32 v7, v54;
	v16 =	vadd.s32 $0x12, v41;
	v53 =	vld.idx.msk [tilespmem:v55+s2+$0x0], $0xffff  }
0x1dd: {  	v0 =	vadd.f32 v63, v0;
	v63 =	vadd.s32 $0x12, v39;
	v55 =	vld.idx.msk [tilespmem:v56+s2+$0x0], $0xffff  }
0x1de: {  	v15 =	vadd.s32 $0x13, v41;
	v3 =	vadd.f32 v7, v3;
	v52 =	vmul.f32 v2, v52;
	v7 =	vld [tilespmem:$0x1FDD0]  }
0x1df: {  	v54 =	vmul.f32 v8, v51;
	v56 =	vadd.s32 $0x13, v39;
	v8 =	vld [tilespmem:$0x1FDA0];
	v0 =	vadd.f32 v57, v0  }
0x1e0: {  	v57 =	vadd.s32 $0x14, v41;
	v58 =	vmul.f32 v58, v51;
	v3 =	vadd.f32 v59, v3;
	v59 =	vld.idx.msk [tilespmem:v60+s2+$0x0], $0xffff  }
0x1e1: {  	v51 =	vadd.s32 $0x15, v39;
	v60 =	vmul.f32 v9, v50;
	v9 =	vld.idx.msk [tilespmem:v16+s2+$0x0], $0xffff;
	v0 =	vadd.f32 v61, v0  }
0x1e2: {  	v61 =	vadd.s32 $0x14, v39;
	v3 =	vadd.f32 v62, v3;
	v62 =	vmul.f32 v4, v50;
	v4 =	vld.idx.msk [tilespmem:v63+s2+$0x0], $0xffff  }
0x1e3: {  	v16 =	vadd.s32 $0x15, v41;
	v63 =	vmul.f32 v10, v49;
	v50 =	vld.idx.msk [tilespmem:v15+s2+$0x0], $0xffff;
	v0 =	vadd.f32 v52, v0  }
0x1e4: {  	v52 =	vadd.s32 $0x16, v41;
	v53 =	vmul.f32 v53, v49;
	v3 =	vadd.f32 v54, v3;
	v54 =	vld.idx.msk [tilespmem:v56+s2+$0x0], $0xffff  }
0x1e5: {  	v55 =	vmul.f32 v55, v48;
	v56 =	vld.idx.msk [tilespmem:v57+s2+$0x0], $0xffff;
	v57 =	vadd.s32 $0x16, v39;
	v0 =	vadd.f32 v58, v0  }
0x1e6: {  	v58 =	vadd.s32 $0x17, v41;
	v59 =	vmul.f32 v59, v48;
	v48 =	vld.idx.msk [tilespmem:v51+s2+$0x0], $0xffff;
	v3 =	vadd.f32 v60, v3  }
0x1e7: {  	v51 =	vadd.s32 $0x18, v39;
	v60 =	vld.idx.msk [tilespmem:v61+s2+$0x0], $0xffff;
	v61 =	vmul.f32 v9, v47;
	v0 =	vadd.f32 v62, v0  }
0x1e8: {  	v62 =	vld.idx.msk [tilespmem:v16+s2+$0x0], $0xffff;
	v16 =	vadd.s32 $0x18, v41;
	v47 =	vmul.f32 v4, v47;
	v3 =	vadd.f32 v63, v3  }
0x1e9: {  	v49 =	vmul.f32 v50, v46;
	v63 =	vadd.s32 $0x17, v39;
	v50 =	vld.idx.msk [tilespmem:v52+s2+$0x0], $0xffff;
	v52 =	vadd.s32 $0x19, v41  }
0x1ea: {  	v0 =	vadd.f32 v53, v0;
	v53 =	vmul.f32 v54, v46;
	v54 =	vld.idx.msk [tilespmem:v57+s2+$0x0], $0xffff;
	v3 =	vadd.f32 v55, v3  }
0x1eb: {  	v57 =	vadd.s32 $0x19, v39;
	v55 =	vmul.f32 v56, v45;
	v56 =	vld.idx.msk [tilespmem:v58+s2+$0x0], $0xffff;
	v58 =	vadd.s32 $0x1A, v41  }
0x1ec: {  	v0 =	vadd.f32 v59, v0;
	v59 =	vmul.f32 v60, v45;
	v45 =	vld.idx.msk [tilespmem:v51+s2+$0x0], $0xffff;
	v3 =	vadd.f32 v61, v3  }
0x1ed: {  	v61 =	vmul.f32 v62, v44;
	v62 =	vld.idx.msk [tilespmem:v16+s2+$0x0], $0xffff;
	v16 =	vadd.s32 $0x1B, v41;
	v44 =	vmul.f32 v48, v44  }
0x1ee: {  	v48 =	vadd.s32 $0x1B, v39;
	v0 =	vadd.f32 v47, v0;
	v60 =	vld.idx.msk [tilespmem:v63+s2+$0x0], $0xffff;
	v3 =	vadd.f32 v49, v3  }
0x1ef: {  	v63 =	vadd.s32 $0x1A, v39;
	v47 =	vld.idx.msk [tilespmem:v52+s2+$0x0], $0xffff  }
0x1f0: {  	v49 =	vadd.s32 $0x1C, v41;
	v51 =	vld.idx.msk [tilespmem:v57+s2+$0x0], $0xffff;
	v0 =	vadd.f32 v53, v0;
	v3 =	vadd.f32 v55, v3  }
0x1f1: {  	v46 =	vmul.f32 v50, v43;
	v50 =	vmul.f32 v54, v43;
	v54 =	vadd.s32 $0x1C, v39;
	v53 =	vld.idx.msk [tilespmem:v58+s2+$0x0], $0xffff  }
0x1f2: {  	v55 =	vadd.s32 $0x1D, v41;
	v0 =	vadd.f32 v59, v0;
	v59 =	vld.idx.msk [tilespmem:v16+s2+$0x0], $0xffff;
	v3 =	vadd.f32 v61, v3  }
0x1f3: {  	v58 =	vmul.f32 v62, v40;
	v16 =	vadd.s32 $0x1E, v41;
	v62 =	vld.idx.msk [tilespmem:v48+s2+$0x0], $0xffff  }
0x1f4: {  	v52 =	vmul.f32 v56, v42;
	v48 =	vadd.s32 $0x1F, v39;
	v57 =	vld.idx.msk [tilespmem:v63+s2+$0x0], $0xffff;
	v3 =	vadd.f32 v46, v3  }
0x1f5: {  	v56 =	vmul.f32 v60, v42;
	v60 =	vadd.s32 $0x1D, v39;
	v61 =	vmul.f32 v45, v40;
	v40 =	vld.idx.msk [tilespmem:v49+s2+$0x0], $0xffff  }
0x1f6: {  	v42 =	vadd.s32 $0x1E, v39;
	v45 =	vld.idx.msk [tilespmem:v54+s2+$0x0], $0xffff;
	v3 =	vadd.f32 v52, v3  }
0x1f7: {  	v43 =	vadd.s32 $0x1F, v41;
	v63 =	vmul.f32 v47, v38;
	v0 =	vadd.f32 v44, v0;
	v47 =	vld.idx.msk [tilespmem:v55+s2+$0x0], $0xffff  }
0x1f8: {  	v54 =	vadd.s32 $0x20, v39;
	v46 =	vmul.f32 v53, v37;
	v53 =	vld.idx.msk [tilespmem:v16+s2+$0x0], $0xffff;
	v3 =	vadd.f32 v58, v3  }
0x1f9: {  	v0 =	vadd.f32 v50, v0;
	v16 =	vadd.s32 $0x21, v41;
	v55 =	vmul.f32 v62, v36;
	v62 =	vld.idx.msk [tilespmem:v48+s2+$0x0], $0xffff  }
0x1fa: {  	v44 =	vmul.f32 v51, v38;
	v49 =	vadd.s32 $0x20, v41;
	v51 =	vld.idx.msk [tilespmem:v60+s2+$0x0], $0xffff;
	v3 =	vadd.f32 v63, v3  }
0x1fb: {  	v52 =	vmul.f32 v59, v36;
	v59 =	vadd.s32 $0x21, v39;
	v0 =	vadd.f32 v56, v0;
	v56 =	vld.idx.msk [tilespmem:v42+s2+$0x0], $0xffff  }
0x1fc: {  	v50 =	vmul.f32 v57, v37;
	v60 =	vadd.s32 $0x22, v41;
	v58 =	vld.idx.msk [tilespmem:v43+s2+$0x0], $0xffff;
	v3 =	vadd.f32 v46, v3  }
0x1fd: {  	v37 =	vadd.s32 $0x23, v41;
	v57 =	vmul.f32 v40, v35;
	v40 =	vld.idx.msk [tilespmem:v54+s2+$0x0], $0xffff;
	v0 =	vadd.f32 v61, v0  }
0x1fe: {  	v43 =	vld.idx.msk [tilespmem:v16+s2+$0x0], $0xffff;
	v16 =	vadd.s32 $0x24, v41;
	v3 =	vadd.f32 v52, v3  }
0x1ff: {  	v36 =	vadd.s32 $0x22, v39;
	v61 =	vmul.f32 v45, v35;
	v35 =	vld.idx.msk [tilespmem:v49+s2+$0x0], $0xffff;
	v0 =	vadd.f32 v44, v0  }
0x200: {  	v63 =	vmul.f32 v47, v34;
	v44 =	vadd.s32 $0x23, v39;
	v46 =	vld.idx.msk [tilespmem:v59+s2+$0x0], $0xffff;
	v3 =	vadd.f32 v57, v3  }
0x201: {  	v45 =	vmul.f32 v56, v33;
	v48 =	vld.idx.msk [tilespmem:v60+s2+$0x0], $0xffff;
	v56 =	vadd.s32 $0x26, v41;
	v0 =	vadd.f32 v50, v0  }
0x202: {  	v49 =	vadd.s32 $0x24, v39;
	v42 =	vmul.f32 v53, v33;
	v54 =	vld.idx.msk [tilespmem:v37+s2+$0x0], $0xffff;
	v3 =	vadd.f32 v63, v3  }
0x203: {  	v38 =	vmul.f32 v51, v34;
	v0 =	vadd.f32 v55, v0;
	v60 =	vld.idx.msk [tilespmem:v16+s2+$0x0], $0xffff;
	v16 =	vadd.s32 $0x27, v41  }
0x204: {  	v47 =	vmul.f32 v58, v32;
	v50 =	vadd.s32 $0x25, v41;
	v52 =	vld.idx.msk [tilespmem:v36+s2+$0x0], $0xffff;
	v3 =	vadd.f32 v42, v3  }
0x205: {  	v34 =	vadd.s32 $0x27, v39;
	v53 =	vmul.f32 v35, v31;
	v58 =	vld.idx.msk [tilespmem:v44+s2+$0x0], $0xffff;
	v0 =	vadd.f32 v61, v0  }
0x206: {  	v55 =	vadd.s32 $0x25, v39;
	v57 =	vmul.f32 v40, v31;
	v40 =	vld.idx.msk [tilespmem:v56+s2+$0x0], $0xffff;
	v3 =	vadd.f32 v47, v3  }
0x207: {  	v51 =	vmul.f32 v62, v32;
	v35 =	vadd.s32 $0x28, v41;
	v63 =	vld.idx.msk [tilespmem:v49+s2+$0x0], $0xffff;
	v0 =	vadd.f32 v38, v0  }
0x208: {  	v59 =	vmul.f32 v43, v30;
	v47 =	vld.idx.msk [tilespmem:v16+s2+$0x0], $0xffff;
	v16 =	vadd.s32 $0x2A, v41;
	v3 =	vadd.f32 v53, v3  }
0x209: {  	v61 =	vadd.s32 $0x26, v39;
	v62 =	vmul.f32 v46, v30;
	v33 =	vld.idx.msk [tilespmem:v50+s2+$0x0], $0xffff;
	v0 =	vadd.f32 v45, v0  }
0x20a: {  	v32 =	vmul.f32 v48, v29;
	v50 =	vld.idx.msk [tilespmem:v34+s2+$0x0], $0xffff;
	v42 =	vadd.s32 $0x28, v39;
	v3 =	vadd.f32 v59, v3  }
0x20b: {  	v38 =	vmul.f32 v54, v28;
	v54 =	vadd.s32 $0x2B, v41;
	v37 =	vld.idx.msk [tilespmem:v55+s2+$0x0], $0xffff;
	v0 =	vadd.f32 v51, v0  }
0x20c: {  	v36 =	vmul.f32 v52, v29;
	v52 =	vld.idx.msk [tilespmem:v35+s2+$0x0], $0xffff;
	v53 =	vadd.s32 $0x2A, v39;
	v3 =	vadd.f32 v32, v3  }
0x20d: {  	v48 =	vadd.s32 $0x29, v39;
	v0 =	vadd.f32 v57, v0;
	v32 =	vld.idx.msk [tilespmem:v16+s2+$0x0], $0xffff;
	v16 =	vadd.s32 $0x2D, v41  }
0x20e: {  	v46 =	vmul.f32 v60, v27;
	v45 =	vld.idx.msk [tilespmem:v61+s2+$0x0], $0xffff;
	v3 =	vadd.f32 v38, v3;
	v38 =	vadd.s32 $0x2D, v39  }
0x20f: {  	v44 =	vmul.f32 v58, v28;
	v60 =	vadd.s32 $0x2C, v41;
	v56 =	vld.idx.msk [tilespmem:v42+s2+$0x0], $0xffff;
	v0 =	vadd.f32 v62, v0  }
0x210: {  	v51 =	vmul.f32 v33, v26;
	v55 =	vmul.f32 v37, v26;
	v37 =	vld.idx.msk [tilespmem:v54+s2+$0x0], $0xffff;
	v3 =	vadd.f32 v46, v3  }
0x211: {  	v57 =	vmul.f32 v40, v25;
	v40 =	vadd.s32 $0x2E, v41;
	v0 =	vadd.f32 v36, v0;
	v35 =	vld.idx.msk [tilespmem:v53+s2+$0x0], $0xffff  }
0x212: {  	v46 =	vadd.s32 $0x2E, v39;
	v3 =	vadd.f32 v51, v3;
	v51 =	vld.idx.msk [tilespmem:v16+s2+$0x0], $0xffff  }
0x213: {  	v49 =	vmul.f32 v63, v27;
	v0 =	vadd.f32 v44, v0;
	v54 =	vld.idx.msk [tilespmem:v38+s2+$0x0], $0xffff  }
0x214: {  	v43 =	vadd.s32 $0x29, v41;
	v62 =	vld.idx.msk [tilespmem:v48+s2+$0x0], $0xffff  }
0x215: {  	v61 =	vmul.f32 v45, v25;
	v63 =	vmul.f32 v47, v24;
	v45 =	vld.idx.msk [tilespmem:v60+s2+$0x0], $0xffff;
	v0 =	vadd.f32 v49, v0  }
0x216: {  	v47 =	vadd.s32 $0x2F, v41;
	v36 =	vmul.f32 v52, v23;
	v42 =	vmul.f32 v56, v23;
	v56 =	vld.idx.msk [tilespmem:v40+s2+$0x0], $0xffff  }
0x217: {  	v52 =	vadd.s32 $0x2F, v39;
	v53 =	vmul.f32 v35, v21;
	v0 =	vadd.f32 v55, v0;
	v60 =	vld.idx.msk [tilespmem:v46+s2+$0x0], $0xffff  }
0x218: {  	v35 =	vmul.f32 v51, v18;
	v38 =	vmul.f32 v54, v18;
	v18 =	vld [tilespmem:$0x1FBF0]  }
0x219: {  	v10 =	vld [tilespmem:$0x1FDC0];
	v34 =	vmul.f32 v50, v24;
	v59 =	vadd.s32 $0x2B, v39;
	v0 =	vadd.f32 v61, v0  }
0x21a: {  	v58 =	vld.idx.msk [tilespmem:v43+s2+$0x0], $0xffff;
	v33 =	vadd.s32 $0x2C, v39  }
0x21b: {  	v48 =	vmul.f32 v62, v22;
	v62 =	vld.idx.msk [tilespmem:v47+s2+$0x0], $0xffff;
	v16 =	vadd.s32 $0x30, v41;
	v0 =	vadd.f32 v34, v0  }
0x21c: {  	v3 =	vadd.f32 v57, v3;
	v57 =	vadd.s32 $0x30, v39;
	v34 =	vld.idx.msk [tilespmem:v52+s2+$0x0], $0xffff  }
0x21d: {  	v0 =	vadd.f32 v42, v0;
	v42 =	vmul.f32 v56, v18;
	v46 =	vmul.f32 v60, v18;
	v18 =	vld [tilespmem:$0x1FBE0]  }
0x21e: {  	v43 =	vld.idx.msk [tilespmem:v59+s2+$0x0], $0xffff;
	v3 =	vadd.f32 v63, v3  }
0x21f: {  	v44 =	vmul.f32 v58, v22;
	v58 =	vadd.s32 $0x31, v41;
	v49 =	vld.idx.msk [tilespmem:v33+s2+$0x0], $0xffff  }
0x220: {  	v50 =	vmul.f32 v32, v21;
	v32 =	vadd.s32 $0x32, v41;
	v3 =	vadd.f32 v36, v3;
	v36 =	vld.idx.msk [tilespmem:v16+s2+$0x0], $0xffff  }
0x221: {  	v63 =	vadd.s32 $0x31, v39;
	v40 =	vld.idx.msk [tilespmem:v57+s2+$0x0], $0xffff  }
0x222: {  	v0 =	vadd.f32 v48, v0;
	v48 =	vmul.f32 v62, v18;
	v52 =	vmul.f32 v34, v18;
	v18 =	vld [tilespmem:$0x1FBD0]  }
0x223: {  	v9 =	vld [tilespmem:$0x1FDB0];
	v55 =	vmul.f32 v37, v20;
	v37 =	vadd.s32 $0x32, v39;
	v59 =	vmul.f32 v43, v20  }
0x224: {  	v43 =	vld.idx.msk [tilespmem:v58+s2+$0x0], $0xffff;
	v61 =	vmul.f32 v45, v19;
	v45 =	vadd.s32 $0x34, v41;
	v3 =	vadd.f32 v44, v3  }
0x225: {  	v33 =	vmul.f32 v49, v19;
	v49 =	vld.idx.msk [tilespmem:v32+s2+$0x0], $0xffff;
	v16 =	vadd.s32 $0x33, v41  }
0x226: {  	v44 =	vadd.s32 $0x33, v39;
	v47 =	vld.idx.msk [tilespmem:v63+s2+$0x0], $0xffff;
	v3 =	vadd.f32 v50, v3  }
0x227: {  	v54 =	vmul.f32 v36, v18;
	v57 =	vmul.f32 v40, v18;
	v18 =	vld [tilespmem:$0x1FBC0]  }
0x228: {  	v50 =	vadd.s32 $0x34, v39;
	v0 =	vadd.f32 v53, v0;
	v53 =	vld.idx.msk [tilespmem:v37+s2+$0x0], $0xffff;
	v3 =	vadd.f32 v55, v3  }
0x229: {  	v51 =	vadd.s32 $0x35, v41;
	v60 =	vld.idx.msk [tilespmem:v45+s2+$0x0], $0xffff  }
0x22a: {  	v56 =	vadd.s32 $0x35, v39;
	v55 =	vld.idx.msk [tilespmem:v16+s2+$0x0], $0xffff;
	v3 =	vadd.f32 v61, v3  }
0x22b: {  	v16 =	vadd.s32 $0x36, v41;
	v0 =	vadd.f32 v59, v0;
	v58 =	vld.idx.msk [tilespmem:v44+s2+$0x0], $0xffff  }
0x22c: {  	v3 =	vadd.f32 v35, v3;
	v59 =	vmul.f32 v43, v18;
	v63 =	vmul.f32 v47, v18;
	v18 =	vld [tilespmem:$0x1FBB0]  }
0x22d: {  	v61 =	vadd.s32 $0x36, v39;
	v0 =	vadd.f32 v33, v0;
	v32 =	vld.idx.msk [tilespmem:v50+s2+$0x0], $0xffff  }
0x22e: {  	v34 =	vld.idx.msk [tilespmem:v51+s2+$0x0], $0xffff;
	v35 =	vadd.s32 $0x37, v39;
	v3 =	vadd.f32 v42, v3  }
0x22f: {  	v62 =	vadd.s32 $0x37, v41;
	v0 =	vadd.f32 v38, v0;
	v38 =	vld.idx.msk [tilespmem:v56+s2+$0x0], $0xffff  }
0x230: {  	v42 =	vld.idx.msk [tilespmem:v16+s2+$0x0], $0xffff;
	v3 =	vadd.f32 v48, v3;
	v48 =	vadd.s32 $0x39, v39  }
0x231: {  	v33 =	vmul.f32 v49, v18;
	v37 =	vmul.f32 v53, v18;
	v18 =	vld [tilespmem:$0x1FBA0]  }
0x232: {  	v16 =	vadd.s32 $0x39, v41;
	v45 =	vld.idx.msk [tilespmem:v61+s2+$0x0], $0xffff  }
0x233: {  	v36 =	vadd.s32 $0x38, v41;
	v51 =	vld.idx.msk [tilespmem:v35+s2+$0x0], $0xffff  }
0x234: {  	v3 =	vadd.f32 v54, v3;
	v43 =	vadd.s32 $0x38, v39;
	v47 =	vld.idx.msk [tilespmem:v62+s2+$0x0], $0xffff  }
0x235: {  	v0 =	vadd.f32 v46, v0;
	v54 =	vadd.s32 $0x3A, v39;
	v62 =	vld.idx.msk [tilespmem:v48+s2+$0x0], $0xffff  }
0x236: {  	v3 =	vadd.f32 v59, v3;
	v40 =	vmul.f32 v55, v18;
	v44 =	vmul.f32 v58, v18;
	v18 =	vld [tilespmem:$0x1FB90]  }
0x237: {  	v0 =	vadd.f32 v52, v0;
	v59 =	vld.idx.msk [tilespmem:v16+s2+$0x0], $0xffff;
	v49 =	vadd.s32 $0x3A, v41  }
0x238: {  	v53 =	vld.idx.msk [tilespmem:v36+s2+$0x0], $0xffff;
	v3 =	vadd.f32 v33, v3;
	v33 =	vadd.s32 $0x3C, v39  }
0x239: {  	v0 =	vadd.f32 v57, v0;
	v16 =	vadd.s32 $0x3C, v41;
	v57 =	vld.idx.msk [tilespmem:v43+s2+$0x0], $0xffff  }
0x23a: {  	v36 =	vld.idx.msk [tilespmem:v54+s2+$0x0], $0xffff;
	v3 =	vadd.f32 v40, v3;
	v40 =	vadd.s32 $0x3D, v39  }
0x23b: {  	v46 =	vmul.f32 v60, v18;
	v50 =	vmul.f32 v32, v18;
	v18 =	vld [tilespmem:$0x1FB80]  }
0x23c: {  	v32 =	vld.idx.msk [tilespmem:v49+s2+$0x0], $0xffff  }
0x23d: {  	v55 =	vadd.s32 $0x3B, v41;
	v49 =	vld.idx.msk [tilespmem:v33+s2+$0x0], $0xffff  }
0x23e: {  	v60 =	vadd.s32 $0x3B, v39;
	v3 =	vadd.f32 v46, v3;
	v46 =	vld.idx.msk [tilespmem:v16+s2+$0x0], $0xffff  }
0x23f: {  	v0 =	vadd.f32 v63, v0;
	v54 =	vld.idx.msk [tilespmem:v40+s2+$0x0], $0xffff  }
0x240: {  	v40 =	vld [tilespmem:$0x1FC30]  }
0x241: {  	v0 =	vadd.f32 v37, v0;
	v52 =	vmul.f32 v34, v18;
	v56 =	vmul.f32 v38, v18;
	v18 =	vld [tilespmem:$0x1FB70]  }
0x242: {  	v38 =	vld.idx.msk [tilespmem:v55+s2+$0x0], $0xffff  }
0x243: {  	v0 =	vadd.f32 v44, v0;
	v44 =	vld.idx.msk [tilespmem:v60+s2+$0x0], $0xffff  }
0x244: {  	v55 =	vld [tilespmem:$0x1FB20];
	v3 =	vadd.f32 v52, v3;
	v52 =	vadd.s32 $0x3F, v39  }
0x245: {  	v60 =	vld [tilespmem:$0x1FB10]  }
0x246: {  	v15 =	vmul.f32 v54, v13;
	v54 =	vld [tilespmem:$0x1FD10]  }
0x247: {  	v0 =	vadd.f32 v50, v0;
	v58 =	vmul.f32 v42, v18;
	v61 =	vmul.f32 v45, v18;
	v18 =	vld [tilespmem:$0x1FB60]  }
0x248: {  	v16 =	vadd.s32 $0x3F, v41;
	v34 =	vadd.s32 $0x3D, v41;
	v42 =	vadd.s32 $0x3E, v41;
	v41 =	vld [tilespmem:$0x1FC40]  }
0x249: {  	v0 =	vadd.f32 v56, v0;
	v12 =	vld.idx.msk [tilespmem:v52+s2+$0x0], $0xffff  }
0x24a: {  	v3 =	vadd.f32 v58, v3;
	v58 =	vmul.f32 v44, v55;
	v44 =	vld [tilespmem:$0x1FC70]  }
0x24b: {  	v0 =	vadd.f32 v61, v0;
	v61 =	vmul.f32 v46, v60;
	v46 =	vld [tilespmem:$0x1FC90]  }
0x24c: {  	v52 =	vld [tilespmem:$0x1FCF0]  }
0x24d: {  	v56 =	vmul.f32 v38, v55;
	v55 =	vld [tilespmem:$0x1FD20]  }
0x24e: {  	v63 =	vmul.f32 v47, v18;
	v35 =	vmul.f32 v51, v18;
	v18 =	vld [tilespmem:$0x1FB50]  }
0x24f: {  	s18 =	sadd.s32 $0x10, s18;
	v51 =	vld.idx.msk [tilespmem:v34+s2+$0x0], $0xffff  }
0x250: {  	v34 =	vld [tilespmem:s18+$0x0]  }
0x251: {  	v47 =	vadd.s32 $0x3E, v39;
	v39 =	vld [tilespmem:$0x1FC20]  }
0x252: {  	v4 =	vadd.s32 s24, v41;
	v41 =	vld [tilespmem:$0x1FEF0]  }
0x253: {  	v0 =	vadd.f32 v35, v0;
	v35 =	vld [tilespmem:$0x1F9F0]  }
0x254: {  	v3 =	vadd.f32 v63, v3;
	v63 =	vmul.f32 v49, v60;
	v49 =	vld [tilespmem:$0x1FCC0]  }
0x255: {  	v60 =	vld [tilespmem:$0x1FD70]  }
0x256: {  	v37 =	vmul.f32 v53, v18;
	v43 =	vmul.f32 v57, v18;
	v18 =	vld [tilespmem:$0x1FB40]  }
0x257: {  	v57 =	vld.idx.msk [tilespmem:v42+s2+$0x0], $0xffff  }
0x258: {  	v42 =	vld [tilespmem:$0x1FC50]  }
0x259: {  	v14 =	vmul.f32 v51, v13;
	v51 =	vld [tilespmem:$0x1FCE0]  }
0x25a: {  	v13 =	vld [tilespmem:$0x1FE30]  }
0x25b: {  	s19 =	sadd.s32 $0x10, s19;
	v1 =	vadd.s32 s24, v39;
	v39 =	vld [tilespmem:$0x1FEA0]  }
0x25c: {  	v3 =	vadd.f32 v37, v3;
	v37 =	vld [tilespmem:s19+$0x0]  }
0x25d: {  	v0 =	vadd.f32 v43, v0;
	v43 =	vld [tilespmem:$0x1FC60]  }
0x25e: {  	v38 =	vmul.f32 v12, v35;
	v12 =	vld [tilespmem:$0x1FDF0]  }
0x25f: {  	v45 =	vmul.f32 v59, v18;
	v48 =	vmul.f32 v62, v18;
	v18 =	vld [tilespmem:$0x1FB30]  }
0x260: {  	v59 =	vld.idx.msk [tilespmem:v47+s2+$0x0], $0xffff  }
0x261: {  	v62 =	vld.idx.msk [tilespmem:v16+s2+$0x0], $0xffff  }
0x262: {  	v47 =	vld [tilespmem:$0x1FCA0]  }
0x263: {  	v3 =	vadd.f32 v45, v3;
	v45 =	vld [tilespmem:$0x1FC80]  }
0x264: {  	v0 =	vadd.f32 v48, v0;
	v48 =	vld [tilespmem:$0x1FCB0]  }
0x265: {  	v5 =	vadd.s32 s24, v43;
	v43 =	vld [tilespmem:$0x1FED0];
	v50 =	vmul.f32 v32, v18  }
0x266: {  	v53 =	vmul.f32 v36, v18;
	v32 =	vmul.f32 v57, v17;
	v57 =	vld [tilespmem:$0x1FD40]  }
0x267: {  	v33 =	vmul.f32 v59, v17;
	v59 =	vld [tilespmem:$0x1FD60]  }
0x268: {  	v36 =	vmul.f32 v62, v35;
	v35 =	vld [tilespmem:$0x1FE90];
	v3 =	vadd.f32 v50, v3;
	v0 =	vadd.f32 v53, v0  }
0x269: {  	v50 =	vld [tilespmem:$0x1FCD0]  }
0x26a: {  	v53 =	vld [tilespmem:$0x1FD00];
	v3 =	vadd.f32 v56, v3;
	v0 =	vadd.f32 v58, v0  }
0x26b: {  	v56 =	vld [tilespmem:$0x1FD30]  }
0x26c: {  	v58 =	vld [tilespmem:$0x1FD50];
	v3 =	vadd.f32 v61, v3;
	v0 =	vadd.f32 v63, v0  }
0x26d: {  	v61 =	vld [tilespmem:$0x1FD80]  }
0x26e: {  	v3 =	vadd.f32 v14, v3;
	v0 =	vadd.f32 v15, v0;
	v14 =	vld [tilespmem:$0x1FE00]  }
0x26f: {  	v15 =	vld [tilespmem:$0x1FE10]  }
0x270: {  	v2 =	vadd.f32 v32, v3;
	v0 =	vadd.f32 v33, v0;
	v32 =	vld [tilespmem:$0x1FE20]  }
0x271: {  	v33 =	vld [tilespmem:$0x1FE40]  }
0x272: {  	v3 =	vadd.s32 s24, v40;
	v40 =	vld [tilespmem:$0x1FEB0];
	v2 =	vadd.f32 v36, v2;
	v0 =	vadd.f32 v38, v0  }
0x273: {  	v36 =	vld [tilespmem:$0x1FE60]  }
0x274: {  	v38 =	vld [tilespmem:$0x1FE80];
	v2 =	vmul.f32 v2, v34;
	v0 =	vmul.f32 v0, v37  }
0x275: {  	v34 =	vld [tilespmem:$0x1FE50]  }
0x276: {  	v37 =	vld [tilespmem:$0x1FE70];
	v0 =	vadd.f32 v0, v2  }
0x277: {  	s20 =	sadd.s32 $0x10, s20;
	v2 =	vadd.s32 s24, v42;
	v42 =	vld [tilespmem:$0x1FEC0]  }
0x278: {  	[tilespmem:s20+$0x0] =	vst v0;
	v0 =	vadd.s32 s24, v44;
	v44 =	vld [tilespmem:$0x1FEE0]  }
0x279: {  	v62 =	vld.idx.msk [tilespmem:v1+s13+$0x0], $0xffff  }
0x27a: {  	v63 =	vld.idx.msk [tilespmem:v3+s13+$0x0], $0xffff  }
0x27b: {  	v4 =	vld.idx.msk [tilespmem:v4+s13+$0x0], $0xffff  }
0x27c: {  	v1 =	vadd.s32 s24, v45;
	v5 =	vld.idx.msk [tilespmem:v5+s13+$0x0], $0xffff  }
0x27d: {  	v3 =	vadd.s32 s24, v46;
	v45 =	vld [tilespmem:$0x1FF00]  }
0x27e: {  	v46 =	vld [tilespmem:$0x1FF10]  }
0x27f: {  	v2 =	vld.idx.msk [tilespmem:v2+s13+$0x0], $0xffff  }
0x280: {  	v0 =	vld.idx.msk [tilespmem:v0+s13+$0x0], $0xffff  }
0x281: {  	v1 =	vld.idx.msk [tilespmem:v1+s13+$0x0], $0xffff  }
0x282: {  	[tilespmem:$0x1FB00] =	vst v4;
	v4 =	vadd.s32 s24, v47;
	v3 =	vld.idx.msk [tilespmem:v3+s13+$0x0], $0xffff  }
0x283: {  	[tilespmem:$0x1FB20] =	vst v5;
	v5 =	vadd.s32 s24, v49;
	v47 =	vld [tilespmem:$0x1FF50]  }
0x284: {  	v49 =	vld [tilespmem:$0x1FF30]  }
0x285: {  	[tilespmem:$0x1FB10] =	vst v2;
	v2 =	vadd.s32 s24, v48;
	v48 =	vld [tilespmem:$0x1FF20]  }
0x286: {  	[tilespmem:$0x1FB30] =	vst v0;
	v0 =	vadd.s32 s24, v50;
	v50 =	vld [tilespmem:$0x1FF40]  }
0x287: {  	v4 =	vld.idx.msk [tilespmem:v4+s13+$0x0], $0xffff  }
0x288: {  	[tilespmem:$0x1FB40] =	vst v1;
	v1 =	vadd.s32 s24, v51;
	v5 =	vld.idx.msk [tilespmem:v5+s13+$0x0], $0xffff  }
0x289: {  	[tilespmem:$0x1FB50] =	vst v3;
	v3 =	vadd.s32 s24, v52;
	v51 =	vld [tilespmem:$0x1FF60]  }
0x28a: {  	v52 =	vld [tilespmem:$0x1FF70]  }
0x28b: {  	v2 =	vld.idx.msk [tilespmem:v2+s13+$0x0], $0xffff  }
0x28c: {  	v0 =	vld.idx.msk [tilespmem:v0+s13+$0x0], $0xffff  }
0x28d: {  	[tilespmem:$0x1FB60] =	vst v4;
	v4 =	vadd.s32 s24, v53;
	v1 =	vld.idx.msk [tilespmem:v1+s13+$0x0], $0xffff  }
0x28e: {  	[tilespmem:$0x1FB80] =	vst v5;
	v5 =	vadd.s32 s24, v55;
	v3 =	vld.idx.msk [tilespmem:v3+s13+$0x0], $0xffff  }
0x28f: {  	v53 =	vld [tilespmem:$0x1FFA0]  }
0x290: {  	v55 =	vld [tilespmem:$0x1FF90]  }
0x291: {  	[tilespmem:$0x1FB70] =	vst v2;
	v2 =	vadd.s32 s24, v54;
	v54 =	vld [tilespmem:$0x1FF80]  }
0x292: {  	[tilespmem:$0x1FB90] =	vst v0;
	v0 =	vadd.s32 s24, v56;
	v4 =	vld.idx.msk [tilespmem:v4+s13+$0x0], $0xffff  }
0x293: {  	[tilespmem:$0x1FBA0] =	vst v1;
	v1 =	vadd.s32 s24, v57;
	v5 =	vld.idx.msk [tilespmem:v5+s13+$0x0], $0xffff  }
0x294: {  	v56 =	vld [tilespmem:$0x1FFB0];
	[tilespmem:$0x1FBB0] =	vst v3;
	v3 =	vadd.s32 s24, v58  }
0x295: {  	v58 =	vld [tilespmem:$0x1FFC0]  }
0x296: {  	v2 =	vld.idx.msk [tilespmem:v2+s13+$0x0], $0xffff  }
0x297: {  	v0 =	vld.idx.msk [tilespmem:v0+s13+$0x0], $0xffff;
	[tilespmem:$0x1FBC0] =	vst v4;
	v4 =	vadd.s32 s24, v59  }
0x298: {  	[tilespmem:$0x1FBE0] =	vst v5;
	v5 =	vadd.s32 s24, v61;
	v18 =	vld.idx.msk [tilespmem:v1+s13+$0x0], $0xffff  }
0x299: {  	v1 =	vadd.s32 s24, v7;
	v19 =	vld.idx.msk [tilespmem:v3+s13+$0x0], $0xffff  }
0x29a: {  	s23 =	sadd.s32 $0x10, s23;
	v3 =	vadd.s32 s24, v8;
	v59 =	vld [tilespmem:$0x1FFD0]  }
0x29b: {  	[tilespmem:$0x1FBD0] =	vst v2;
	v2 =	vadd.s32 s24, v60;
	v60 =	vadd.s32 s24, v58;
	v58 =	vld [tilespmem:s23+$0x0]  }
0x29c: {  	[tilespmem:$0x1FBF0] =	vst v0;
	v0 =	vadd.s32 s24, v6;
	v20 =	vld.idx.msk [tilespmem:v4+s13+$0x0], $0xffff  }
0x29d: {  	v4 =	vadd.s32 s24, v9;
	v22 =	vld.idx.msk [tilespmem:v5+s13+$0x0], $0xffff  }
0x29e: {  	v5 =	vadd.s32 s24, v11;
	v24 =	vld.idx.msk [tilespmem:v1+s13+$0x0], $0xffff  }
0x29f: {  	v1 =	vadd.s32 s24, v13;
	v25 =	vld.idx.msk [tilespmem:v3+s13+$0x0], $0xffff  }
0x2a0: {  	v3 =	vadd.s32 s24, v14;
	v21 =	vld.idx.msk [tilespmem:v2+s13+$0x0], $0xffff  }
0x2a1: {  	v2 =	vadd.s32 s24, v10;
	v23 =	vld.idx.msk [tilespmem:v0+s13+$0x0], $0xffff  }
0x2a2: {  	v0 =	vadd.s32 s24, v12;
	v26 =	vld.idx.msk [tilespmem:v4+s13+$0x0], $0xffff  }
0x2a3: {  	v4 =	vadd.s32 s24, v15;
	v28 =	vld.idx.msk [tilespmem:v5+s13+$0x0], $0xffff  }
0x2a4: {  	v5 =	vadd.s32 s24, v33;
	v30 =	vld.idx.msk [tilespmem:v1+s13+$0x0], $0xffff  }
0x2a5: {  	v1 =	vadd.s32 s24, v35;
	v31 =	vld.idx.msk [tilespmem:v3+s13+$0x0], $0xffff  }
0x2a6: {  	v3 =	vadd.s32 s24, v36;
	v27 =	vld.idx.msk [tilespmem:v2+s13+$0x0], $0xffff  }
0x2a7: {  	v29 =	vld.idx.msk [tilespmem:v0+s13+$0x0], $0xffff  }
0x2a8: {  	v2 =	vadd.s32 s24, v32;
	v32 =	vld.idx.msk [tilespmem:v4+s13+$0x0], $0xffff  }
0x2a9: {  	v0 =	vadd.s32 s24, v34;
	v34 =	vld.idx.msk [tilespmem:v5+s13+$0x0], $0xffff  }
0x2aa: {  	v4 =	vadd.s32 s24, v37;
	v36 =	vld.idx.msk [tilespmem:v1+s13+$0x0], $0xffff  }
0x2ab: {  	s22 =	sadd.s32 $0x10, s22;
	v5 =	vadd.s32 s24, v39;
	v37 =	vld.idx.msk [tilespmem:v3+s13+$0x0], $0xffff  }
0x2ac: {  	v1 =	vadd.s32 s24, v41;
	v3 =	vadd.s32 s24, v42;
	v41 =	vld [tilespmem:s22+$0x0]  }
0x2ad: {  	v33 =	vld.idx.msk [tilespmem:v2+s13+$0x0], $0xffff;
	v2 =	vadd.s32 s24, v38  }
0x2ae: {  	v35 =	vld.idx.msk [tilespmem:v0+s13+$0x0], $0xffff  }
0x2af: {  	v0 =	vadd.s32 s24, v40;
	v38 =	vld.idx.msk [tilespmem:v4+s13+$0x0], $0xffff  }
0x2b0: {  	v4 =	vadd.s32 s24, v43;
	v42 =	vld.idx.msk [tilespmem:v5+s13+$0x0], $0xffff  }
0x2b1: {  	v5 =	vadd.s32 s24, v45;
	v45 =	vld.idx.msk [tilespmem:v3+s13+$0x0], $0xffff  }
0x2b2: {  	v3 =	vadd.s32 s24, v48;
	v40 =	vld.idx.msk [tilespmem:v2+s13+$0x0], $0xffff  }
0x2b3: {  	v2 =	vadd.s32 s24, v44;
	v44 =	vld.idx.msk [tilespmem:v1+s13+$0x0], $0xffff  }
0x2b4: {  	v1 =	vadd.s32 s24, v47;
	v43 =	vld.idx.msk [tilespmem:v0+s13+$0x0], $0xffff  }
0x2b5: {  	v0 =	vadd.s32 s24, v46;
	v46 =	vld.idx.msk [tilespmem:v4+s13+$0x0], $0xffff  }
0x2b6: {  	v4 =	vadd.s32 s24, v49;
	v48 =	vld.idx.msk [tilespmem:v5+s13+$0x0], $0xffff  }
0x2b7: {  	v5 =	vadd.s32 s24, v51;
	v51 =	vld.idx.msk [tilespmem:v3+s13+$0x0], $0xffff  }
0x2b8: {  	v47 =	vld.idx.msk [tilespmem:v2+s13+$0x0], $0xffff;
	v2 =	vadd.s32 s24, v50  }
0x2b9: {  	v50 =	vld.idx.msk [tilespmem:v1+s13+$0x0], $0xffff;
	v1 =	vadd.s32 s24, v53  }
0x2ba: {  	p0 =	sne.s32 s24, $0xEFB0;
	v49 =	vld.idx.msk [tilespmem:v0+s13+$0x0], $0xffff;
	v0 =	vadd.s32 s24, v52  }
.Ltmp0:
0x2bb: {  	v52 =	vld.idx.msk [tilespmem:v4+s13+$0x0], $0xffff;
	(pc) =	sbr.rel @p0 .LBB2_3-.Ltmp0, $4  }
0x2bc: {  	v57 =	vadd.s32 s24, v54;
	v54 =	vld.idx.msk [tilespmem:v5+s13+$0x0], $0xffff  }
0x2bd: {  	v53 =	vld.idx.msk [tilespmem:v2+s13+$0x0], $0xffff  }
0x2be: {  	s21 =	smov.u32 s24;
	v61 =	vadd.s32 s24, v56;
	v56 =	vld.idx.msk [tilespmem:v1+s13+$0x0], $0xffff  }
0x2bf: {  	v59 =	vadd.s32 s21, v59;
	v39 =	vadd.s32 s24, v55;
	s24 =	sadd.s32 $0x410, s24;
	v55 =	vld.idx.msk [tilespmem:v0+s13+$0x0], $0xffff  }
0x2c0: {  	_ =	sdelay $0x2  }
0x2c1: {  	v0 =	vld [tilespmem:$0x1FC10]  }
0x2c2: {  	v1 =	vld.idx.msk [tilespmem:v57+s13+$0x0], $0xffff  }
0x2c3: {  	v3 =	vld.idx.msk [tilespmem:v39+s13+$0x0], $0xffff  }
0x2c4: {  	v41 =	vmul.u32 $0x41, v41;
	v17 =	vld [tilespmem:$0x1FFE0]  }
0x2c5: {  	v4 =	vld.idx.msk [tilespmem:v61+s13+$0x0], $0xffff;
	v39 =	vmul.u32 $0x41, v58  }
0x2c6: {  	v61 =	vld [tilespmem:$0x1FFF0]  }
0x2c7: {  	v2 =	vld [tilespmem:$0x1FC00];
	v9 =	vadd.s32 $0x1, v41  }
0x2c8: {  	v6 =	vld.idx.msk [tilespmem:v60+s13+$0x0], $0xffff;
	v10 =	vadd.s32 $0x1, v39  }
0x2c9: {  	v8 =	vld.idx.msk [tilespmem:v59+s13+$0x0], $0xffff;
	v7 =	vadd.s32 s21, v17  }
0x2ca: {  	v11 =	vadd.s32 $0x2, v41;
	v12 =	vld.idx.msk [tilespmem:v41+s2+$0x0], $0xffff  }
0x2cb: {  	v5 =	vadd.s32 s21, v61;
	v14 =	vld.idx.msk [tilespmem:v39+s2+$0x0], $0xffff  }
0x2cc: {  	v13 =	vadd.s32 $0x2, v39;
	v9 =	vld.idx.msk [tilespmem:v9+s2+$0x0], $0xffff  }
0x2cd: {  	v2 =	vadd.s32 s21, v2;
	v10 =	vld.idx.msk [tilespmem:v10+s2+$0x0], $0xffff  }
0x2ce: {  	v0 =	vadd.s32 s21, v0;
	v7 =	vld.idx.msk [tilespmem:v7+s13+$0x0], $0xffff  }
0x2cf: {  	v15 =	vadd.s32 $0x3, v41;
	v11 =	vld.idx.msk [tilespmem:v11+s2+$0x0], $0xffff  }
0x2d0: {  	v16 =	vadd.s32 $0x3, v39;
	v5 =	vld.idx.msk [tilespmem:v5+s13+$0x0], $0xffff  }
0x2d1: {  	v57 =	vadd.s32 $0x4, v41;
	v13 =	vld.idx.msk [tilespmem:v13+s2+$0x0], $0xffff  }
0x2d2: {  	v58 =	vadd.s32 $0x4, v39;
	v2 =	vld.idx.msk [tilespmem:v2+s13+$0x0], $0xffff  }
0x2d3: {  	v59 =	vadd.s32 $0x5, v41;
	v0 =	vld.idx.msk [tilespmem:v0+s13+$0x0], $0xffff;
	v12 =	vmul.f32 v12, v7  }
0x2d4: {  	v7 =	vmul.f32 v14, v7;
	v14 =	vld.idx.msk [tilespmem:v15+s2+$0x0], $0xffff;
	v15 =	vadd.s32 $0x5, v39  }
0x2d5: {  	v60 =	vadd.s32 $0x6, v41;
	v16 =	vld.idx.msk [tilespmem:v16+s2+$0x0], $0xffff;
	v9 =	vmul.f32 v9, v5;
	v12 =	vadd.f32 $0.0e+00, v12  }
0x2d6: {  	v5 =	vmul.f32 v10, v5;
	v10 =	vld.idx.msk [tilespmem:v57+s2+$0x0], $0xffff;
	v57 =	vadd.s32 $0x6, v39;
	v7 =	vadd.f32 $0.0e+00, v7  }
0x2d7: {  	v11 =	vmul.f32 v11, v2;
	v9 =	vadd.f32 v9, v12;
	v12 =	vld.idx.msk [tilespmem:v58+s2+$0x0], $0xffff;
	v58 =	vadd.s32 $0x7, v41  }
0x2d8: {  	v2 =	vmul.f32 v13, v2;
	v13 =	vadd.s32 $0x7, v39;
	v5 =	vadd.f32 v5, v7;
	v7 =	vld.idx.msk [tilespmem:v59+s2+$0x0], $0xffff  }
0x2d9: {  	v14 =	vmul.f32 v14, v0;
	v9 =	vadd.f32 v11, v9;
	v11 =	vld.idx.msk [tilespmem:v15+s2+$0x0], $0xffff;
	v15 =	vadd.s32 $0x8, v41  }
0x2da: {  	v0 =	vmul.f32 v16, v0;
	v16 =	vadd.s32 $0x8, v39;
	v2 =	vadd.f32 v2, v5;
	v5 =	vld.idx.msk [tilespmem:v60+s2+$0x0], $0xffff  }
0x2db: {  	v10 =	vmul.f32 v10, v8;
	v60 =	vadd.s32 $0x9, v41;
	v9 =	vadd.f32 v14, v9;
	v14 =	vld.idx.msk [tilespmem:v57+s2+$0x0], $0xffff  }
0x2dc: {  	v0 =	vadd.f32 v0, v2;
	v2 =	vmul.f32 v12, v8;
	v8 =	vld.idx.msk [tilespmem:v58+s2+$0x0], $0xffff;
	v12 =	vadd.s32 $0x9, v39  }
0x2dd: {  	v7 =	vmul.f32 v7, v6;
	v9 =	vadd.f32 v10, v9;
	v10 =	vld.idx.msk [tilespmem:v13+s2+$0x0], $0xffff;
	v13 =	vadd.s32 $0xA, v41  }
0x2de: {  	v0 =	vadd.f32 v2, v0;
	v2 =	vmul.f32 v11, v6;
	v6 =	vld.idx.msk [tilespmem:v15+s2+$0x0], $0xffff;
	v11 =	vadd.s32 $0xA, v39  }
0x2df: {  	v5 =	vmul.f32 v5, v4;
	v15 =	vadd.s32 $0xB, v41;
	v7 =	vadd.f32 v7, v9;
	v9 =	vld.idx.msk [tilespmem:v16+s2+$0x0], $0xffff  }
0x2e0: {  	v0 =	vadd.f32 v2, v0;
	v2 =	vmul.f32 v14, v4;
	v4 =	vld.idx.msk [tilespmem:v60+s2+$0x0], $0xffff;
	v14 =	vadd.s32 $0xB, v39  }
0x2e1: {  	v5 =	vadd.f32 v5, v7;
	v7 =	vld.idx.msk [tilespmem:v12+s2+$0x0], $0xffff;
	v8 =	vmul.f32 v8, v3;
	v12 =	vadd.s32 $0xC, v41  }
0x2e2: {  	v0 =	vadd.f32 v2, v0;
	v2 =	vmul.f32 v10, v3;
	v3 =	vld.idx.msk [tilespmem:v13+s2+$0x0], $0xffff;
	v10 =	vadd.s32 $0xC, v39  }
0x2e3: {  	v5 =	vadd.f32 v8, v5;
	v8 =	vld.idx.msk [tilespmem:v11+s2+$0x0], $0xffff;
	v6 =	vmul.f32 v6, v1;
	v11 =	vadd.s32 $0xD, v41  }
0x2e4: {  	v0 =	vadd.f32 v2, v0;
	v1 =	vmul.f32 v9, v1;
	v2 =	vld.idx.msk [tilespmem:v15+s2+$0x0], $0xffff;
	v9 =	vadd.s32 $0xD, v39  }
0x2e5: {  	v13 =	vadd.s32 $0xE, v41;
	v5 =	vadd.f32 v6, v5;
	v6 =	vld.idx.msk [tilespmem:v14+s2+$0x0], $0xffff;
	v4 =	vmul.f32 v4, v56  }
0x2e6: {  	v0 =	vadd.f32 v1, v0;
	v1 =	vmul.f32 v7, v56;
	v7 =	vld.idx.msk [tilespmem:v12+s2+$0x0], $0xffff;
	v12 =	vadd.s32 $0xE, v39  }
0x2e7: {  	v4 =	vadd.f32 v4, v5;
	v5 =	vld.idx.msk [tilespmem:v10+s2+$0x0], $0xffff;
	v3 =	vmul.f32 v3, v55;
	v10 =	vadd.s32 $0xF, v41  }
0x2e8: {  	v0 =	vadd.f32 v1, v0;
	v1 =	vmul.f32 v8, v55;
	v8 =	vld.idx.msk [tilespmem:v11+s2+$0x0], $0xffff;
	v11 =	vadd.s32 $0xF, v39  }
0x2e9: {  	v3 =	vadd.f32 v3, v4;
	v4 =	vld.idx.msk [tilespmem:v9+s2+$0x0], $0xffff;
	v2 =	vmul.f32 v2, v54;
	v9 =	vadd.s32 $0x10, v41  }
0x2ea: {  	v0 =	vadd.f32 v1, v0;
	v1 =	vmul.f32 v6, v54;
	v6 =	vld.idx.msk [tilespmem:v13+s2+$0x0], $0xffff;
	v13 =	vadd.s32 $0x10, v39  }
0x2eb: {  	v2 =	vadd.f32 v2, v3;
	v3 =	vld.idx.msk [tilespmem:v12+s2+$0x0], $0xffff;
	v7 =	vmul.f32 v7, v53;
	v12 =	vadd.s32 $0x11, v41  }
0x2ec: {  	v0 =	vadd.f32 v1, v0;
	v1 =	vmul.f32 v5, v53;
	v5 =	vld.idx.msk [tilespmem:v10+s2+$0x0], $0xffff;
	v10 =	vadd.s32 $0x11, v39  }
0x2ed: {  	v2 =	vadd.f32 v7, v2;
	v7 =	vld.idx.msk [tilespmem:v11+s2+$0x0], $0xffff;
	v8 =	vmul.f32 v8, v52;
	v11 =	vadd.s32 $0x12, v41  }
0x2ee: {  	v0 =	vadd.f32 v1, v0;
	v1 =	vmul.f32 v4, v52;
	v4 =	vld.idx.msk [tilespmem:v9+s2+$0x0], $0xffff;
	v9 =	vadd.s32 $0x12, v39  }
0x2ef: {  	v2 =	vadd.f32 v8, v2;
	v8 =	vld.idx.msk [tilespmem:v13+s2+$0x0], $0xffff;
	v6 =	vmul.f32 v6, v51;
	v13 =	vadd.s32 $0x13, v41  }
0x2f0: {  	v0 =	vadd.f32 v1, v0;
	v1 =	vmul.f32 v3, v51;
	v3 =	vld.idx.msk [tilespmem:v12+s2+$0x0], $0xffff;
	v12 =	vadd.s32 $0x13, v39  }
0x2f1: {  	v2 =	vadd.f32 v6, v2;
	v6 =	vld.idx.msk [tilespmem:v10+s2+$0x0], $0xffff;
	v5 =	vmul.f32 v5, v50;
	v10 =	vadd.s32 $0x14, v41  }
0x2f2: {  	v0 =	vadd.f32 v1, v0;
	v1 =	vld.idx.msk [tilespmem:v11+s2+$0x0], $0xffff;
	v7 =	vmul.f32 v7, v50;
	v11 =	vadd.s32 $0x14, v39  }
0x2f3: {  	v2 =	vadd.f32 v5, v2;
	v5 =	vadd.s32 $0x15, v41;
	v9 =	vld.idx.msk [tilespmem:v9+s2+$0x0], $0xffff;
	v4 =	vmul.f32 v4, v49  }
0x2f4: {  	v0 =	vadd.f32 v7, v0;
	v7 =	vld.idx.msk [tilespmem:v13+s2+$0x0], $0xffff;
	v8 =	vmul.f32 v8, v49;
	v13 =	vadd.s32 $0x15, v39  }
0x2f5: {  	v2 =	vadd.f32 v4, v2;
	v4 =	vadd.s32 $0x16, v41;
	v12 =	vld.idx.msk [tilespmem:v12+s2+$0x0], $0xffff;
	v3 =	vmul.f32 v3, v48  }
0x2f6: {  	v0 =	vadd.f32 v8, v0;
	v8 =	vld.idx.msk [tilespmem:v10+s2+$0x0], $0xffff;
	v6 =	vmul.f32 v6, v48;
	v10 =	vadd.s32 $0x16, v39  }
0x2f7: {  	v2 =	vadd.f32 v3, v2;
	v3 =	vadd.s32 $0x17, v41;
	v11 =	vld.idx.msk [tilespmem:v11+s2+$0x0], $0xffff;
	v1 =	vmul.f32 v1, v47  }
0x2f8: {  	v0 =	vadd.f32 v6, v0;
	v5 =	vld.idx.msk [tilespmem:v5+s2+$0x0], $0xffff;
	v6 =	vmul.f32 v9, v47;
	v9 =	vadd.s32 $0x17, v39  }
0x2f9: {  	v1 =	vadd.f32 v1, v2;
	v2 =	vadd.s32 $0x18, v41;
	v13 =	vld.idx.msk [tilespmem:v13+s2+$0x0], $0xffff;
	v7 =	vmul.f32 v7, v46  }
0x2fa: {  	v0 =	vadd.f32 v6, v0;
	v4 =	vld.idx.msk [tilespmem:v4+s2+$0x0], $0xffff;
	v6 =	vmul.f32 v12, v46;
	v12 =	vadd.s32 $0x18, v39  }
0x2fb: {  	v1 =	vadd.f32 v7, v1;
	v7 =	vadd.s32 $0x19, v41;
	v10 =	vld.idx.msk [tilespmem:v10+s2+$0x0], $0xffff;
	v8 =	vmul.f32 v8, v45  }
0x2fc: {  	v0 =	vadd.f32 v6, v0;
	v3 =	vld.idx.msk [tilespmem:v3+s2+$0x0], $0xffff;
	v6 =	vmul.f32 v11, v45;
	v11 =	vadd.s32 $0x19, v39  }
0x2fd: {  	v1 =	vadd.f32 v8, v1;
	v8 =	vadd.s32 $0x1A, v41;
	v9 =	vld.idx.msk [tilespmem:v9+s2+$0x0], $0xffff;
	v5 =	vmul.f32 v5, v44  }
0x2fe: {  	v0 =	vadd.f32 v6, v0;
	v2 =	vld.idx.msk [tilespmem:v2+s2+$0x0], $0xffff;
	v6 =	vmul.f32 v13, v44;
	v13 =	vadd.s32 $0x1A, v39  }
0x2ff: {  	v1 =	vadd.f32 v5, v1;
	v5 =	vadd.s32 $0x1B, v41;
	v12 =	vld.idx.msk [tilespmem:v12+s2+$0x0], $0xffff;
	v4 =	vmul.f32 v4, v43  }
0x300: {  	v0 =	vadd.f32 v6, v0;
	v6 =	vld.idx.msk [tilespmem:v7+s2+$0x0], $0xffff;
	v7 =	vmul.f32 v10, v43;
	v10 =	vadd.s32 $0x1B, v39  }
0x301: {  	v1 =	vadd.f32 v4, v1;
	v4 =	vadd.s32 $0x1C, v41;
	v11 =	vld.idx.msk [tilespmem:v11+s2+$0x0], $0xffff;
	v3 =	vmul.f32 v3, v42  }
0x302: {  	v0 =	vadd.f32 v7, v0;
	v7 =	vld.idx.msk [tilespmem:v8+s2+$0x0], $0xffff;
	v8 =	vmul.f32 v9, v42;
	v9 =	vadd.s32 $0x1C, v39  }
0x303: {  	v1 =	vadd.f32 v3, v1;
	v3 =	vadd.s32 $0x1D, v41;
	v13 =	vld.idx.msk [tilespmem:v13+s2+$0x0], $0xffff;
	v2 =	vmul.f32 v2, v40  }
0x304: {  	v0 =	vadd.f32 v8, v0;
	v5 =	vld.idx.msk [tilespmem:v5+s2+$0x0], $0xffff;
	v8 =	vmul.f32 v12, v40;
	v12 =	vadd.s32 $0x1D, v39  }
0x305: {  	v1 =	vadd.f32 v2, v1;
	v2 =	vadd.s32 $0x1E, v41;
	v10 =	vld.idx.msk [tilespmem:v10+s2+$0x0], $0xffff;
	v6 =	vmul.f32 v6, v38  }
0x306: {  	v0 =	vadd.f32 v8, v0;
	v4 =	vld.idx.msk [tilespmem:v4+s2+$0x0], $0xffff;
	v8 =	vmul.f32 v11, v38;
	v11 =	vadd.s32 $0x1E, v39  }
0x307: {  	v1 =	vadd.f32 v6, v1;
	v6 =	vadd.s32 $0x1F, v41;
	v9 =	vld.idx.msk [tilespmem:v9+s2+$0x0], $0xffff;
	v7 =	vmul.f32 v7, v37  }
0x308: {  	v0 =	vadd.f32 v8, v0;
	v3 =	vld.idx.msk [tilespmem:v3+s2+$0x0], $0xffff;
	v8 =	vmul.f32 v13, v37;
	v13 =	vadd.s32 $0x1F, v39  }
0x309: {  	v1 =	vadd.f32 v7, v1;
	v7 =	vadd.s32 $0x20, v41;
	v12 =	vld.idx.msk [tilespmem:v12+s2+$0x0], $0xffff;
	v5 =	vmul.f32 v5, v36  }
0x30a: {  	v0 =	vadd.f32 v8, v0;
	v2 =	vld.idx.msk [tilespmem:v2+s2+$0x0], $0xffff;
	v8 =	vmul.f32 v10, v36;
	v10 =	vadd.s32 $0x20, v39  }
0x30b: {  	v1 =	vadd.f32 v5, v1;
	v5 =	vadd.s32 $0x21, v41;
	v11 =	vld.idx.msk [tilespmem:v11+s2+$0x0], $0xffff;
	v4 =	vmul.f32 v4, v35  }
0x30c: {  	v0 =	vadd.f32 v8, v0;
	v6 =	vld.idx.msk [tilespmem:v6+s2+$0x0], $0xffff;
	v8 =	vmul.f32 v9, v35;
	v9 =	vadd.s32 $0x21, v39  }
0x30d: {  	v1 =	vadd.f32 v4, v1;
	v4 =	vadd.s32 $0x22, v41;
	v13 =	vld.idx.msk [tilespmem:v13+s2+$0x0], $0xffff;
	v3 =	vmul.f32 v3, v34  }
0x30e: {  	v0 =	vadd.f32 v8, v0;
	v7 =	vld.idx.msk [tilespmem:v7+s2+$0x0], $0xffff;
	v8 =	vmul.f32 v12, v34;
	v12 =	vadd.s32 $0x22, v39  }
0x30f: {  	v1 =	vadd.f32 v3, v1;
	v3 =	vadd.s32 $0x23, v41;
	v10 =	vld.idx.msk [tilespmem:v10+s2+$0x0], $0xffff;
	v2 =	vmul.f32 v2, v33  }
0x310: {  	v0 =	vadd.f32 v8, v0;
	v5 =	vld.idx.msk [tilespmem:v5+s2+$0x0], $0xffff;
	v8 =	vmul.f32 v11, v33;
	v11 =	vadd.s32 $0x23, v39  }
0x311: {  	v1 =	vadd.f32 v2, v1;
	v2 =	vadd.s32 $0x24, v41;
	v9 =	vld.idx.msk [tilespmem:v9+s2+$0x0], $0xffff;
	v6 =	vmul.f32 v6, v32  }
0x312: {  	v0 =	vadd.f32 v8, v0;
	v4 =	vld.idx.msk [tilespmem:v4+s2+$0x0], $0xffff;
	v8 =	vmul.f32 v13, v32;
	v13 =	vadd.s32 $0x24, v39  }
0x313: {  	v1 =	vadd.f32 v6, v1;
	v6 =	vadd.s32 $0x25, v41;
	v12 =	vld.idx.msk [tilespmem:v12+s2+$0x0], $0xffff;
	v7 =	vmul.f32 v7, v31  }
0x314: {  	v0 =	vadd.f32 v8, v0;
	v3 =	vld.idx.msk [tilespmem:v3+s2+$0x0], $0xffff;
	v8 =	vmul.f32 v10, v31;
	v10 =	vadd.s32 $0x25, v39  }
0x315: {  	v1 =	vadd.f32 v7, v1;
	v7 =	vadd.s32 $0x26, v41;
	v11 =	vld.idx.msk [tilespmem:v11+s2+$0x0], $0xffff;
	v5 =	vmul.f32 v5, v30  }
0x316: {  	v0 =	vadd.f32 v8, v0;
	v2 =	vld.idx.msk [tilespmem:v2+s2+$0x0], $0xffff;
	v8 =	vmul.f32 v9, v30;
	v9 =	vadd.s32 $0x26, v39  }
0x317: {  	v1 =	vadd.f32 v5, v1;
	v5 =	vadd.s32 $0x27, v41;
	v13 =	vld.idx.msk [tilespmem:v13+s2+$0x0], $0xffff;
	v4 =	vmul.f32 v4, v29  }
0x318: {  	v0 =	vadd.f32 v8, v0;
	v6 =	vld.idx.msk [tilespmem:v6+s2+$0x0], $0xffff;
	v8 =	vmul.f32 v12, v29;
	v12 =	vadd.s32 $0x27, v39  }
0x319: {  	v1 =	vadd.f32 v4, v1;
	v4 =	vadd.s32 $0x28, v41;
	v10 =	vld.idx.msk [tilespmem:v10+s2+$0x0], $0xffff;
	v3 =	vmul.f32 v3, v28  }
0x31a: {  	v0 =	vadd.f32 v8, v0;
	v7 =	vld.idx.msk [tilespmem:v7+s2+$0x0], $0xffff;
	v8 =	vmul.f32 v11, v28;
	v11 =	vadd.s32 $0x28, v39  }
0x31b: {  	v1 =	vadd.f32 v3, v1;
	v9 =	vld.idx.msk [tilespmem:v9+s2+$0x0], $0xffff;
	v2 =	vmul.f32 v2, v27  }
0x31c: {  	v0 =	vadd.f32 v8, v0;
	v5 =	vld.idx.msk [tilespmem:v5+s2+$0x0], $0xffff;
	v8 =	vmul.f32 v13, v27;
	v13 =	vadd.s32 $0x29, v39  }
0x31d: {  	v3 =	vadd.s32 $0x29, v41;
	v1 =	vadd.f32 v2, v1;
	v12 =	vld.idx.msk [tilespmem:v12+s2+$0x0], $0xffff;
	v6 =	vmul.f32 v6, v26  }
0x31e: {  	v0 =	vadd.f32 v8, v0;
	v4 =	vld.idx.msk [tilespmem:v4+s2+$0x0], $0xffff;
	v8 =	vmul.f32 v10, v26;
	v10 =	vadd.s32 $0x2A, v39  }
0x31f: {  	v1 =	vadd.f32 v6, v1;
	v11 =	vld.idx.msk [tilespmem:v11+s2+$0x0], $0xffff;
	v7 =	vmul.f32 v7, v25  }
0x320: {  	v0 =	vadd.f32 v8, v0;
	v8 =	vmul.f32 v9, v25;
	v9 =	vadd.s32 $0x2B, v39  }
0x321: {  	v2 =	vadd.s32 $0x2A, v41;
	v1 =	vadd.f32 v7, v1;
	v13 =	vld.idx.msk [tilespmem:v13+s2+$0x0], $0xffff;
	v5 =	vmul.f32 v5, v24  }
0x322: {  	v3 =	vld.idx.msk [tilespmem:v3+s2+$0x0], $0xffff;
	v0 =	vadd.f32 v8, v0;
	v8 =	vmul.f32 v12, v24;
	v12 =	vadd.s32 $0x2C, v39  }
0x323: {  	v1 =	vadd.f32 v5, v1;
	v10 =	vld.idx.msk [tilespmem:v10+s2+$0x0], $0xffff;
	v4 =	vmul.f32 v4, v23  }
0x324: {  	v0 =	vadd.f32 v8, v0;
	v8 =	vmul.f32 v11, v23;
	v11 =	vadd.s32 $0x2D, v39  }
0x325: {  	v1 =	vadd.f32 v4, v1;
	v4 =	vadd.s32 $0x2E, v41;
	v9 =	vld.idx.msk [tilespmem:v9+s2+$0x0], $0xffff  }
0x326: {  	v2 =	vld.idx.msk [tilespmem:v2+s2+$0x0], $0xffff;
	v0 =	vadd.f32 v8, v0;
	v8 =	vmul.f32 v13, v22;
	v13 =	vadd.s32 $0x2E, v39  }
0x327: {  	v6 =	vadd.s32 $0x2B, v41;
	v3 =	vmul.f32 v3, v22;
	v12 =	vld.idx.msk [tilespmem:v12+s2+$0x0], $0xffff  }
0x328: {  	v14 =	vld [tilespmem:$0x1FBF0];
	v0 =	vadd.f32 v8, v0;
	v8 =	vmul.f32 v10, v21  }
0x329: {  	v1 =	vadd.f32 v3, v1;
	v3 =	vadd.s32 $0x2F, v41;
	v11 =	vld.idx.msk [tilespmem:v11+s2+$0x0], $0xffff  }
0x32a: {  	v10 =	vadd.s32 $0x2F, v39;
	v0 =	vadd.f32 v8, v0;
	v4 =	vld.idx.msk [tilespmem:v4+s2+$0x0], $0xffff;
	v8 =	vmul.f32 v9, v20  }
0x32b: {  	v2 =	vmul.f32 v2, v21;
	v13 =	vld.idx.msk [tilespmem:v13+s2+$0x0], $0xffff  }
0x32c: {  	v7 =	vadd.s32 $0x2C, v41;
	v6 =	vld.idx.msk [tilespmem:v6+s2+$0x0], $0xffff;
	v0 =	vadd.f32 v8, v0;
	v8 =	vmul.f32 v12, v19  }
0x32d: {  	v1 =	vadd.f32 v2, v1  }
0x32e: {  	v2 =	vadd.s32 $0x30, v41;
	v3 =	vld.idx.msk [tilespmem:v3+s2+$0x0], $0xffff;
	v0 =	vadd.f32 v8, v0;
	v8 =	vmul.f32 v11, v18  }
0x32f: {  	v9 =	vadd.s32 $0x30, v39;
	v10 =	vld.idx.msk [tilespmem:v10+s2+$0x0], $0xffff  }
0x330: {  	v4 =	vmul.f32 v4, v14;
	v0 =	vadd.f32 v8, v0;
	v8 =	vmul.f32 v13, v14;
	v14 =	vld [tilespmem:$0x1FBE0]  }
0x331: {  	v5 =	vadd.s32 $0x2D, v41;
	v7 =	vld.idx.msk [tilespmem:v7+s2+$0x0], $0xffff;
	v6 =	vmul.f32 v6, v20;
	_ =	sdelay $0x1  }
0x332: {  	v1 =	vadd.f32 v6, v1;
	v6 =	vadd.s32 $0x31, v41;
	v2 =	vld.idx.msk [tilespmem:v2+s2+$0x0], $0xffff  }
0x333: {  	v12 =	vadd.s32 $0x31, v39;
	v9 =	vld.idx.msk [tilespmem:v9+s2+$0x0], $0xffff  }
0x334: {  	v0 =	vadd.f32 v8, v0;
	v3 =	vmul.f32 v3, v14;
	v8 =	vmul.f32 v10, v14;
	v14 =	vld [tilespmem:$0x1FBD0]  }
0x335: {  	v5 =	vld.idx.msk [tilespmem:v5+s2+$0x0], $0xffff;
	v7 =	vmul.f32 v7, v19;
	_ =	sdelay $0x1  }
0x336: {  	v1 =	vadd.f32 v7, v1;
	v7 =	vadd.s32 $0x32, v41;
	v6 =	vld.idx.msk [tilespmem:v6+s2+$0x0], $0xffff  }
0x337: {  	v11 =	vadd.s32 $0x32, v39;
	v12 =	vld.idx.msk [tilespmem:v12+s2+$0x0], $0xffff  }
0x338: {  	v0 =	vadd.f32 v8, v0;
	v2 =	vmul.f32 v2, v14;
	v8 =	vmul.f32 v9, v14;
	v14 =	vld [tilespmem:$0x1FBC0]  }
0x339: {  	v5 =	vmul.f32 v5, v18;
	_ =	sdelay $0x1  }
0x33a: {  	v1 =	vadd.f32 v5, v1;
	v5 =	vadd.s32 $0x33, v41;
	v7 =	vld.idx.msk [tilespmem:v7+s2+$0x0], $0xffff  }
0x33b: {  	v13 =	vadd.s32 $0x33, v39;
	v11 =	vld.idx.msk [tilespmem:v11+s2+$0x0], $0xffff  }
0x33c: {  	v0 =	vadd.f32 v8, v0;
	v6 =	vmul.f32 v6, v14;
	v8 =	vmul.f32 v12, v14;
	v14 =	vld [tilespmem:$0x1FBB0];
	_ =	sdelay $0x2  }
0x33d: {  	v1 =	vadd.f32 v4, v1;
	v4 =	vadd.s32 $0x34, v41;
	v5 =	vld.idx.msk [tilespmem:v5+s2+$0x0], $0xffff  }
0x33e: {  	v10 =	vadd.s32 $0x34, v39;
	v13 =	vld.idx.msk [tilespmem:v13+s2+$0x0], $0xffff  }
0x33f: {  	v0 =	vadd.f32 v8, v0;
	v7 =	vmul.f32 v7, v14;
	v8 =	vmul.f32 v11, v14;
	v14 =	vld [tilespmem:$0x1FBA0];
	_ =	sdelay $0x2  }
0x340: {  	v4 =	vld.idx.msk [tilespmem:v4+s2+$0x0], $0xffff;
	v1 =	vadd.f32 v3, v1;
	v3 =	vadd.s32 $0x35, v41  }
0x341: {  	v9 =	vadd.s32 $0x35, v39;
	v10 =	vld.idx.msk [tilespmem:v10+s2+$0x0], $0xffff  }
0x342: {  	v0 =	vadd.f32 v8, v0;
	v5 =	vmul.f32 v5, v14;
	v8 =	vmul.f32 v13, v14;
	v14 =	vld [tilespmem:$0x1FB90];
	_ =	sdelay $0x2  }
0x343: {  	v1 =	vadd.f32 v2, v1;
	v2 =	vadd.s32 $0x36, v41;
	v3 =	vld.idx.msk [tilespmem:v3+s2+$0x0], $0xffff  }
0x344: {  	v12 =	vadd.s32 $0x36, v39;
	v9 =	vld.idx.msk [tilespmem:v9+s2+$0x0], $0xffff  }
0x345: {  	v0 =	vadd.f32 v8, v0;
	v4 =	vmul.f32 v4, v14;
	v8 =	vmul.f32 v10, v14;
	v14 =	vld [tilespmem:$0x1FB80];
	_ =	sdelay $0x2  }
0x346: {  	v1 =	vadd.f32 v6, v1;
	v6 =	vadd.s32 $0x37, v41;
	v2 =	vld.idx.msk [tilespmem:v2+s2+$0x0], $0xffff  }
0x347: {  	v11 =	vadd.s32 $0x37, v39;
	v12 =	vld.idx.msk [tilespmem:v12+s2+$0x0], $0xffff  }
0x348: {  	v0 =	vadd.f32 v8, v0;
	v3 =	vmul.f32 v3, v14;
	v8 =	vmul.f32 v9, v14;
	v14 =	vld [tilespmem:$0x1FB70];
	_ =	sdelay $0x2  }
0x349: {  	v1 =	vadd.f32 v7, v1;
	v7 =	vadd.s32 $0x38, v41;
	v6 =	vld.idx.msk [tilespmem:v6+s2+$0x0], $0xffff  }
0x34a: {  	v13 =	vadd.s32 $0x38, v39;
	v11 =	vld.idx.msk [tilespmem:v11+s2+$0x0], $0xffff  }
0x34b: {  	v0 =	vadd.f32 v8, v0;
	v2 =	vmul.f32 v2, v14;
	v8 =	vmul.f32 v12, v14;
	v14 =	vld [tilespmem:$0x1FB60];
	_ =	sdelay $0x2  }
0x34c: {  	v1 =	vadd.f32 v5, v1;
	v5 =	vadd.s32 $0x39, v41;
	v7 =	vld.idx.msk [tilespmem:v7+s2+$0x0], $0xffff  }
0x34d: {  	v10 =	vadd.s32 $0x39, v39;
	v13 =	vld.idx.msk [tilespmem:v13+s2+$0x0], $0xffff  }
0x34e: {  	v0 =	vadd.f32 v8, v0;
	v6 =	vmul.f32 v6, v14;
	v8 =	vmul.f32 v11, v14;
	v14 =	vld [tilespmem:$0x1FB50];
	_ =	sdelay $0x2  }
0x34f: {  	v5 =	vld.idx.msk [tilespmem:v5+s2+$0x0], $0xffff  }
0x350: {  	v1 =	vadd.f32 v4, v1;
	v4 =	vadd.s32 $0x3A, v41;
	v10 =	vld.idx.msk [tilespmem:v10+s2+$0x0], $0xffff  }
0x351: {  	v0 =	vadd.f32 v8, v0;
	v7 =	vmul.f32 v7, v14;
	v8 =	vmul.f32 v13, v14;
	v14 =	vld [tilespmem:$0x1FB40];
	_ =	sdelay $0x1  }
0x352: {  	v1 =	vadd.f32 v3, v1;
	_ =	sdelay $0x1  }
0x353: {  	v4 =	vld.idx.msk [tilespmem:v4+s2+$0x0], $0xffff;
	v1 =	vadd.f32 v2, v1  }
0x354: {  	v0 =	vadd.f32 v8, v0;
	v5 =	vmul.f32 v5, v14;
	v8 =	vmul.f32 v10, v14;
	v14 =	vld [tilespmem:$0x1FB30]  }
0x355: {  	v3 =	vadd.s32 $0x3B, v41;
	v1 =	vadd.f32 v6, v1  }
0x356: {  	v13 =	vadd.s32 $0x3D, v39  }
0x357: {  	v1 =	vadd.f32 v7, v1;
	_ =	sdelay $0x1  }
0x358: {  	v1 =	vadd.f32 v5, v1;
	v4 =	vmul.f32 v4, v14  }
0x359: {  	v3 =	vld.idx.msk [tilespmem:v3+s2+$0x0], $0xffff  }
0x35a: {  	v1 =	vadd.f32 v4, v1;
	v4 =	vld.idx.msk [tilespmem:v13+s2+$0x0], $0xffff  }
0x35b: {  	v9 =	vadd.s32 $0x3A, v39;
	v13 =	vld [tilespmem:$0x1FB20]  }
0x35c: {  	v2 =	vadd.s32 $0x3C, v41  }
0x35d: {  	v10 =	vadd.s32 $0x3E, v39;
	_ =	sdelay $0x2  }
0x35e: {  	v9 =	vld.idx.msk [tilespmem:v9+s2+$0x0], $0xffff;
	v3 =	vmul.f32 v3, v13  }
0x35f: {  	v2 =	vld.idx.msk [tilespmem:v2+s2+$0x0], $0xffff  }
0x360: {  	v12 =	vadd.s32 $0x3B, v39;
	v1 =	vadd.f32 v3, v1;
	v3 =	vld.idx.msk [tilespmem:v10+s2+$0x0], $0xffff  }
0x361: {  	v11 =	vadd.s32 $0x3C, v39;
	v10 =	vld [tilespmem:$0x1FB10]  }
0x362: {  	v6 =	vadd.s32 $0x3D, v41  }
0x363: {  	v0 =	vadd.f32 v8, v0;
	v8 =	vmul.f32 v9, v14;
	v9 =	vadd.s32 $0x3F, v39;
	_ =	sdelay $0x1  }
0x364: {  	v12 =	vld.idx.msk [tilespmem:v12+s2+$0x0], $0xffff  }
0x365: {  	v11 =	vld.idx.msk [tilespmem:v11+s2+$0x0], $0xffff;
	v7 =	vadd.s32 $0x3E, v41;
	v2 =	vmul.f32 v2, v10  }
0x366: {  	v6 =	vld.idx.msk [tilespmem:v6+s2+$0x0], $0xffff  }
0x367: {  	v1 =	vadd.f32 v2, v1;
	v2 =	vld.idx.msk [tilespmem:v9+s2+$0x0], $0xffff  }
0x368: {  	v5 =	vadd.s32 $0x3F, v41;
	v9 =	vld [tilespmem:$0x1FB00];
	_ =	sdelay $0x1  }
0x369: {  	v7 =	vld.idx.msk [tilespmem:v7+s2+$0x0], $0xffff;
	v0 =	vadd.f32 v8, v0;
	v8 =	vmul.f32 v12, v13;
	_ =	sdelay $0x1  }
0x36a: {  	v0 =	vadd.f32 v8, v0;
	v8 =	vmul.f32 v11, v10  }
0x36b: {  	v5 =	vld.idx.msk [tilespmem:v5+s2+$0x0], $0xffff;
	v6 =	vmul.f32 v6, v9  }
0x36c: {  	v0 =	vadd.f32 v8, v0;
	v4 =	vmul.f32 v4, v9  }
0x36d: {  	s18 =	sadd.s32 $0x10, s18;
	v1 =	vadd.f32 v6, v1;
	v6 =	vmul.f32 v7, v63  }
0x36e: {  	s30 =	sadd.s32 $0x10, s19;
	v3 =	vmul.f32 v3, v63;
	v0 =	vadd.f32 v4, v0;
	v4 =	vld [tilespmem:s18+$0x0]  }
0x36f: {  	v1 =	vadd.f32 v6, v1;
	v6 =	vld [tilespmem:s30+$0x0]  }
0x370: {  	v2 =	vmul.f32 v2, v62;
	v0 =	vadd.f32 v3, v0;
	v3 =	vmul.f32 v5, v62;
	_ =	sdelay $0x1  }
0x371: {  	v1 =	vadd.f32 v3, v1;
	v0 =	vadd.f32 v2, v0;
	_ =	sdelay $0x1  }
0x372: {  	v1 =	vmul.f32 v1, v4;
	v0 =	vmul.f32 v0, v6;
	_ =	sdelay $0x1  }
0x373: {  	v0 =	vadd.f32 v0, v1  }
0x374: {  	s31 =	sadd.s32 $0x10, s20  }
0x375: {  	s17 =	sadd.s32 s1, s17;
	[tilespmem:s31+$0x0] =	vst v0  }
0x376: {  	[hbm4b:s17+s2] =	stream.linear.scatter [tilespmem:s14], [sflag:$0x1], $0x3C0, $0x38;
	[tilespmem:$0x18A00] =	vst v63  }
0x377: {  	_ =	swait.ge [sflag:s12], $0x3C0  }
0x378: {  	v62 =	vmov v61;
	v61 =	vld [tilespmem:$0x1FFD0]  }
0x379: {  	v59 =	vld [tilespmem:$0x1FFC0]  }
0x37a: {  	v58 =	vld [tilespmem:$0x1FFB0]  }
0x37b: {  	v56 =	vld [tilespmem:$0x1FF90]  }
0x37c: {  	v55 =	vld [tilespmem:$0x1FF80]  }
0x37d: {  	v57 =	vld [tilespmem:$0x1FFA0]  }
0x37e: {  	v50 =	vld [tilespmem:$0x1FF70]  }
0x37f: {  	v49 =	vld [tilespmem:$0x1FF60]  }
0x380: {  	v53 =	vld [tilespmem:$0x1FF40]  }
0x381: {  	v52 =	vld [tilespmem:$0x1FF30]  }
0x382: {  	v51 =	vld [tilespmem:$0x1FF20]  }
0x383: {  	v54 =	vld [tilespmem:$0x1FF50]  }
0x384: {  	v44 =	vld [tilespmem:$0x1FF10]  }
0x385: {  	v43 =	vld [tilespmem:$0x1FF00]  }
0x386: {  	v47 =	vld [tilespmem:$0x1FEE0]  }
0x387: {  	v46 =	vld [tilespmem:$0x1FED0]  }
0x388: {  	v45 =	vld [tilespmem:$0x1FEC0]  }
0x389: {  	v48 =	vld [tilespmem:$0x1FEF0]  }
0x38a: {  	v38 =	vld [tilespmem:$0x1FEB0]  }
0x38b: {  	v37 =	vld [tilespmem:$0x1FEA0]  }
0x38c: {  	v41 =	vld [tilespmem:$0x1FE80]  }
0x38d: {  	v40 =	vld [tilespmem:$0x1FE70]  }
0x38e: {  	v39 =	vld [tilespmem:$0x1FE60]  }
0x38f: {  	v42 =	vld [tilespmem:$0x1FE90]  }
0x390: {  	v32 =	vld [tilespmem:$0x1FE50]  }
0x391: {  	v31 =	vld [tilespmem:$0x1FE40]  }
0x392: {  	v35 =	vld [tilespmem:$0x1FE20]  }
0x393: {  	v34 =	vld [tilespmem:$0x1FE10]  }
0x394: {  	v33 =	vld [tilespmem:$0x1FE00]  }
0x395: {  	v36 =	vld [tilespmem:$0x1FE30]  }
0x396: {  	v26 =	vld [tilespmem:$0x1FDF0]  }
0x397: {  	v25 =	vld [tilespmem:$0x1FDE0]  }
0x398: {  	v29 =	vld [tilespmem:$0x1FDC0]  }
0x399: {  	v28 =	vld [tilespmem:$0x1FDB0]  }
0x39a: {  	v27 =	vld [tilespmem:$0x1FDA0]  }
0x39b: {  	v30 =	vld [tilespmem:$0x1FDD0]  }
0x39c: {  	v20 =	vld [tilespmem:$0x1FD90]  }
0x39d: {  	v19 =	vld [tilespmem:$0x1FD80]  }
0x39e: {  	v23 =	vld [tilespmem:$0x1FD70]  }
0x39f: {  	v22 =	vld [tilespmem:$0x1FD60]  }
0x3a0: {  	v21 =	vld [tilespmem:$0x1FD50]  }
0x3a1: {  	v18 =	vld [tilespmem:$0x1FD40]  }
0x3a2: {  	v60 =	vmov v17;
	v17 =	vld [tilespmem:$0x1FD30]  }
0x3a3: {  	v16 =	vld [tilespmem:$0x1FD20]  }
0x3a4: {  	v15 =	vld [tilespmem:$0x1FD10]  }
0x3a5: {  	v14 =	vld [tilespmem:$0x1FD00]  }
0x3a6: {  	v13 =	vld [tilespmem:$0x1FCF0]  }
0x3a7: {  	v12 =	vld [tilespmem:$0x1FCE0]  }
0x3a8: {  	v11 =	vld [tilespmem:$0x1FCD0]  }
0x3a9: {  	v10 =	vld [tilespmem:$0x1FCC0]  }
0x3aa: {  	v9 =	vld [tilespmem:$0x1FCB0]  }
0x3ab: {  	v8 =	vld [tilespmem:$0x1FCA0]  }
0x3ac: {  	v7 =	vld [tilespmem:$0x1FC90]  }
0x3ad: {  	s16 =	sadd.s32 $0x1, s16;
	v6 =	vld [tilespmem:$0x1FC80]  }
0x3ae: {  	p0 =	sne.s32 s16, $0x19;
	v5 =	vld [tilespmem:$0x1FC70]  }
.Ltmp1:
0x3af: {  	v4 =	vld [tilespmem:$0x1FC60];
	(pc) =	sbr.rel @p0 .LBB2_2-.Ltmp1, $4  }
0x3b0: {  	v3 =	vld [tilespmem:$0x1FC50]  }
0x3b1: {  	v2 =	vld [tilespmem:$0x1FC40]  }
0x3b2: {  	[sflag:s12] =	ssyncset.done $0x0;
	v1 =	vld [tilespmem:$0x1FC30]  }
0x3b3: {  	v63 =	vld [tilespmem:$0x1FC20];
	[sflag:s12] =	ssyncadd.s32 $0xFFFFFC40  }
0x3b4: {  	s15 =	sadd.s32 $0x1, s15  }
0x3b5: {  	p0 =	sne.s32 s15, s11  }
.Ltmp2:
0x3b6: {  	_ = 	snop;
	(pc) =	sbr.rel @p0 .LBB2_1-.Ltmp2, $1  }
0x3b7: {  	_ =	sdelay $0x3  }
0x3b8: {  	_ =	sfence.sel $0x180000  }
0x3b9: {  	[bflag:$0x0] =	sbarrier.arrive $0xFFFF  }
0x3ba: {  	p0 =	sne.s32 s6, $0x0;
	_ =	strace $0x90000047  }
0x3bb: {  	s0 =	sadd.s32 @!p0 $0x100000, s0;
	[bflag:$0x2] =	sbarrier.arrive $0xFFFF  }
0x3bc: {  	[sflag:s0] =	ssyncadd.tile.s32 @!p0 $0x1;
	_ =	shalt  }
.Lfunc_end2:
_tile_overlayer_lowered:
.L_overlay_start_2:
0x3bd: {  	(tag) =	ssettag $0x2  }
0x3be: {  	s0 =	rddreg [dreg:$0x0];
	s2 =	stileid.u32  }
0x3bf: {  	s1 =	rddreg [dreg:$0x1];
	p0 =	sne.s32 s2, $0x0  }
0x3c0: {  	s3 =	rddreg [dreg:$0x2];
	[bflag:$0x3] =	sbarrier.arrive $0xFFFF;
	s2 =	simm.s32 @!p0 $0x1C01  }
0x3c1: {  	[timem:s3], [sflag:s2] =	dma.local @!p0 [hbm:s0], s1  }
0x3c2: {  	s0 =	simm.s32 @!p0 $0x1  }
0x3c3: {  	_ =	swait.ge @!p0 [sflag:s0], s1  }
0x3c4: {  	s1 =	ssub.s32 @!p0 $0x0, s1;
	[sflag:s0] =	ssyncset.done @!p0 $0x0  }
0x3c5: {  	[sflag:s0] =	ssyncadd.s32 @!p0 s1  }
0x3c6: {  	[bflag:$0x3] =	sbarrier.arrive $0xFFFF  }
0x3c7: {  	_ =	shalt  }

</sc_bundles>
